<compile_context>
chip_gen: v7x
topology: tpu7x:2x2x1
jax: 0.10.2.dev20260603
libtpu: 0.0.44.dev20260713+nightly
codegen_flags: <defaults>
</compile_context>

<pallas_src>
import dataclasses

import jax
import jax.numpy as jnp
from jax import lax
from jax.experimental import pallas as pl
from jax.experimental.pallas import tpu as pltpu
from jax.experimental.pallas import tpu_sc as plsc

N = 10000
NP = 10240
C = 128
E = 320000
NSC = 2
NSUB = 16
NW = NSC * NSUB
EPT = E // NW
CH = 40
NCH = EPT // CH
RB = 512
RBE = 1024
NEG_SLOPE_CONST = 0.2


def _prolog_body(x_ref, w_ref, att_ref, xpb_ref, al_ref):
    xb = x_ref[...]
    xp = jnp.dot(xb, w_ref[...], preferred_element_type=jnp.float32)
    xpb_ref[...] = xp
    al_ref[...] = lax.dot_general(
        att_ref[...], xp, (((1,), (1,)), ((), ())),
        preferred_element_type=jnp.float32)


def _prolog(x_pad, W, att8):
    return pl.pallas_call(
        _prolog_body,
        grid=(NP // RB,),
        in_specs=[
            pl.BlockSpec((RB, C), lambda i: (i, 0)),
            pl.BlockSpec((C, C), lambda i: (0, 0)),
            pl.BlockSpec((8, C), lambda i: (0, 0)),
        ],
        out_specs=[
            pl.BlockSpec((RB, C), lambda i: (i, 0)),
            pl.BlockSpec((8, RB), lambda i: (0, i)),
        ],
        out_shape=[
            jax.ShapeDtypeStruct((NP, C), jnp.float32),
            jax.ShapeDtypeStruct((8, NP), jnp.float32),
        ],
    )(x_pad, W, att8)


NR = 10112
RPT = NR // NSUB


def _sc_a_body(al_hbm, ei_hbm,
               den_hbm, ex_hbm,
               as_v, ad_v, src_v, dst_v, ex_v, den_v):
    cid = lax.axis_index("c")
    sid = lax.axis_index("s")
    wid = cid * NSUB + sid

    pltpu.sync_copy(al_hbm.at[0], as_v)
    pltpu.sync_copy(al_hbm.at[1], ad_v)
    pltpu.sync_copy(ei_hbm.at[pl.ds(wid * EPT, EPT)], src_v)
    pltpu.sync_copy(ei_hbm.at[pl.ds(E + wid * EPT, EPT)], dst_v)

    zero16 = jnp.zeros((16,), jnp.float32)

    @pl.loop(0, NP, step=16)
    def _(i):
        den_v[pl.ds(i, 16)] = zero16

    @pl.loop(0, EPT, step=80)
    def _(i):
        es = []
        for u in range(5):
            s_idx = src_v[pl.ds(i + u * 16, 16)]
            d_idx = dst_v[pl.ds(i + u * 16, 16)]
            a = plsc.load_gather(as_v, [s_idx]) + plsc.load_gather(ad_v, [d_idx])
            a = jnp.maximum(a, a * NEG_SLOPE_CONST)
            es.append((jnp.exp(a), d_idx))
        for u in range(5):
            e, d_idx = es[u]
            ex_v[pl.ds(i + u * 16, 16)] = e
            plsc.addupdate_scatter(den_v, [d_idx], e)

    pltpu.sync_copy(den_v, den_hbm.at[wid])
    pltpu.sync_copy(ex_v, ex_hbm.at[pl.ds(wid * EPT, EPT)])


NB = 5


def _sc_b_body(xp_hbm, ei_hbm, ex_hbm,
               outp_hbm,
               src_sl, dst_sl, ex_sl, rows_l, sem_stl, sem_gl, sem_sl,
               out_sh):
    cid = lax.axis_index("c")
    sid = lax.axis_index("s")
    wid = cid * NSUB + sid
    base = wid * EPT

    def stage_start(j, b):
        off = base + j * CH
        pltpu.async_copy(ei_hbm.at[pl.ds(off, CH)], src_sl[b], sem_stl[b])
        pltpu.async_copy(ei_hbm.at[pl.ds(E + off, CH)], dst_sl[b], sem_stl[b])
        pltpu.async_copy(ex_hbm.at[pl.ds(off, CH)], ex_sl[b], sem_stl[b])

    def stage_wait(j, b):
        off = base + j * CH
        pltpu.make_async_copy(ei_hbm.at[pl.ds(off, CH)], src_sl[b], sem_stl[b]).wait()
        pltpu.make_async_copy(ei_hbm.at[pl.ds(E + off, CH)], dst_sl[b], sem_stl[b]).wait()
        pltpu.make_async_copy(ex_hbm.at[pl.ds(off, CH)], ex_sl[b], sem_stl[b]).wait()

    def gather_start(j, b):
        stage_wait(j, b)
        pltpu.async_copy(xp_hbm.at[src_sl[b]], rows_l[b], sem_gl[b])

    def gather_wait(b):
        pltpu.make_async_copy(xp_hbm.at[src_sl[b]], rows_l[b], sem_gl[b]).wait()

    def scatter_start(b):
        pltpu.async_copy(rows_l[b], out_sh.at[dst_sl[b]], sem_sl[b], add=True)

    def scatter_wait(b):
        pltpu.make_async_copy(rows_l[b], out_sh.at[dst_sl[b]], sem_sl[b]).wait()

    with jax.named_scope("b_zero"):
        stage_start(0, 0)
        stage_start(1, 1)
        stage_start(2, 2)

        zero16 = jnp.zeros((16,), jnp.float32)

        @pl.loop(0, CH)
        def _(r):
            for c0 in range(0, C, 16):
                rows_l[NB - 1][r, pl.ds(c0, 16)] = zero16

        sbase = sid * RPT
        @pl.loop(0, RPT - CH + 1, step=CH)
        def _(r0):
            pltpu.sync_copy(rows_l[NB - 1], out_sh.at[pl.ds(sbase + r0, CH)])
        pltpu.sync_copy(rows_l[NB - 1].at[pl.ds(0, RPT % CH)],
                        out_sh.at[pl.ds(sbase + RPT - RPT % CH, RPT % CH)])

        gather_start(0, 0)
        gather_start(1, 1)
        plsc.subcore_barrier()

    _loop_scope = jax.named_scope("b_loop")
    _loop_scope.__enter__()

    @pl.loop(0, NCH, step=NB)
    def _(j0):
        for k in range(NB):
            j = j0 + k
            b = k
            b2 = (k + 2) % NB
            b3 = (k + 3) % NB

            @pl.when(j >= 2)
            def _():
                scatter_wait(b3)

            @pl.when(j + 3 < NCH)
            def _():
                stage_start(j + 3, b3)

            @pl.when(j + 2 < NCH)
            def _():
                gather_start(j + 2, b2)

            gather_wait(b)

            @pl.loop(0, CH, step=2)
            def _(r):
                ridx = jnp.full((16,), 0, jnp.int32) + r
                ev0 = plsc.load_gather(ex_sl[b], [ridx])
                ev1 = plsc.load_gather(ex_sl[b], [ridx + 1])
                for rr, ev in ((r, ev0), (r + 1, ev1)):
                    for c0 in range(0, C, 16):
                        rows_l[b][rr, pl.ds(c0, 16)] = rows_l[b][rr, pl.ds(c0, 16)] * ev

            scatter_start(b)

    scatter_wait(NB - 2)
    scatter_wait(NB - 1)
    _loop_scope.__exit__(None, None, None)

    with jax.named_scope("b_publish"):
        plsc.subcore_barrier()
        pltpu.sync_copy(out_sh.at[pl.ds(sid * RPT, RPT)],
                        outp_hbm.at[cid, pl.ds(sid * RPT, RPT)])


def _sc_compiler_params():
    cp = pltpu.CompilerParams()
    if "needs_layout_passes" in pltpu.CompilerParams.__dataclass_fields__:
        cp = dataclasses.replace(cp, needs_layout_passes=False)
    if "disable_bounds_checks" in pltpu.CompilerParams.__dataclass_fields__:
        cp = dataclasses.replace(cp, disable_bounds_checks=True)
    return cp


def _sc_stage(alpha, xp, edge_index):
    mesh = plsc.VectorSubcoreMesh(core_axis_name="c", subcore_axis_name="s")
    cp = _sc_compiler_params()
    ka = pl.kernel(
        _sc_a_body,
        out_type=[
            jax.ShapeDtypeStruct((NW, NP), jnp.float32),
            jax.ShapeDtypeStruct((E,), jnp.float32),
        ],
        mesh=mesh,
        compiler_params=cp,
        scratch_types=[
            pltpu.VMEM((NP,), jnp.float32),
            pltpu.VMEM((NP,), jnp.float32),
            pltpu.VMEM((EPT,), jnp.int32),
            pltpu.VMEM((EPT,), jnp.int32),
            pltpu.VMEM((EPT,), jnp.float32),
            pltpu.VMEM((NP,), jnp.float32),
        ],
    )
    denp, ex = ka(alpha, edge_index)
    kb = pl.kernel(
        _sc_b_body,
        out_type=jax.ShapeDtypeStruct((NSC, NP, C), jnp.float32),
        mesh=mesh,
        compiler_params=cp,
        scratch_types=[
            [pltpu.VMEM((CH,), jnp.int32)] * NB,
            [pltpu.VMEM((CH,), jnp.int32)] * NB,
            [pltpu.VMEM((CH,), jnp.float32)] * NB,
            [pltpu.VMEM((CH, C), jnp.float32)] * NB,
            [pltpu.SemaphoreType.DMA] * NB,
            [pltpu.SemaphoreType.DMA] * NB,
            [pltpu.SemaphoreType.DMA] * NB,
            pltpu.VMEM_SHARED((NR, C), jnp.float32),
        ],
    )
    parts = kb(xp, edge_index, ex)
    return parts, denp


def _epilog_body(p_ref, d_ref, b_ref, o_ref):
    s = p_ref[0, :, :] + p_ref[1, :, :]
    ones = jnp.ones((NW, 1), jnp.float32)
    dn = lax.dot_general(d_ref[...], ones, (((0,), (0,)), ((), ())),
                         preferred_element_type=jnp.float32)
    o_ref[...] = s / (dn + 1e-16) + b_ref[...]


def _epilog(parts, denp, bias2):
    return pl.pallas_call(
        _epilog_body,
        grid=(NP // RBE,),
        in_specs=[
            pl.BlockSpec((NSC, RBE, C), lambda i: (0, i, 0)),
            pl.BlockSpec((NW, RBE), lambda i: (0, i)),
            pl.BlockSpec((1, C), lambda i: (0, 0)),
        ],
        out_specs=pl.BlockSpec((RBE, C), lambda i: (i, 0)),
        out_shape=jax.ShapeDtypeStruct((NP, C), jnp.float32),
    )(parts, denp, bias2)


def kernel(x, edge_index, W, att_src, att_dst, bias):
    x_pad = jnp.pad(x, ((0, NP - N), (0, 0)))
    att8 = jnp.concatenate(
        [att_src.reshape(1, C), att_dst.reshape(1, C),
         jnp.zeros((6, C), jnp.float32)], axis=0)
    bias2 = bias.reshape(1, C)

    xp, alpha = _prolog(x_pad, W, att8)
    parts, denp = _sc_stage(alpha, xp, edge_index.reshape(2 * E))
    return _epilog(parts, denp, bias2)[:N]

# --- scband reference (transcript-rebuilt; emitter-appended) ---
"""Pipeline reference for scband-gatencoder-18562848653421 (READ-ONLY COPY).

The authoritative reference and input builder live on the scoring server;
editing this copy changes nothing except your own understanding.
"""

import jax, jax.numpy as jnp
import numpy as np

N = 10000
E = 320000
F_IN = 128
H = 1
C = 128
NEG_SLOPE = 0.2


def setup_inputs(seed: int = 0) -> dict:
    key = jax.random.key(seed)
    k1, k2, k3, k4, k5 = jax.random.split(key, 5)
    x = jax.random.normal(k1, (N, F_IN), dtype=jnp.float32)
    edge_index = jax.random.randint(k2, (2, E), 0, N, dtype=jnp.int32)
    # Learned parameters (glorot-ish init)
    s_lin = float(np.sqrt(6.0 / (F_IN + H * C)))
    W = jax.random.uniform(k3, (F_IN, H * C), dtype=jnp.float32, minval=-s_lin, maxval=s_lin)
    s_att = float(np.sqrt(6.0 / (1 + C)))
    att_src = jax.random.uniform(k4, (1, H, C), dtype=jnp.float32, minval=-s_att, maxval=s_att)
    att_dst = jax.random.uniform(k5, (1, H, C), dtype=jnp.float32, minval=-s_att, maxval=s_att)
    bias = jnp.zeros((H * C,), dtype=jnp.float32)
    return {"x": x, "edge_index": edge_index, "W": W, "att_src": att_src, "att_dst": att_dst, "bias": bias}


def reference(x, edge_index, W, att_src, att_dst, bias):
    # lin_src == lin_dst (shared) since in_channels is an int
    xp = (x @ W).reshape(-1, H, C)  # [N, H, C]
    alpha_src = (xp * att_src).sum(-1)  # [N, H]
    alpha_dst = (xp * att_dst).sum(-1)  # [N, H]
    src = edge_index[0]
    dst = edge_index[1]
    # edge_update: alpha_j + alpha_i, leaky_relu, softmax over incoming edges per dst
    alpha = alpha_src[src] + alpha_dst[dst]  # [E, H]
    alpha = jax.nn.leaky_relu(alpha, NEG_SLOPE)
    amax = jax.ops.segment_max(alpha, dst, num_segments=N)
    amax = jnp.where(jnp.isfinite(amax), amax, 0.0)
    ex = jnp.exp(alpha - amax[dst])
    denom = jax.ops.segment_sum(ex, dst, num_segments=N)
    attn = ex / (denom[dst] + 1e-16)  # [E, H]
    # message + aggregate (add)
    msg = xp[src] * attn[..., None]  # [E, H, C]
    out = jax.ops.segment_sum(msg, dst, num_segments=N)  # [N, H, C]
    out = out.reshape(N, H * C) + bias  # concat=True
    return out

if __name__ == "__main__":
    import jax
    _d = setup_inputs()
    print(jax.jit(kernel)(*tuple(_d.values())))

</pallas_src>

<mosaic_0001>
#map = affine_map<(d0, d1) -> (0, 0)>
#map1 = affine_map<(d0, d1) -> (0)>
module attributes {stable_mosaic.version = 14 : i64} {
  func.func @_sc_a_body(%arg0: i32, %arg1: i32, %arg2: memref<8x10240xf32, #tpu.memory_space<hbm>>, %arg3: memref<640000xi32, #tpu.memory_space<hbm>>, %arg4: memref<32x10240xf32, #tpu.memory_space<hbm>>, %arg5: memref<320000xf32, #tpu.memory_space<hbm>>, %arg6: memref<10240xf32, #tpu.memory_space<vmem>>, %arg7: memref<10240xf32, #tpu.memory_space<vmem>>, %arg8: memref<10000xi32, #tpu.memory_space<vmem>>, %arg9: memref<10000xi32, #tpu.memory_space<vmem>>, %arg10: memref<10000xf32, #tpu.memory_space<vmem>>, %arg11: memref<10240xf32, #tpu.memory_space<vmem>>) attributes {dimension_semantics = [#tpu.dimension_semantics<core_parallel>, #tpu.dimension_semantics<subcore_parallel>], iteration_bounds = array<i64: 2, 16>, scalar_prefetch = 0 : i64, scratch_operands = 6 : i64, tpu.core_type = #tpu.core_type<sc_vector_subcore>, window_params = [{transform_indices = #map}, {transform_indices = #map1}, {transform_indices = #map}, {transform_indices = #map1}]} {
    %mul3A = arith.constant 16 : i32
    %mul3A_0 = arith.muli %arg0, %mul3A : i32
    %add3A = arith.addi %mul3A_0, %arg1 : i32
    %run_scoped3A = arith.constant 0 : i32
    "tpu.region"() ({
      %run_scoped3A_20 = tpu.sem_alloc : memref<!tpu.dma_semaphore, #tpu.memory_space<semaphore_mem>>
      %dma_start3A = arith.constant 0 : i32
      %dma_start3A_21 = tpu.memref_slice %arg2[%run_scoped3A, %dma_start3A] : memref<8x10240xf32, #tpu.memory_space<hbm>> -> memref<1x10240xf32, #tpu.memory_space<hbm>>
      %dma_start3A_22 = tpu.memref_squeeze %dma_start3A_21 : memref<1x10240xf32, #tpu.memory_space<hbm>> -> memref<10240xf32, #tpu.memory_space<hbm>>
      %dma_start3A_23 = arith.constant 0 : i32
      %dma_start3A_24 = tpu.memref_slice %arg2[%run_scoped3A, %dma_start3A_23] : memref<8x10240xf32, #tpu.memory_space<hbm>> -> memref<1x10240xf32, #tpu.memory_space<hbm>>
      %dma_start3A_25 = tpu.memref_squeeze %dma_start3A_24 : memref<1x10240xf32, #tpu.memory_space<hbm>> -> memref<10240xf32, #tpu.memory_space<hbm>>
      tpu.enqueue_dma source(%dma_start3A_25 : memref<10240xf32, #tpu.memory_space<hbm>>) target(%arg6 : memref<10240xf32, #tpu.memory_space<vmem>>) target_semaphore(%run_scoped3A_20 : memref<!tpu.dma_semaphore, #tpu.memory_space<semaphore_mem>>)
      %dma_wait3A = arith.constant 0 : i32
      %dma_wait3A_26 = tpu.memref_slice %arg2[%run_scoped3A, %dma_wait3A] : memref<8x10240xf32, #tpu.memory_space<hbm>> -> memref<1x10240xf32, #tpu.memory_space<hbm>>
      %dma_wait3A_27 = tpu.memref_squeeze %dma_wait3A_26 : memref<1x10240xf32, #tpu.memory_space<hbm>> -> memref<10240xf32, #tpu.memory_space<hbm>>
      %dma_wait3A_28 = arith.constant 0 : i32
      %dma_wait3A_29 = tpu.memref_slice %arg2[%run_scoped3A, %dma_wait3A_28] : memref<8x10240xf32, #tpu.memory_space<hbm>> -> memref<1x10240xf32, #tpu.memory_space<hbm>>
      %dma_wait3A_30 = tpu.memref_squeeze %dma_wait3A_29 : memref<1x10240xf32, #tpu.memory_space<hbm>> -> memref<10240xf32, #tpu.memory_space<hbm>>
      tpu.wait_dma2 semaphore(%run_scoped3A_20 : memref<!tpu.dma_semaphore, #tpu.memory_space<semaphore_mem>>) src(%dma_wait3A_30 : memref<10240xf32, #tpu.memory_space<hbm>>) dst(%arg6 : memref<10240xf32, #tpu.memory_space<vmem>>)
      tpu.yield
    }) : () -> ()
    %run_scoped3A_1 = arith.constant 1 : i32
    "tpu.region"() ({
      %run_scoped3A_20 = tpu.sem_alloc : memref<!tpu.dma_semaphore, #tpu.memory_space<semaphore_mem>>
      %dma_start3A = arith.constant 0 : i32
      %dma_start3A_21 = tpu.memref_slice %arg2[%run_scoped3A_1, %dma_start3A] : memref<8x10240xf32, #tpu.memory_space<hbm>> -> memref<1x10240xf32, #tpu.memory_space<hbm>>
      %dma_start3A_22 = tpu.memref_squeeze %dma_start3A_21 : memref<1x10240xf32, #tpu.memory_space<hbm>> -> memref<10240xf32, #tpu.memory_space<hbm>>
      %dma_start3A_23 = arith.constant 0 : i32
      %dma_start3A_24 = tpu.memref_slice %arg2[%run_scoped3A_1, %dma_start3A_23] : memref<8x10240xf32, #tpu.memory_space<hbm>> -> memref<1x10240xf32, #tpu.memory_space<hbm>>
      %dma_start3A_25 = tpu.memref_squeeze %dma_start3A_24 : memref<1x10240xf32, #tpu.memory_space<hbm>> -> memref<10240xf32, #tpu.memory_space<hbm>>
      tpu.enqueue_dma source(%dma_start3A_25 : memref<10240xf32, #tpu.memory_space<hbm>>) target(%arg7 : memref<10240xf32, #tpu.memory_space<vmem>>) target_semaphore(%run_scoped3A_20 : memref<!tpu.dma_semaphore, #tpu.memory_space<semaphore_mem>>)
      %dma_wait3A = arith.constant 0 : i32
      %dma_wait3A_26 = tpu.memref_slice %arg2[%run_scoped3A_1, %dma_wait3A] : memref<8x10240xf32, #tpu.memory_space<hbm>> -> memref<1x10240xf32, #tpu.memory_space<hbm>>
      %dma_wait3A_27 = tpu.memref_squeeze %dma_wait3A_26 : memref<1x10240xf32, #tpu.memory_space<hbm>> -> memref<10240xf32, #tpu.memory_space<hbm>>
      %dma_wait3A_28 = arith.constant 0 : i32
      %dma_wait3A_29 = tpu.memref_slice %arg2[%run_scoped3A_1, %dma_wait3A_28] : memref<8x10240xf32, #tpu.memory_space<hbm>> -> memref<1x10240xf32, #tpu.memory_space<hbm>>
      %dma_wait3A_30 = tpu.memref_squeeze %dma_wait3A_29 : memref<1x10240xf32, #tpu.memory_space<hbm>> -> memref<10240xf32, #tpu.memory_space<hbm>>
      tpu.wait_dma2 semaphore(%run_scoped3A_20 : memref<!tpu.dma_semaphore, #tpu.memory_space<semaphore_mem>>) src(%dma_wait3A_30 : memref<10240xf32, #tpu.memory_space<hbm>>) dst(%arg7 : memref<10240xf32, #tpu.memory_space<vmem>>)
      tpu.yield
    }) : () -> ()
    %mul3A_2 = arith.constant 10000 : i32
    %mul3A_3 = arith.muli %add3A, %mul3A_2 : i32
    "tpu.region"() ({
      %run_scoped3A_20 = tpu.sem_alloc : memref<!tpu.dma_semaphore, #tpu.memory_space<semaphore_mem>>
      %dma_start3A = tpu.memref_slice %arg3[%mul3A_3] : memref<640000xi32, #tpu.memory_space<hbm>> -> memref<10000xi32, #tpu.memory_space<hbm>>
      %dma_start3A_21 = tpu.memref_slice %arg3[%mul3A_3] : memref<640000xi32, #tpu.memory_space<hbm>> -> memref<10000xi32, #tpu.memory_space<hbm>>
      tpu.enqueue_dma source(%dma_start3A_21 : memref<10000xi32, #tpu.memory_space<hbm>>) target(%arg8 : memref<10000xi32, #tpu.memory_space<vmem>>) target_semaphore(%run_scoped3A_20 : memref<!tpu.dma_semaphore, #tpu.memory_space<semaphore_mem>>)
      %dma_wait3A = tpu.memref_slice %arg3[%mul3A_3] : memref<640000xi32, #tpu.memory_space<hbm>> -> memref<10000xi32, #tpu.memory_space<hbm>>
      %dma_wait3A_22 = tpu.memref_slice %arg3[%mul3A_3] : memref<640000xi32, #tpu.memory_space<hbm>> -> memref<10000xi32, #tpu.memory_space<hbm>>
      tpu.wait_dma2 semaphore(%run_scoped3A_20 : memref<!tpu.dma_semaphore, #tpu.memory_space<semaphore_mem>>) src(%dma_wait3A_22 : memref<10000xi32, #tpu.memory_space<hbm>>) dst(%arg8 : memref<10000xi32, #tpu.memory_space<vmem>>)
      tpu.yield
    }) : () -> ()
    %mul3A_4 = arith.constant 10000 : i32
    %mul3A_5 = arith.muli %add3A, %mul3A_4 : i32
    %add3A_6 = arith.constant 320000 : i32
    %add3A_7 = arith.addi %add3A_6, %mul3A_5 : i32
    "tpu.region"() ({
      %run_scoped3A_20 = tpu.sem_alloc : memref<!tpu.dma_semaphore, #tpu.memory_space<semaphore_mem>>
      %dma_start3A = tpu.memref_slice %arg3[%add3A_7] : memref<640000xi32, #tpu.memory_space<hbm>> -> memref<10000xi32, #tpu.memory_space<hbm>>
      %dma_start3A_21 = tpu.memref_slice %arg3[%add3A_7] : memref<640000xi32, #tpu.memory_space<hbm>> -> memref<10000xi32, #tpu.memory_space<hbm>>
      tpu.enqueue_dma source(%dma_start3A_21 : memref<10000xi32, #tpu.memory_space<hbm>>) target(%arg9 : memref<10000xi32, #tpu.memory_space<vmem>>) target_semaphore(%run_scoped3A_20 : memref<!tpu.dma_semaphore, #tpu.memory_space<semaphore_mem>>)
      %dma_wait3A = tpu.memref_slice %arg3[%add3A_7] : memref<640000xi32, #tpu.memory_space<hbm>> -> memref<10000xi32, #tpu.memory_space<hbm>>
      %dma_wait3A_22 = tpu.memref_slice %arg3[%add3A_7] : memref<640000xi32, #tpu.memory_space<hbm>> -> memref<10000xi32, #tpu.memory_space<hbm>>
      tpu.wait_dma2 semaphore(%run_scoped3A_20 : memref<!tpu.dma_semaphore, #tpu.memory_space<semaphore_mem>>) src(%dma_wait3A_22 : memref<10000xi32, #tpu.memory_space<hbm>>) dst(%arg9 : memref<10000xi32, #tpu.memory_space<vmem>>)
      tpu.yield
    }) : () -> ()
    %broadcast_in_dim3A = arith.constant 0.000000e+00 : f32
    %broadcast_in_dim3A_8 = vector.broadcast %broadcast_in_dim3A : f32 to vector<16xf32>
    %scan3A = arith.constant 0 : i32
    %scan3A_9 = arith.constant 640 : i32
    %scan3A_10 = arith.addi %scan3A, %scan3A_9 : i32
    %scan3A_11 = arith.constant 1 : i32
    scf.for %scan3A_20 = %scan3A to %scan3A_10 step %scan3A_11  : i32 {
      %mul3A_21 = arith.constant 16 : i32
      %mul3A_22 = arith.muli %scan3A_20, %mul3A_21 : i32
      %add3A_23 = arith.constant 0 : i32
      %add3A_24 = arith.addi %add3A_23, %mul3A_22 : i32
      %swap3A = arith.index_cast %add3A_24 : i32 to index
      %swap3A_25 = tpu.vector_load %arg11[%swap3A] {strides = array<i32>} : memref<10240xf32, #tpu.memory_space<vmem>>, vector<16xf32>,
      tpu.vector_store %arg11[%swap3A], %broadcast_in_dim3A_8 {strides = array<i32>} : memref<10240xf32, #tpu.memory_space<vmem>>, vector<16xf32>,
    }
    %scan3A_12 = arith.constant 640 : i32
    %scan3A_13 = arith.constant 0 : i32
    %scan3A_14 = arith.constant 125 : i32
    %scan3A_15 = arith.addi %scan3A_13, %scan3A_14 : i32
    %scan3A_16 = arith.constant 1 : i32
    scf.for %scan3A_20 = %scan3A_13 to %scan3A_15 step %scan3A_16  : i32 {
      %mul3A_21 = arith.constant 80 : i32
      %mul3A_22 = arith.muli %scan3A_20, %mul3A_21 : i32
      %add3A_23 = arith.constant 0 : i32
      %add3A_24 = arith.addi %add3A_23, %mul3A_22 : i32
      %add3A_25 = arith.constant 0 : i32
      %add3A_26 = arith.addi %add3A_24, %add3A_25 : i32
      %get3A = arith.index_cast %add3A_26 : i32 to index
      %get3A_27 = tpu.vector_load %arg8[%get3A] {strides = array<i32>} : memref<10000xi32, #tpu.memory_space<vmem>>, vector<16xi32>,
      %add3A_28 = arith.constant 0 : i32
      %add3A_29 = arith.addi %add3A_24, %add3A_28 : i32
      %get3A_30 = arith.index_cast %add3A_29 : i32 to index
      %get3A_31 = tpu.vector_load %arg9[%get3A_30] {strides = array<i32>} : memref<10000xi32, #tpu.memory_space<vmem>>, vector<16xi32>,
      %gather3A = tpu.vector_load_idx %arg6[%get3A_27] : memref<10240xf32, #tpu.memory_space<vmem>>[vector<16xi32>], vector<16xf32>,
      %gather3A_32 = tpu.vector_load_idx %arg7[%get3A_31] : memref<10240xf32, #tpu.memory_space<vmem>>[vector<16xi32>], vector<16xf32>,
      %add3A_33 = arith.addf %gather3A, %gather3A_32 : vector<16xf32>
      %mul3A_34 = arith.constant 2.000000e-01 : f32
      %mul3A_35 = vector.broadcast %mul3A_34 : f32 to vector<16xf32>
      %mul3A_36 = arith.mulf %add3A_33, %mul3A_35 : vector<16xf32>
      %max3A = arith.maximumf %add3A_33, %mul3A_36 : vector<16xf32>
      %exp3A = math.exp %max3A : vector<16xf32>
      %add3A_37 = arith.constant 16 : i32
      %add3A_38 = arith.addi %add3A_24, %add3A_37 : i32
      %get3A_39 = arith.index_cast %add3A_38 : i32 to index
      %get3A_40 = tpu.vector_load %arg8[%get3A_39] {strides = array<i32>} : memref<10000xi32, #tpu.memory_space<vmem>>, vector<16xi32>,
      %add3A_41 = arith.constant 16 : i32
      %add3A_42 = arith.addi %add3A_24, %add3A_41 : i32
      %get3A_43 = arith.index_cast %add3A_42 : i32 to index
      %get3A_44 = tpu.vector_load %arg9[%get3A_43] {strides = array<i32>} : memref<10000xi32, #tpu.memory_space<vmem>>, vector<16xi32>,
      %gather3A_45 = tpu.vector_load_idx %arg6[%get3A_40] : memref<10240xf32, #tpu.memory_space<vmem>>[vector<16xi32>], vector<16xf32>,
      %gather3A_46 = tpu.vector_load_idx %arg7[%get3A_44] : memref<10240xf32, #tpu.memory_space<vmem>>[vector<16xi32>], vector<16xf32>,
      %add3A_47 = arith.addf %gather3A_45, %gather3A_46 : vector<16xf32>
      %mul3A_48 = arith.constant 2.000000e-01 : f32
      %mul3A_49 = vector.broadcast %mul3A_48 : f32 to vector<16xf32>
      %mul3A_50 = arith.mulf %add3A_47, %mul3A_49 : vector<16xf32>
      %max3A_51 = arith.maximumf %add3A_47, %mul3A_50 : vector<16xf32>
      %exp3A_52 = math.exp %max3A_51 : vector<16xf32>
      %add3A_53 = arith.constant 32 : i32
      %add3A_54 = arith.addi %add3A_24, %add3A_53 : i32
      %get3A_55 = arith.index_cast %add3A_54 : i32 to index
      %get3A_56 = tpu.vector_load %arg8[%get3A_55] {strides = array<i32>} : memref<10000xi32, #tpu.memory_space<vmem>>, vector<16xi32>,
      %add3A_57 = arith.constant 32 : i32
      %add3A_58 = arith.addi %add3A_24, %add3A_57 : i32
      %get3A_59 = arith.index_cast %add3A_58 : i32 to index
      %get3A_60 = tpu.vector_load %arg9[%get3A_59] {strides = array<i32>} : memref<10000xi32, #tpu.memory_space<vmem>>, vector<16xi32>,
      %gather3A_61 = tpu.vector_load_idx %arg6[%get3A_56] : memref<10240xf32, #tpu.memory_space<vmem>>[vector<16xi32>], vector<16xf32>,
      %gather3A_62 = tpu.vector_load_idx %arg7[%get3A_60] : memref<10240xf32, #tpu.memory_space<vmem>>[vector<16xi32>], vector<16xf32>,
      %add3A_63 = arith.addf %gather3A_61, %gather3A_62 : vector<16xf32>
      %mul3A_64 = arith.constant 2.000000e-01 : f32
      %mul3A_65 = vector.broadcast %mul3A_64 : f32 to vector<16xf32>
      %mul3A_66 = arith.mulf %add3A_63, %mul3A_65 : vector<16xf32>
      %max3A_67 = arith.maximumf %add3A_63, %mul3A_66 : vector<16xf32>
      %exp3A_68 = math.exp %max3A_67 : vector<16xf32>
      %add3A_69 = arith.constant 48 : i32
      %add3A_70 = arith.addi %add3A_24, %add3A_69 : i32
      %get3A_71 = arith.index_cast %add3A_70 : i32 to index
      %get3A_72 = tpu.vector_load %arg8[%get3A_71] {strides = array<i32>} : memref<10000xi32, #tpu.memory_space<vmem>>, vector<16xi32>,
      %add3A_73 = arith.constant 48 : i32
      %add3A_74 = arith.addi %add3A_24, %add3A_73 : i32
      %get3A_75 = arith.index_cast %add3A_74 : i32 to index
      %get3A_76 = tpu.vector_load %arg9[%get3A_75] {strides = array<i32>} : memref<10000xi32, #tpu.memory_space<vmem>>, vector<16xi32>,
      %gather3A_77 = tpu.vector_load_idx %arg6[%get3A_72] : memref<10240xf32, #tpu.memory_space<vmem>>[vector<16xi32>], vector<16xf32>,
      %gather3A_78 = tpu.vector_load_idx %arg7[%get3A_76] : memref<10240xf32, #tpu.memory_space<vmem>>[vector<16xi32>], vector<16xf32>,
      %add3A_79 = arith.addf %gather3A_77, %gather3A_78 : vector<16xf32>
      %mul3A_80 = arith.constant 2.000000e-01 : f32
      %mul3A_81 = vector.broadcast %mul3A_80 : f32 to vector<16xf32>
      %mul3A_82 = arith.mulf %add3A_79, %mul3A_81 : vector<16xf32>
      %max3A_83 = arith.maximumf %add3A_79, %mul3A_82 : vector<16xf32>
      %exp3A_84 = math.exp %max3A_83 : vector<16xf32>
      %add3A_85 = arith.constant 64 : i32
      %add3A_86 = arith.addi %add3A_24, %add3A_85 : i32
      %get3A_87 = arith.index_cast %add3A_86 : i32 to index
      %get3A_88 = tpu.vector_load %arg8[%get3A_87] {strides = array<i32>} : memref<10000xi32, #tpu.memory_space<vmem>>, vector<16xi32>,
      %add3A_89 = arith.constant 64 : i32
      %add3A_90 = arith.addi %add3A_24, %add3A_89 : i32
      %get3A_91 = arith.index_cast %add3A_90 : i32 to index
      %get3A_92 = tpu.vector_load %arg9[%get3A_91] {strides = array<i32>} : memref<10000xi32, #tpu.memory_space<vmem>>, vector<16xi32>,
      %gather3A_93 = tpu.vector_load_idx %arg6[%get3A_88] : memref<10240xf32, #tpu.memory_space<vmem>>[vector<16xi32>], vector<16xf32>,
      %gather3A_94 = tpu.vector_load_idx %arg7[%get3A_92] : memref<10240xf32, #tpu.memory_space<vmem>>[vector<16xi32>], vector<16xf32>,
      %add3A_95 = arith.addf %gather3A_93, %gather3A_94 : vector<16xf32>
      %mul3A_96 = arith.constant 2.000000e-01 : f32
      %mul3A_97 = vector.broadcast %mul3A_96 : f32 to vector<16xf32>
      %mul3A_98 = arith.mulf %add3A_95, %mul3A_97 : vector<16xf32>
      %max3A_99 = arith.maximumf %add3A_95, %mul3A_98 : vector<16xf32>
      %exp3A_100 = math.exp %max3A_99 : vector<16xf32>
      %add3A_101 = arith.constant 0 : i32
      %add3A_102 = arith.addi %add3A_24, %add3A_101 : i32
      %swap3A = arith.index_cast %add3A_102 : i32 to index
      %swap3A_103 = tpu.vector_load %arg10[%swap3A] {strides = array<i32>} : memref<10000xf32, #tpu.memory_space<vmem>>, vector<16xf32>,
      tpu.vector_store %arg10[%swap3A], %exp3A {strides = array<i32>} : memref<10000xf32, #tpu.memory_space<vmem>>, vector<16xf32>,
      tpu.vector_store_idx %arg11[%get3A_31], %exp3A {add = true} : memref<10240xf32, #tpu.memory_space<vmem>>[vector<16xi32>], vector<16xf32>,
      %add3A_104 = arith.constant 16 : i32
      %add3A_105 = arith.addi %add3A_24, %add3A_104 : i32
      %swap3A_106 = arith.index_cast %add3A_105 : i32 to index
      %swap3A_107 = tpu.vector_load %arg10[%swap3A_106] {strides = array<i32>} : memref<10000xf32, #tpu.memory_space<vmem>>, vector<16xf32>,
      tpu.vector_store %arg10[%swap3A_106], %exp3A_52 {strides = array<i32>} : memref<10000xf32, #tpu.memory_space<vmem>>, vector<16xf32>,
      tpu.vector_store_idx %arg11[%get3A_44], %exp3A_52 {add = true} : memref<10240xf32, #tpu.memory_space<vmem>>[vector<16xi32>], vector<16xf32>,
      %add3A_108 = arith.constant 32 : i32
      %add3A_109 = arith.addi %add3A_24, %add3A_108 : i32
      %swap3A_110 = arith.index_cast %add3A_109 : i32 to index
      %swap3A_111 = tpu.vector_load %arg10[%swap3A_110] {strides = array<i32>} : memref<10000xf32, #tpu.memory_space<vmem>>, vector<16xf32>,
      tpu.vector_store %arg10[%swap3A_110], %exp3A_68 {strides = array<i32>} : memref<10000xf32, #tpu.memory_space<vmem>>, vector<16xf32>,
      tpu.vector_store_idx %arg11[%get3A_60], %exp3A_68 {add = true} : memref<10240xf32, #tpu.memory_space<vmem>>[vector<16xi32>], vector<16xf32>,
      %add3A_112 = arith.constant 48 : i32
      %add3A_113 = arith.addi %add3A_24, %add3A_112 : i32
      %swap3A_114 = arith.index_cast %add3A_113 : i32 to index
      %swap3A_115 = tpu.vector_load %arg10[%swap3A_114] {strides = array<i32>} : memref<10000xf32, #tpu.memory_space<vmem>>, vector<16xf32>,
      tpu.vector_store %arg10[%swap3A_114], %exp3A_84 {strides = array<i32>} : memref<10000xf32, #tpu.memory_space<vmem>>, vector<16xf32>,
      tpu.vector_store_idx %arg11[%get3A_76], %exp3A_84 {add = true} : memref<10240xf32, #tpu.memory_space<vmem>>[vector<16xi32>], vector<16xf32>,
      %add3A_116 = arith.constant 64 : i32
      %add3A_117 = arith.addi %add3A_24, %add3A_116 : i32
      %swap3A_118 = arith.index_cast %add3A_117 : i32 to index
      %swap3A_119 = tpu.vector_load %arg10[%swap3A_118] {strides = array<i32>} : memref<10000xf32, #tpu.memory_space<vmem>>, vector<16xf32>,
      tpu.vector_store %arg10[%swap3A_118], %exp3A_100 {strides = array<i32>} : memref<10000xf32, #tpu.memory_space<vmem>>, vector<16xf32>,
      tpu.vector_store_idx %arg11[%get3A_92], %exp3A_100 {add = true} : memref<10240xf32, #tpu.memory_space<vmem>>[vector<16xi32>], vector<16xf32>,
    }
    %scan3A_17 = arith.constant 125 : i32
    "tpu.region"() ({
      %run_scoped3A_20 = tpu.sem_alloc : memref<!tpu.dma_semaphore, #tpu.memory_space<semaphore_mem>>
      %dma_start3A = arith.constant 0 : i32
      %dma_start3A_21 = tpu.memref_slice %arg4[%add3A, %dma_start3A] : memref<32x10240xf32, #tpu.memory_space<hbm>> -> memref<1x10240xf32, #tpu.memory_space<hbm>>
      %dma_start3A_22 = tpu.memref_squeeze %dma_start3A_21 : memref<1x10240xf32, #tpu.memory_space<hbm>> -> memref<10240xf32, #tpu.memory_space<hbm>>
      %dma_start3A_23 = arith.constant 0 : i32
      %dma_start3A_24 = tpu.memref_slice %arg4[%add3A, %dma_start3A_23] : memref<32x10240xf32, #tpu.memory_space<hbm>> -> memref<1x10240xf32, #tpu.memory_space<hbm>>
      %dma_start3A_25 = tpu.memref_squeeze %dma_start3A_24 : memref<1x10240xf32, #tpu.memory_space<hbm>> -> memref<10240xf32, #tpu.memory_space<hbm>>
      tpu.enqueue_dma source(%arg11 : memref<10240xf32, #tpu.memory_space<vmem>>) target(%dma_start3A_25 : memref<10240xf32, #tpu.memory_space<hbm>>) target_semaphore(%run_scoped3A_20 : memref<!tpu.dma_semaphore, #tpu.memory_space<semaphore_mem>>)
      %dma_wait3A = arith.constant 0 : i32
      %dma_wait3A_26 = tpu.memref_slice %arg4[%add3A, %dma_wait3A] : memref<32x10240xf32, #tpu.memory_space<hbm>> -> memref<1x10240xf32, #tpu.memory_space<hbm>>
      %dma_wait3A_27 = tpu.memref_squeeze %dma_wait3A_26 : memref<1x10240xf32, #tpu.memory_space<hbm>> -> memref<10240xf32, #tpu.memory_space<hbm>>
      %dma_wait3A_28 = arith.constant 0 : i32
      %dma_wait3A_29 = tpu.memref_slice %arg4[%add3A, %dma_wait3A_28] : memref<32x10240xf32, #tpu.memory_space<hbm>> -> memref<1x10240xf32, #tpu.memory_space<hbm>>
      %dma_wait3A_30 = tpu.memref_squeeze %dma_wait3A_29 : memref<1x10240xf32, #tpu.memory_space<hbm>> -> memref<10240xf32, #tpu.memory_space<hbm>>
      tpu.wait_dma2 semaphore(%run_scoped3A_20 : memref<!tpu.dma_semaphore, #tpu.memory_space<semaphore_mem>>) src(%arg11 : memref<10240xf32, #tpu.memory_space<vmem>>) dst(%dma_wait3A_30 : memref<10240xf32, #tpu.memory_space<hbm>>)
      tpu.yield
    }) : () -> ()
    %mul3A_18 = arith.constant 10000 : i32
    %mul3A_19 = arith.muli %add3A, %mul3A_18 : i32
    "tpu.region"() ({
      %run_scoped3A_20 = tpu.sem_alloc : memref<!tpu.dma_semaphore, #tpu.memory_space<semaphore_mem>>
      %dma_start3A = tpu.memref_slice %arg5[%mul3A_19] : memref<320000xf32, #tpu.memory_space<hbm>> -> memref<10000xf32, #tpu.memory_space<hbm>>
      %dma_start3A_21 = tpu.memref_slice %arg5[%mul3A_19] : memref<320000xf32, #tpu.memory_space<hbm>> -> memref<10000xf32, #tpu.memory_space<hbm>>
      tpu.enqueue_dma source(%arg10 : memref<10000xf32, #tpu.memory_space<vmem>>) target(%dma_start3A_21 : memref<10000xf32, #tpu.memory_space<hbm>>) target_semaphore(%run_scoped3A_20 : memref<!tpu.dma_semaphore, #tpu.memory_space<semaphore_mem>>)
      %dma_wait3A = tpu.memref_slice %arg5[%mul3A_19] : memref<320000xf32, #tpu.memory_space<hbm>> -> memref<10000xf32, #tpu.memory_space<hbm>>
      %dma_wait3A_22 = tpu.memref_slice %arg5[%mul3A_19] : memref<320000xf32, #tpu.memory_space<hbm>> -> memref<10000xf32, #tpu.memory_space<hbm>>
      tpu.wait_dma2 semaphore(%run_scoped3A_20 : memref<!tpu.dma_semaphore, #tpu.memory_space<semaphore_mem>>) src(%arg10 : memref<10000xf32, #tpu.memory_space<vmem>>) dst(%dma_wait3A_22 : memref<10000xf32, #tpu.memory_space<hbm>>)
      tpu.yield
    }) : () -> ()
    return
  }
}

#map = affine_map<(d0, d1) -> (0, 0)>
#map1 = affine_map<(d0, d1) -> (0)>
#map2 = affine_map<(d0, d1) -> (0, 0, 0)>
module attributes {stable_mosaic.version = 14 : i64} {
  func.func @_sc_b_body(%arg0: i32, %arg1: i32, %arg2: memref<10240x128xf32, #tpu.memory_space<hbm>>, %arg3: memref<640000xi32, #tpu.memory_space<hbm>>, %arg4: memref<320000xf32, #tpu.memory_space<hbm>>, %arg5: memref<2x10240x128xf32, #tpu.memory_space<hbm>>, %arg6: memref<40xi32, #tpu.memory_space<vmem>>, %arg7: memref<40xi32, #tpu.memory_space<vmem>>, %arg8: memref<40xi32, #tpu.memory_space<vmem>>, %arg9: memref<40xi32, #tpu.memory_space<vmem>>, %arg10: memref<40xi32, #tpu.memory_space<vmem>>, %arg11: memref<40xi32, #tpu.memory_space<vmem>>, %arg12: memref<40xi32, #tpu.memory_space<vmem>>, %arg13: memref<40xi32, #tpu.memory_space<vmem>>, %arg14: memref<40xi32, #tpu.memory_space<vmem>>, %arg15: memref<40xi32, #tpu.memory_space<vmem>>, %arg16: memref<40xf32, #tpu.memory_space<vmem>>, %arg17: memref<40xf32, #tpu.memory_space<vmem>>, %arg18: memref<40xf32, #tpu.memory_space<vmem>>, %arg19: memref<40xf32, #tpu.memory_space<vmem>>, %arg20: memref<40xf32, #tpu.memory_space<vmem>>, %arg21: memref<40x128xf32, #tpu.memory_space<vmem>>, %arg22: memref<40x128xf32, #tpu.memory_space<vmem>>, %arg23: memref<40x128xf32, #tpu.memory_space<vmem>>, %arg24: memref<40x128xf32, #tpu.memory_space<vmem>>, %arg25: memref<40x128xf32, #tpu.memory_space<vmem>>, %arg26: memref<!tpu.dma_semaphore, #tpu.memory_space<semaphore_mem>>, %arg27: memref<!tpu.dma_semaphore, #tpu.memory_space<semaphore_mem>>, %arg28: memref<!tpu.dma_semaphore, #tpu.memory_space<semaphore_mem>>, %arg29: memref<!tpu.dma_semaphore, #tpu.memory_space<semaphore_mem>>, %arg30: memref<!tpu.dma_semaphore, #tpu.memory_space<semaphore_mem>>, %arg31: memref<!tpu.dma_semaphore, #tpu.memory_space<semaphore_mem>>, %arg32: memref<!tpu.dma_semaphore, #tpu.memory_space<semaphore_mem>>, %arg33: memref<!tpu.dma_semaphore, #tpu.memory_space<semaphore_mem>>, %arg34: memref<!tpu.dma_semaphore, #tpu.memory_space<semaphore_mem>>, %arg35: memref<!tpu.dma_semaphore, #tpu.memory_space<semaphore_mem>>, %arg36: memref<!tpu.dma_semaphore, #tpu.memory_space<semaphore_mem>>, %arg37: memref<!tpu.dma_semaphore, #tpu.memory_space<semaphore_mem>>, %arg38: memref<!tpu.dma_semaphore, #tpu.memory_space<semaphore_mem>>, %arg39: memref<!tpu.dma_semaphore, #tpu.memory_space<semaphore_mem>>, %arg40: memref<!tpu.dma_semaphore, #tpu.memory_space<semaphore_mem>>, %arg41: memref<10112x128xf32, #tpu.memory_space<vmem_shared>>) attributes {dimension_semantics = [#tpu.dimension_semantics<core_parallel>, #tpu.dimension_semantics<subcore_parallel>], iteration_bounds = array<i64: 2, 16>, scalar_prefetch = 0 : i64, scratch_operands = 36 : i64, tpu.core_type = #tpu.core_type<sc_vector_subcore>, window_params = [{transform_indices = #map}, {transform_indices = #map1}, {transform_indices = #map1}, {transform_indices = #map2}]} {
    %mul3A = arith.constant 16 : i32
    %mul3A_0 = arith.muli %arg0, %mul3A : i32
    %add3A = arith.addi %mul3A_0, %arg1 : i32
    %mul3A_1 = arith.constant 10000 : i32
    %mul3A_2 = arith.muli %add3A, %mul3A_1 : i32
    "tpu.trace_start"() <{level = 10 : i32, message = "b_zero"}> : () -> ()
    %add3A_3 = arith.constant 0 : i32
    %add3A_4 = arith.addi %mul3A_2, %add3A_3 : i32
    %dma_start3A = tpu.memref_slice %arg3[%add3A_4] : memref<640000xi32, #tpu.memory_space<hbm>> -> memref<40xi32, #tpu.memory_space<hbm>>
    %dma_start3A_5 = tpu.memref_slice %arg3[%add3A_4] : memref<640000xi32, #tpu.memory_space<hbm>> -> memref<40xi32, #tpu.memory_space<hbm>>
    tpu.enqueue_dma source(%dma_start3A_5 : memref<40xi32, #tpu.memory_space<hbm>>) target(%arg6 : memref<40xi32, #tpu.memory_space<vmem>>) target_semaphore(%arg26 : memref<!tpu.dma_semaphore, #tpu.memory_space<semaphore_mem>>)
    %add3A_6 = arith.constant 320000 : i32
    %add3A_7 = arith.addi %add3A_6, %add3A_4 : i32
    %dma_start3A_8 = tpu.memref_slice %arg3[%add3A_7] : memref<640000xi32, #tpu.memory_space<hbm>> -> memref<40xi32, #tpu.memory_space<hbm>>
    %dma_start3A_9 = tpu.memref_slice %arg3[%add3A_7] : memref<640000xi32, #tpu.memory_space<hbm>> -> memref<40xi32, #tpu.memory_space<hbm>>
    tpu.enqueue_dma source(%dma_start3A_9 : memref<40xi32, #tpu.memory_space<hbm>>) target(%arg11 : memref<40xi32, #tpu.memory_space<vmem>>) target_semaphore(%arg26 : memref<!tpu.dma_semaphore, #tpu.memory_space<semaphore_mem>>)
    %dma_start3A_10 = tpu.memref_slice %arg4[%add3A_4] : memref<320000xf32, #tpu.memory_space<hbm>> -> memref<40xf32, #tpu.memory_space<hbm>>
    %dma_start3A_11 = tpu.memref_slice %arg4[%add3A_4] : memref<320000xf32, #tpu.memory_space<hbm>> -> memref<40xf32, #tpu.memory_space<hbm>>
    tpu.enqueue_dma source(%dma_start3A_11 : memref<40xf32, #tpu.memory_space<hbm>>) target(%arg16 : memref<40xf32, #tpu.memory_space<vmem>>) target_semaphore(%arg26 : memref<!tpu.dma_semaphore, #tpu.memory_space<semaphore_mem>>)
    %add3A_12 = arith.constant 40 : i32
    %add3A_13 = arith.addi %mul3A_2, %add3A_12 : i32
    %dma_start3A_14 = tpu.memref_slice %arg3[%add3A_13] : memref<640000xi32, #tpu.memory_space<hbm>> -> memref<40xi32, #tpu.memory_space<hbm>>
    %dma_start3A_15 = tpu.memref_slice %arg3[%add3A_13] : memref<640000xi32, #tpu.memory_space<hbm>> -> memref<40xi32, #tpu.memory_space<hbm>>
    tpu.enqueue_dma source(%dma_start3A_15 : memref<40xi32, #tpu.memory_space<hbm>>) target(%arg7 : memref<40xi32, #tpu.memory_space<vmem>>) target_semaphore(%arg27 : memref<!tpu.dma_semaphore, #tpu.memory_space<semaphore_mem>>)
    %add3A_16 = arith.constant 320000 : i32
    %add3A_17 = arith.addi %add3A_16, %add3A_13 : i32
    %dma_start3A_18 = tpu.memref_slice %arg3[%add3A_17] : memref<640000xi32, #tpu.memory_space<hbm>> -> memref<40xi32, #tpu.memory_space<hbm>>
    %dma_start3A_19 = tpu.memref_slice %arg3[%add3A_17] : memref<640000xi32, #tpu.memory_space<hbm>> -> memref<40xi32, #tpu.memory_space<hbm>>
    tpu.enqueue_dma source(%dma_start3A_19 : memref<40xi32, #tpu.memory_space<hbm>>) target(%arg12 : memref<40xi32, #tpu.memory_space<vmem>>) target_semaphore(%arg27 : memref<!tpu.dma_semaphore, #tpu.memory_space<semaphore_mem>>)
    %dma_start3A_20 = tpu.memref_slice %arg4[%add3A_13] : memref<320000xf32, #tpu.memory_space<hbm>> -> memref<40xf32, #tpu.memory_space<hbm>>
    %dma_start3A_21 = tpu.memref_slice %arg4[%add3A_13] : memref<320000xf32, #tpu.memory_space<hbm>> -> memref<40xf32, #tpu.memory_space<hbm>>
    tpu.enqueue_dma source(%dma_start3A_21 : memref<40xf32, #tpu.memory_space<hbm>>) target(%arg17 : memref<40xf32, #tpu.memory_space<vmem>>) target_semaphore(%arg27 : memref<!tpu.dma_semaphore, #tpu.memory_space<semaphore_mem>>)
    %add3A_22 = arith.constant 80 : i32
    %add3A_23 = arith.addi %mul3A_2, %add3A_22 : i32
    %dma_start3A_24 = tpu.memref_slice %arg3[%add3A_23] : memref<640000xi32, #tpu.memory_space<hbm>> -> memref<40xi32, #tpu.memory_space<hbm>>
    %dma_start3A_25 = tpu.memref_slice %arg3[%add3A_23] : memref<640000xi32, #tpu.memory_space<hbm>> -> memref<40xi32, #tpu.memory_space<hbm>>
    tpu.enqueue_dma source(%dma_start3A_25 : memref<40xi32, #tpu.memory_space<hbm>>) target(%arg8 : memref<40xi32, #tpu.memory_space<vmem>>) target_semaphore(%arg28 : memref<!tpu.dma_semaphore, #tpu.memory_space<semaphore_mem>>)
    %add3A_26 = arith.constant 320000 : i32
    %add3A_27 = arith.addi %add3A_26, %add3A_23 : i32
    %dma_start3A_28 = tpu.memref_slice %arg3[%add3A_27] : memref<640000xi32, #tpu.memory_space<hbm>> -> memref<40xi32, #tpu.memory_space<hbm>>
    %dma_start3A_29 = tpu.memref_slice %arg3[%add3A_27] : memref<640000xi32, #tpu.memory_space<hbm>> -> memref<40xi32, #tpu.memory_space<hbm>>
    tpu.enqueue_dma source(%dma_start3A_29 : memref<40xi32, #tpu.memory_space<hbm>>) target(%arg13 : memref<40xi32, #tpu.memory_space<vmem>>) target_semaphore(%arg28 : memref<!tpu.dma_semaphore, #tpu.memory_space<semaphore_mem>>)
    %dma_start3A_30 = tpu.memref_slice %arg4[%add3A_23] : memref<320000xf32, #tpu.memory_space<hbm>> -> memref<40xf32, #tpu.memory_space<hbm>>
    %dma_start3A_31 = tpu.memref_slice %arg4[%add3A_23] : memref<320000xf32, #tpu.memory_space<hbm>> -> memref<40xf32, #tpu.memory_space<hbm>>
    tpu.enqueue_dma source(%dma_start3A_31 : memref<40xf32, #tpu.memory_space<hbm>>) target(%arg18 : memref<40xf32, #tpu.memory_space<vmem>>) target_semaphore(%arg28 : memref<!tpu.dma_semaphore, #tpu.memory_space<semaphore_mem>>)
    %broadcast_in_dim3A = arith.constant 0.000000e+00 : f32
    %broadcast_in_dim3A_32 = vector.broadcast %broadcast_in_dim3A : f32 to vector<16xf32>
    %scan3A = arith.constant 0 : i32
    %scan3A_33 = arith.constant 40 : i32
    %scan3A_34 = arith.addi %scan3A, %scan3A_33 : i32
    %scan3A_35 = arith.constant 1 : i32
    scf.for %scan3A_88 = %scan3A to %scan3A_34 step %scan3A_35  : i32 {
      %mul3A_89 = arith.constant 1 : i32
      %mul3A_90 = arith.muli %scan3A_88, %mul3A_89 : i32
      %add3A_91 = arith.constant 0 : i32
      %add3A_92 = arith.addi %add3A_91, %mul3A_90 : i32
      %swap3A = arith.index_cast %add3A_92 : i32 to index
      %swap3A_93 = arith.constant 0 : index
      %swap3A_94 = tpu.vector_load %arg25[%swap3A, %swap3A_93] {strides = array<i32>} : memref<40x128xf32, #tpu.memory_space<vmem>>, vector<16xf32>,
      tpu.vector_store %arg25[%swap3A, %swap3A_93], %broadcast_in_dim3A_32 {strides = array<i32>} : memref<40x128xf32, #tpu.memory_space<vmem>>, vector<16xf32>,
      %swap3A_95 = arith.index_cast %add3A_92 : i32 to index
      %swap3A_96 = arith.constant 16 : index
      %swap3A_97 = tpu.vector_load %arg25[%swap3A_95, %swap3A_96] {strides = array<i32>} : memref<40x128xf32, #tpu.memory_space<vmem>>, vector<16xf32>,
      tpu.vector_store %arg25[%swap3A_95, %swap3A_96], %broadcast_in_dim3A_32 {strides = array<i32>} : memref<40x128xf32, #tpu.memory_space<vmem>>, vector<16xf32>,
      %swap3A_98 = arith.index_cast %add3A_92 : i32 to index
      %swap3A_99 = arith.constant 32 : index
      %swap3A_100 = tpu.vector_load %arg25[%swap3A_98, %swap3A_99] {strides = array<i32>} : memref<40x128xf32, #tpu.memory_space<vmem>>, vector<16xf32>,
      tpu.vector_store %arg25[%swap3A_98, %swap3A_99], %broadcast_in_dim3A_32 {strides = array<i32>} : memref<40x128xf32, #tpu.memory_space<vmem>>, vector<16xf32>,
      %swap3A_101 = arith.index_cast %add3A_92 : i32 to index
      %swap3A_102 = arith.constant 48 : index
      %swap3A_103 = tpu.vector_load %arg25[%swap3A_101, %swap3A_102] {strides = array<i32>} : memref<40x128xf32, #tpu.memory_space<vmem>>, vector<16xf32>,
      tpu.vector_store %arg25[%swap3A_101, %swap3A_102], %broadcast_in_dim3A_32 {strides = array<i32>} : memref<40x128xf32, #tpu.memory_space<vmem>>, vector<16xf32>,
      %swap3A_104 = arith.index_cast %add3A_92 : i32 to index
      %swap3A_105 = arith.constant 64 : index
      %swap3A_106 = tpu.vector_load %arg25[%swap3A_104, %swap3A_105] {strides = array<i32>} : memref<40x128xf32, #tpu.memory_space<vmem>>, vector<16xf32>,
      tpu.vector_store %arg25[%swap3A_104, %swap3A_105], %broadcast_in_dim3A_32 {strides = array<i32>} : memref<40x128xf32, #tpu.memory_space<vmem>>, vector<16xf32>,
      %swap3A_107 = arith.index_cast %add3A_92 : i32 to index
      %swap3A_108 = arith.constant 80 : index
      %swap3A_109 = tpu.vector_load %arg25[%swap3A_107, %swap3A_108] {strides = array<i32>} : memref<40x128xf32, #tpu.memory_space<vmem>>, vector<16xf32>,
      tpu.vector_store %arg25[%swap3A_107, %swap3A_108], %broadcast_in_dim3A_32 {strides = array<i32>} : memref<40x128xf32, #tpu.memory_space<vmem>>, vector<16xf32>,
      %swap3A_110 = arith.index_cast %add3A_92 : i32 to index
      %swap3A_111 = arith.constant 96 : index
      %swap3A_112 = tpu.vector_load %arg25[%swap3A_110, %swap3A_111] {strides = array<i32>} : memref<40x128xf32, #tpu.memory_space<vmem>>, vector<16xf32>,
      tpu.vector_store %arg25[%swap3A_110, %swap3A_111], %broadcast_in_dim3A_32 {strides = array<i32>} : memref<40x128xf32, #tpu.memory_space<vmem>>, vector<16xf32>,
      %swap3A_113 = arith.index_cast %add3A_92 : i32 to index
      %swap3A_114 = arith.constant 112 : index
      %swap3A_115 = tpu.vector_load %arg25[%swap3A_113, %swap3A_114] {strides = array<i32>} : memref<40x128xf32, #tpu.memory_space<vmem>>, vector<16xf32>,
      tpu.vector_store %arg25[%swap3A_113, %swap3A_114], %broadcast_in_dim3A_32 {strides = array<i32>} : memref<40x128xf32, #tpu.memory_space<vmem>>, vector<16xf32>,
    }
    %scan3A_36 = arith.constant 40 : i32
    %mul3A_37 = arith.constant 632 : i32
    %mul3A_38 = arith.muli %arg1, %mul3A_37 : i32
    %scan3A_39 = arith.constant 0 : i32
    %scan3A_40 = arith.constant 15 : i32
    %scan3A_41 = arith.addi %scan3A_39, %scan3A_40 : i32
    %scan3A_42 = arith.constant 1 : i32
    scf.for %scan3A_88 = %scan3A_39 to %scan3A_41 step %scan3A_42  : i32 {
      %mul3A_89 = arith.constant 40 : i32
      %mul3A_90 = arith.muli %scan3A_88, %mul3A_89 : i32
      %add3A_91 = arith.constant 0 : i32
      %add3A_92 = arith.addi %add3A_91, %mul3A_90 : i32
      %add3A_93 = arith.addi %mul3A_38, %add3A_92 : i32
      "tpu.region"() ({
        %run_scoped3A = tpu.sem_alloc : memref<!tpu.dma_semaphore, #tpu.memory_space<semaphore_mem>>
        %dma_start3A_94 = arith.constant 0 : i32
        %dma_start3A_95 = tpu.memref_slice %arg41[%add3A_93, %dma_start3A_94] : memref<10112x128xf32, #tpu.memory_space<vmem_shared>> -> memref<40x128xf32, #tpu.memory_space<vmem_shared>>
        %dma_start3A_96 = arith.constant 0 : i32
        %dma_start3A_97 = tpu.memref_slice %arg41[%add3A_93, %dma_start3A_96] : memref<10112x128xf32, #tpu.memory_space<vmem_shared>> -> memref<40x128xf32, #tpu.memory_space<vmem_shared>>
        tpu.enqueue_dma source(%arg25 : memref<40x128xf32, #tpu.memory_space<vmem>>) target(%dma_start3A_97 : memref<40x128xf32, #tpu.memory_space<vmem_shared>>) target_semaphore(%run_scoped3A : memref<!tpu.dma_semaphore, #tpu.memory_space<semaphore_mem>>)
        %dma_wait3A_98 = arith.constant 0 : i32
        %dma_wait3A_99 = tpu.memref_slice %arg41[%add3A_93, %dma_wait3A_98] : memref<10112x128xf32, #tpu.memory_space<vmem_shared>> -> memref<40x128xf32, #tpu.memory_space<vmem_shared>>
        %dma_wait3A_100 = arith.constant 0 : i32
        %dma_wait3A_101 = tpu.memref_slice %arg41[%add3A_93, %dma_wait3A_100] : memref<10112x128xf32, #tpu.memory_space<vmem_shared>> -> memref<40x128xf32, #tpu.memory_space<vmem_shared>>
        tpu.wait_dma2 semaphore(%run_scoped3A : memref<!tpu.dma_semaphore, #tpu.memory_space<semaphore_mem>>) src(%arg25 : memref<40x128xf32, #tpu.memory_space<vmem>>) dst(%dma_wait3A_101 : memref<40x128xf32, #tpu.memory_space<vmem_shared>>)
        tpu.yield
      }) : () -> ()
    }
    %scan3A_43 = arith.constant 15 : i32
    %add3A_44 = arith.constant 632 : i32
    %add3A_45 = arith.addi %mul3A_38, %add3A_44 : i32
    %sub3A = arith.constant 32 : i32
    %sub3A_46 = arith.subi %add3A_45, %sub3A : i32
    "tpu.region"() ({
      %run_scoped3A = tpu.sem_alloc : memref<!tpu.dma_semaphore, #tpu.memory_space<semaphore_mem>>
      %dma_start3A_88 = arith.constant 0 : i32
      %dma_start3A_89 = arith.constant 0 : i32
      %dma_start3A_90 = tpu.memref_slice %arg25[%dma_start3A_88, %dma_start3A_89] : memref<40x128xf32, #tpu.memory_space<vmem>> -> memref<32x128xf32, #tpu.memory_space<vmem>>
      %dma_start3A_91 = arith.constant 0 : i32
      %dma_start3A_92 = tpu.memref_slice %arg41[%sub3A_46, %dma_start3A_91] : memref<10112x128xf32, #tpu.memory_space<vmem_shared>> -> memref<32x128xf32, #tpu.memory_space<vmem_shared>>
      %dma_start3A_93 = arith.constant 0 : i32
      %dma_start3A_94 = tpu.memref_slice %arg41[%sub3A_46, %dma_start3A_93] : memref<10112x128xf32, #tpu.memory_space<vmem_shared>> -> memref<32x128xf32, #tpu.memory_space<vmem_shared>>
      %dma_start3A_95 = arith.constant 0 : i32
      %dma_start3A_96 = arith.constant 0 : i32
      %dma_start3A_97 = tpu.memref_slice %arg25[%dma_start3A_95, %dma_start3A_96] : memref<40x128xf32, #tpu.memory_space<vmem>> -> memref<32x128xf32, #tpu.memory_space<vmem>>
      tpu.enqueue_dma source(%dma_start3A_97 : memref<32x128xf32, #tpu.memory_space<vmem>>) target(%dma_start3A_94 : memref<32x128xf32, #tpu.memory_space<vmem_shared>>) target_semaphore(%run_scoped3A : memref<!tpu.dma_semaphore, #tpu.memory_space<semaphore_mem>>)
      %dma_wait3A_98 = arith.constant 0 : i32
      %dma_wait3A_99 = arith.constant 0 : i32
      %dma_wait3A_100 = tpu.memref_slice %arg25[%dma_wait3A_98, %dma_wait3A_99] : memref<40x128xf32, #tpu.memory_space<vmem>> -> memref<32x128xf32, #tpu.memory_space<vmem>>
      %dma_wait3A_101 = arith.constant 0 : i32
      %dma_wait3A_102 = tpu.memref_slice %arg41[%sub3A_46, %dma_wait3A_101] : memref<10112x128xf32, #tpu.memory_space<vmem_shared>> -> memref<32x128xf32, #tpu.memory_space<vmem_shared>>
      %dma_wait3A_103 = arith.constant 0 : i32
      %dma_wait3A_104 = tpu.memref_slice %arg41[%sub3A_46, %dma_wait3A_103] : memref<10112x128xf32, #tpu.memory_space<vmem_shared>> -> memref<32x128xf32, #tpu.memory_space<vmem_shared>>
      %dma_wait3A_105 = arith.constant 0 : i32
      %dma_wait3A_106 = arith.constant 0 : i32
      %dma_wait3A_107 = tpu.memref_slice %arg25[%dma_wait3A_105, %dma_wait3A_106] : memref<40x128xf32, #tpu.memory_space<vmem>> -> memref<32x128xf32, #tpu.memory_space<vmem>>
      tpu.wait_dma2 semaphore(%run_scoped3A : memref<!tpu.dma_semaphore, #tpu.memory_space<semaphore_mem>>) src(%dma_wait3A_107 : memref<32x128xf32, #tpu.memory_space<vmem>>) dst(%dma_wait3A_104 : memref<32x128xf32, #tpu.memory_space<vmem_shared>>)
      tpu.yield
    }) : () -> ()
    %add3A_47 = arith.constant 0 : i32
    %add3A_48 = arith.addi %mul3A_2, %add3A_47 : i32
    %dma_wait3A = tpu.memref_slice %arg3[%add3A_48] : memref<640000xi32, #tpu.memory_space<hbm>> -> memref<40xi32, #tpu.memory_space<hbm>>
    %dma_wait3A_49 = tpu.memref_slice %arg3[%add3A_48] : memref<640000xi32, #tpu.memory_space<hbm>> -> memref<40xi32, #tpu.memory_space<hbm>>
    tpu.wait_dma2 semaphore(%arg26 : memref<!tpu.dma_semaphore, #tpu.memory_space<semaphore_mem>>) src(%dma_wait3A_49 : memref<40xi32, #tpu.memory_space<hbm>>) dst(%arg6 : memref<40xi32, #tpu.memory_space<vmem>>)
    %add3A_50 = arith.constant 320000 : i32
    %add3A_51 = arith.addi %add3A_50, %add3A_48 : i32
    %dma_wait3A_52 = tpu.memref_slice %arg3[%add3A_51] : memref<640000xi32, #tpu.memory_space<hbm>> -> memref<40xi32, #tpu.memory_space<hbm>>
    %dma_wait3A_53 = tpu.memref_slice %arg3[%add3A_51] : memref<640000xi32, #tpu.memory_space<hbm>> -> memref<40xi32, #tpu.memory_space<hbm>>
    tpu.wait_dma2 semaphore(%arg26 : memref<!tpu.dma_semaphore, #tpu.memory_space<semaphore_mem>>) src(%dma_wait3A_53 : memref<40xi32, #tpu.memory_space<hbm>>) dst(%arg11 : memref<40xi32, #tpu.memory_space<vmem>>)
    %dma_wait3A_54 = tpu.memref_slice %arg4[%add3A_48] : memref<320000xf32, #tpu.memory_space<hbm>> -> memref<40xf32, #tpu.memory_space<hbm>>
    %dma_wait3A_55 = tpu.memref_slice %arg4[%add3A_48] : memref<320000xf32, #tpu.memory_space<hbm>> -> memref<40xf32, #tpu.memory_space<hbm>>
    tpu.wait_dma2 semaphore(%arg26 : memref<!tpu.dma_semaphore, #tpu.memory_space<semaphore_mem>>) src(%dma_wait3A_55 : memref<40xf32, #tpu.memory_space<hbm>>) dst(%arg16 : memref<40xf32, #tpu.memory_space<vmem>>)
    %dma_start3A_56 = arith.constant 0 : i32
    %dma_start3A_57 = arith.constant 0 : i32
    %dma_start3A_58 = tpu.memref_slice %arg2[%dma_start3A_56, %dma_start3A_57] : memref<10240x128xf32, #tpu.memory_space<hbm>> -> memref<10240x128xf32, #tpu.memory_space<hbm>>
    tpu.enqueue_indirect_dma source(%dma_start3A_58 : memref<10240x128xf32, #tpu.memory_space<hbm>>) target(%arg21 : memref<40x128xf32, #tpu.memory_space<vmem>>) offsets(%arg6 : memref<40xi32, #tpu.memory_space<vmem>>) semaphore(%arg31 : memref<!tpu.dma_semaphore, #tpu.memory_space<semaphore_mem>>)
    %add3A_59 = arith.constant 40 : i32
    %add3A_60 = arith.addi %mul3A_2, %add3A_59 : i32
    %dma_wait3A_61 = tpu.memref_slice %arg3[%add3A_60] : memref<640000xi32, #tpu.memory_space<hbm>> -> memref<40xi32, #tpu.memory_space<hbm>>
    %dma_wait3A_62 = tpu.memref_slice %arg3[%add3A_60] : memref<640000xi32, #tpu.memory_space<hbm>> -> memref<40xi32, #tpu.memory_space<hbm>>
    tpu.wait_dma2 semaphore(%arg27 : memref<!tpu.dma_semaphore, #tpu.memory_space<semaphore_mem>>) src(%dma_wait3A_62 : memref<40xi32, #tpu.memory_space<hbm>>) dst(%arg7 : memref<40xi32, #tpu.memory_space<vmem>>)
    %add3A_63 = arith.constant 320000 : i32
    %add3A_64 = arith.addi %add3A_63, %add3A_60 : i32
    %dma_wait3A_65 = tpu.memref_slice %arg3[%add3A_64] : memref<640000xi32, #tpu.memory_space<hbm>> -> memref<40xi32, #tpu.memory_space<hbm>>
    %dma_wait3A_66 = tpu.memref_slice %arg3[%add3A_64] : memref<640000xi32, #tpu.memory_space<hbm>> -> memref<40xi32, #tpu.memory_space<hbm>>
    tpu.wait_dma2 semaphore(%arg27 : memref<!tpu.dma_semaphore, #tpu.memory_space<semaphore_mem>>) src(%dma_wait3A_66 : memref<40xi32, #tpu.memory_space<hbm>>) dst(%arg12 : memref<40xi32, #tpu.memory_space<vmem>>)
    %dma_wait3A_67 = tpu.memref_slice %arg4[%add3A_60] : memref<320000xf32, #tpu.memory_space<hbm>> -> memref<40xf32, #tpu.memory_space<hbm>>
    %dma_wait3A_68 = tpu.memref_slice %arg4[%add3A_60] : memref<320000xf32, #tpu.memory_space<hbm>> -> memref<40xf32, #tpu.memory_space<hbm>>
    tpu.wait_dma2 semaphore(%arg27 : memref<!tpu.dma_semaphore, #tpu.memory_space<semaphore_mem>>) src(%dma_wait3A_68 : memref<40xf32, #tpu.memory_space<hbm>>) dst(%arg17 : memref<40xf32, #tpu.memory_space<vmem>>)
    %dma_start3A_69 = arith.constant 0 : i32
    %dma_start3A_70 = arith.constant 0 : i32
    %dma_start3A_71 = tpu.memref_slice %arg2[%dma_start3A_69, %dma_start3A_70] : memref<10240x128xf32, #tpu.memory_space<hbm>> -> memref<10240x128xf32, #tpu.memory_space<hbm>>
    tpu.enqueue_indirect_dma source(%dma_start3A_71 : memref<10240x128xf32, #tpu.memory_space<hbm>>) target(%arg22 : memref<40x128xf32, #tpu.memory_space<vmem>>) offsets(%arg7 : memref<40xi32, #tpu.memory_space<vmem>>) semaphore(%arg32 : memref<!tpu.dma_semaphore, #tpu.memory_space<semaphore_mem>>)
    %barrier3A = arith.constant 0 : index
    tpu.barrier barrier_id(%barrier3A)
    "tpu.trace_stop"() : () -> ()
    "tpu.trace_start"() <{level = 10 : i32, message = "b_loop"}> : () -> ()
    %scan3A_72 = arith.constant 0 : i32
    %scan3A_73 = arith.constant 50 : i32
    %scan3A_74 = arith.addi %scan3A_72, %scan3A_73 : i32
    %scan3A_75 = arith.constant 1 : i32
    scf.for %scan3A_88 = %scan3A_72 to %scan3A_74 step %scan3A_75  : i32 {
      %mul3A_89 = arith.constant 5 : i32
      %mul3A_90 = arith.muli %scan3A_88, %mul3A_89 : i32
      %add3A_91 = arith.constant 0 : i32
      %add3A_92 = arith.addi %add3A_91, %mul3A_90 : i32
      %add3A_93 = arith.constant 0 : i32
      %add3A_94 = arith.addi %add3A_92, %add3A_93 : i32
      %ge3A = arith.constant 2 : i32
      %ge3A_95 = arith.cmpi sge, %add3A_94, %ge3A : i32
      %convert_element_type3A = arith.extui %ge3A_95 : i1 to i32
      %cond3A = arith.constant 0 : i32
      %cond3A_96 = arith.cmpi ne, %convert_element_type3A, %cond3A : i32
      scf.if %cond3A_96 {
        %dma_wait3A_249 = arith.constant 0 : i32
        %dma_wait3A_250 = arith.constant 0 : i32
        %dma_wait3A_251 = tpu.memref_slice %arg41[%dma_wait3A_249, %dma_wait3A_250] : memref<10112x128xf32, #tpu.memory_space<vmem_shared>> -> memref<10112x128xf32, #tpu.memory_space<vmem_shared>>
        tpu.wait_indirect_dma semaphore(%arg39 : memref<!tpu.dma_semaphore, #tpu.memory_space<semaphore_mem>>) src(%arg24 : memref<40x128xf32, #tpu.memory_space<vmem>>) dst(%dma_wait3A_251 : memref<10112x128xf32, #tpu.memory_space<vmem_shared>>)
      } else {
      }
      %add3A_97 = arith.constant 3 : i32
      %add3A_98 = arith.addi %add3A_94, %add3A_97 : i32
      %lt3A = arith.constant 250 : i32
      %lt3A_99 = arith.cmpi slt, %add3A_98, %lt3A : i32
      %convert_element_type3A_100 = arith.extui %lt3A_99 : i1 to i32
      %cond3A_101 = arith.constant 0 : i32
      %cond3A_102 = arith.cmpi ne, %convert_element_type3A_100, %cond3A_101 : i32
      scf.if %cond3A_102 {
        %add3A_249 = arith.constant 3 : i32
        %add3A_250 = arith.addi %add3A_94, %add3A_249 : i32
        %mul3A_251 = arith.constant 40 : i32
        %mul3A_252 = arith.muli %add3A_250, %mul3A_251 : i32
        %add3A_253 = arith.addi %mul3A_2, %mul3A_252 : i32
        %dma_start3A_254 = tpu.memref_slice %arg3[%add3A_253] : memref<640000xi32, #tpu.memory_space<hbm>> -> memref<40xi32, #tpu.memory_space<hbm>>
        %dma_start3A_255 = tpu.memref_slice %arg3[%add3A_253] : memref<640000xi32, #tpu.memory_space<hbm>> -> memref<40xi32, #tpu.memory_space<hbm>>
        tpu.enqueue_dma source(%dma_start3A_255 : memref<40xi32, #tpu.memory_space<hbm>>) target(%arg9 : memref<40xi32, #tpu.memory_space<vmem>>) target_semaphore(%arg29 : memref<!tpu.dma_semaphore, #tpu.memory_space<semaphore_mem>>)
        %add3A_256 = arith.constant 320000 : i32
        %add3A_257 = arith.addi %add3A_256, %add3A_253 : i32
        %dma_start3A_258 = tpu.memref_slice %arg3[%add3A_257] : memref<640000xi32, #tpu.memory_space<hbm>> -> memref<40xi32, #tpu.memory_space<hbm>>
        %dma_start3A_259 = tpu.memref_slice %arg3[%add3A_257] : memref<640000xi32, #tpu.memory_space<hbm>> -> memref<40xi32, #tpu.memory_space<hbm>>
        tpu.enqueue_dma source(%dma_start3A_259 : memref<40xi32, #tpu.memory_space<hbm>>) target(%arg14 : memref<40xi32, #tpu.memory_space<vmem>>) target_semaphore(%arg29 : memref<!tpu.dma_semaphore, #tpu.memory_space<semaphore_mem>>)
        %dma_start3A_260 = tpu.memref_slice %arg4[%add3A_253] : memref<320000xf32, #tpu.memory_space<hbm>> -> memref<40xf32, #tpu.memory_space<hbm>>
        %dma_start3A_261 = tpu.memref_slice %arg4[%add3A_253] : memref<320000xf32, #tpu.memory_space<hbm>> -> memref<40xf32, #tpu.memory_space<hbm>>
        tpu.enqueue_dma source(%dma_start3A_261 : memref<40xf32, #tpu.memory_space<hbm>>) target(%arg19 : memref<40xf32, #tpu.memory_space<vmem>>) target_semaphore(%arg29 : memref<!tpu.dma_semaphore, #tpu.memory_space<semaphore_mem>>)
      } else {
      }
      %add3A_103 = arith.constant 2 : i32
      %add3A_104 = arith.addi %add3A_94, %add3A_103 : i32
      %lt3A_105 = arith.constant 250 : i32
      %lt3A_106 = arith.cmpi slt, %add3A_104, %lt3A_105 : i32
      %convert_element_type3A_107 = arith.extui %lt3A_106 : i1 to i32
      %cond3A_108 = arith.constant 0 : i32
      %cond3A_109 = arith.cmpi ne, %convert_element_type3A_107, %cond3A_108 : i32
      scf.if %cond3A_109 {
        %add3A_249 = arith.constant 2 : i32
        %add3A_250 = arith.addi %add3A_94, %add3A_249 : i32
        %mul3A_251 = arith.constant 40 : i32
        %mul3A_252 = arith.muli %add3A_250, %mul3A_251 : i32
        %add3A_253 = arith.addi %mul3A_2, %mul3A_252 : i32
        %dma_wait3A_254 = tpu.memref_slice %arg3[%add3A_253] : memref<640000xi32, #tpu.memory_space<hbm>> -> memref<40xi32, #tpu.memory_space<hbm>>
        %dma_wait3A_255 = tpu.memref_slice %arg3[%add3A_253] : memref<640000xi32, #tpu.memory_space<hbm>> -> memref<40xi32, #tpu.memory_space<hbm>>
        tpu.wait_dma2 semaphore(%arg28 : memref<!tpu.dma_semaphore, #tpu.memory_space<semaphore_mem>>) src(%dma_wait3A_255 : memref<40xi32, #tpu.memory_space<hbm>>) dst(%arg8 : memref<40xi32, #tpu.memory_space<vmem>>)
        %add3A_256 = arith.constant 320000 : i32
        %add3A_257 = arith.addi %add3A_256, %add3A_253 : i32
        %dma_wait3A_258 = tpu.memref_slice %arg3[%add3A_257] : memref<640000xi32, #tpu.memory_space<hbm>> -> memref<40xi32, #tpu.memory_space<hbm>>
        %dma_wait3A_259 = tpu.memref_slice %arg3[%add3A_257] : memref<640000xi32, #tpu.memory_space<hbm>> -> memref<40xi32, #tpu.memory_space<hbm>>
        tpu.wait_dma2 semaphore(%arg28 : memref<!tpu.dma_semaphore, #tpu.memory_space<semaphore_mem>>) src(%dma_wait3A_259 : memref<40xi32, #tpu.memory_space<hbm>>) dst(%arg13 : memref<40xi32, #tpu.memory_space<vmem>>)
        %dma_wait3A_260 = tpu.memref_slice %arg4[%add3A_253] : memref<320000xf32, #tpu.memory_space<hbm>> -> memref<40xf32, #tpu.memory_space<hbm>>
        %dma_wait3A_261 = tpu.memref_slice %arg4[%add3A_253] : memref<320000xf32, #tpu.memory_space<hbm>> -> memref<40xf32, #tpu.memory_space<hbm>>
        tpu.wait_dma2 semaphore(%arg28 : memref<!tpu.dma_semaphore, #tpu.memory_space<semaphore_mem>>) src(%dma_wait3A_261 : memref<40xf32, #tpu.memory_space<hbm>>) dst(%arg18 : memref<40xf32, #tpu.memory_space<vmem>>)
        %dma_start3A_262 = arith.constant 0 : i32
        %dma_start3A_263 = arith.constant 0 : i32
        %dma_start3A_264 = tpu.memref_slice %arg2[%dma_start3A_262, %dma_start3A_263] : memref<10240x128xf32, #tpu.memory_space<hbm>> -> memref<10240x128xf32, #tpu.memory_space<hbm>>
        tpu.enqueue_indirect_dma source(%dma_start3A_264 : memref<10240x128xf32, #tpu.memory_space<hbm>>) target(%arg23 : memref<40x128xf32, #tpu.memory_space<vmem>>) offsets(%arg8 : memref<40xi32, #tpu.memory_space<vmem>>) semaphore(%arg33 : memref<!tpu.dma_semaphore, #tpu.memory_space<semaphore_mem>>)
      } else {
      }
      %dma_wait3A_110 = arith.constant 0 : i32
      %dma_wait3A_111 = arith.constant 0 : i32
      %dma_wait3A_112 = tpu.memref_slice %arg2[%dma_wait3A_110, %dma_wait3A_111] : memref<10240x128xf32, #tpu.memory_space<hbm>> -> memref<10240x128xf32, #tpu.memory_space<hbm>>
      tpu.wait_indirect_dma semaphore(%arg31 : memref<!tpu.dma_semaphore, #tpu.memory_space<semaphore_mem>>) src(%dma_wait3A_112 : memref<10240x128xf32, #tpu.memory_space<hbm>>) dst(%arg21 : memref<40x128xf32, #tpu.memory_space<vmem>>)
      %scan3A_113 = arith.constant 0 : i32
      %scan3A_114 = arith.constant 20 : i32
      %scan3A_115 = arith.addi %scan3A_113, %scan3A_114 : i32
      %scan3A_116 = arith.constant 1 : i32
      scf.for %scan3A_249 = %scan3A_113 to %scan3A_115 step %scan3A_116  : i32 {
        %mul3A_250 = arith.constant 2 : i32
        %mul3A_251 = arith.muli %scan3A_249, %mul3A_250 : i32
        %add3A_252 = arith.constant 0 : i32
        %add3A_253 = arith.addi %add3A_252, %mul3A_251 : i32
        %broadcast_in_dim3A_254 = arith.constant 0 : i32
        %broadcast_in_dim3A_255 = vector.broadcast %broadcast_in_dim3A_254 : i32 to vector<16xi32>
        %add3A_256 = vector.broadcast %add3A_253 : i32 to vector<16xi32>
        %add3A_257 = arith.addi %broadcast_in_dim3A_255, %add3A_256 : vector<16xi32>
        %gather3A = tpu.vector_load_idx %arg16[%add3A_257] : memref<40xf32, #tpu.memory_space<vmem>>[vector<16xi32>], vector<16xf32>,
        %add3A_258 = arith.constant 1 : i32
        %add3A_259 = vector.broadcast %add3A_258 : i32 to vector<16xi32>
        %add3A_260 = arith.addi %add3A_257, %add3A_259 : vector<16xi32>
        %gather3A_261 = tpu.vector_load_idx %arg16[%add3A_260] : memref<40xf32, #tpu.memory_space<vmem>>[vector<16xi32>], vector<16xf32>,
        %add3A_262 = arith.constant 1 : i32
        %add3A_263 = arith.addi %add3A_253, %add3A_262 : i32
        %get3A = arith.index_cast %add3A_253 : i32 to index
        %get3A_264 = arith.constant 0 : index
        %get3A_265 = tpu.vector_load %arg21[%get3A, %get3A_264] {strides = array<i32>} : memref<40x128xf32, #tpu.memory_space<vmem>>, vector<16xf32>,
        %mul3A_266 = arith.mulf %get3A_265, %gather3A : vector<16xf32>
        %swap3A = arith.index_cast %add3A_253 : i32 to index
        %swap3A_267 = arith.constant 0 : index
        %swap3A_268 = tpu.vector_load %arg21[%swap3A, %swap3A_267] {strides = array<i32>} : memref<40x128xf32, #tpu.memory_space<vmem>>, vector<16xf32>,
        tpu.vector_store %arg21[%swap3A, %swap3A_267], %mul3A_266 {strides = array<i32>} : memref<40x128xf32, #tpu.memory_space<vmem>>, vector<16xf32>,
        %get3A_269 = arith.index_cast %add3A_253 : i32 to index
        %get3A_270 = arith.constant 16 : index
        %get3A_271 = tpu.vector_load %arg21[%get3A_269, %get3A_270] {strides = array<i32>} : memref<40x128xf32, #tpu.memory_space<vmem>>, vector<16xf32>,
        %mul3A_272 = arith.mulf %get3A_271, %gather3A : vector<16xf32>
        %swap3A_273 = arith.index_cast %add3A_253 : i32 to index
        %swap3A_274 = arith.constant 16 : index
        %swap3A_275 = tpu.vector_load %arg21[%swap3A_273, %swap3A_274] {strides = array<i32>} : memref<40x128xf32, #tpu.memory_space<vmem>>, vector<16xf32>,
        tpu.vector_store %arg21[%swap3A_273, %swap3A_274], %mul3A_272 {strides = array<i32>} : memref<40x128xf32, #tpu.memory_space<vmem>>, vector<16xf32>,
        %get3A_276 = arith.index_cast %add3A_253 : i32 to index
        %get3A_277 = arith.constant 32 : index
        %get3A_278 = tpu.vector_load %arg21[%get3A_276, %get3A_277] {strides = array<i32>} : memref<40x128xf32, #tpu.memory_space<vmem>>, vector<16xf32>,
        %mul3A_279 = arith.mulf %get3A_278, %gather3A : vector<16xf32>
        %swap3A_280 = arith.index_cast %add3A_253 : i32 to index
        %swap3A_281 = arith.constant 32 : index
        %swap3A_282 = tpu.vector_load %arg21[%swap3A_280, %swap3A_281] {strides = array<i32>} : memref<40x128xf32, #tpu.memory_space<vmem>>, vector<16xf32>,
        tpu.vector_store %arg21[%swap3A_280, %swap3A_281], %mul3A_279 {strides = array<i32>} : memref<40x128xf32, #tpu.memory_space<vmem>>, vector<16xf32>,
        %get3A_283 = arith.index_cast %add3A_253 : i32 to index
        %get3A_284 = arith.constant 48 : index
        %get3A_285 = tpu.vector_load %arg21[%get3A_283, %get3A_284] {strides = array<i32>} : memref<40x128xf32, #tpu.memory_space<vmem>>, vector<16xf32>,
        %mul3A_286 = arith.mulf %get3A_285, %gather3A : vector<16xf32>
        %swap3A_287 = arith.index_cast %add3A_253 : i32 to index
        %swap3A_288 = arith.constant 48 : index
        %swap3A_289 = tpu.vector_load %arg21[%swap3A_287, %swap3A_288] {strides = array<i32>} : memref<40x128xf32, #tpu.memory_space<vmem>>, vector<16xf32>,
        tpu.vector_store %arg21[%swap3A_287, %swap3A_288], %mul3A_286 {strides = array<i32>} : memref<40x128xf32, #tpu.memory_space<vmem>>, vector<16xf32>,
        %get3A_290 = arith.index_cast %add3A_253 : i32 to index
        %get3A_291 = arith.constant 64 : index
        %get3A_292 = tpu.vector_load %arg21[%get3A_290, %get3A_291] {strides = array<i32>} : memref<40x128xf32, #tpu.memory_space<vmem>>, vector<16xf32>,
        %mul3A_293 = arith.mulf %get3A_292, %gather3A : vector<16xf32>
        %swap3A_294 = arith.index_cast %add3A_253 : i32 to index
        %swap3A_295 = arith.constant 64 : index
        %swap3A_296 = tpu.vector_load %arg21[%swap3A_294, %swap3A_295] {strides = array<i32>} : memref<40x128xf32, #tpu.memory_space<vmem>>, vector<16xf32>,
        tpu.vector_store %arg21[%swap3A_294, %swap3A_295], %mul3A_293 {strides = array<i32>} : memref<40x128xf32, #tpu.memory_space<vmem>>, vector<16xf32>,
        %get3A_297 = arith.index_cast %add3A_253 : i32 to index
        %get3A_298 = arith.constant 80 : index
        %get3A_299 = tpu.vector_load %arg21[%get3A_297, %get3A_298] {strides = array<i32>} : memref<40x128xf32, #tpu.memory_space<vmem>>, vector<16xf32>,
        %mul3A_300 = arith.mulf %get3A_299, %gather3A : vector<16xf32>
        %swap3A_301 = arith.index_cast %add3A_253 : i32 to index
        %swap3A_302 = arith.constant 80 : index
        %swap3A_303 = tpu.vector_load %arg21[%swap3A_301, %swap3A_302] {strides = array<i32>} : memref<40x128xf32, #tpu.memory_space<vmem>>, vector<16xf32>,
        tpu.vector_store %arg21[%swap3A_301, %swap3A_302], %mul3A_300 {strides = array<i32>} : memref<40x128xf32, #tpu.memory_space<vmem>>, vector<16xf32>,
        %get3A_304 = arith.index_cast %add3A_253 : i32 to index
        %get3A_305 = arith.constant 96 : index
        %get3A_306 = tpu.vector_load %arg21[%get3A_304, %get3A_305] {strides = array<i32>} : memref<40x128xf32, #tpu.memory_space<vmem>>, vector<16xf32>,
        %mul3A_307 = arith.mulf %get3A_306, %gather3A : vector<16xf32>
        %swap3A_308 = arith.index_cast %add3A_253 : i32 to index
        %swap3A_309 = arith.constant 96 : index
        %swap3A_310 = tpu.vector_load %arg21[%swap3A_308, %swap3A_309] {strides = array<i32>} : memref<40x128xf32, #tpu.memory_space<vmem>>, vector<16xf32>,
        tpu.vector_store %arg21[%swap3A_308, %swap3A_309], %mul3A_307 {strides = array<i32>} : memref<40x128xf32, #tpu.memory_space<vmem>>, vector<16xf32>,
        %get3A_311 = arith.index_cast %add3A_253 : i32 to index
        %get3A_312 = arith.constant 112 : index
        %get3A_313 = tpu.vector_load %arg21[%get3A_311, %get3A_312] {strides = array<i32>} : memref<40x128xf32, #tpu.memory_space<vmem>>, vector<16xf32>,
        %mul3A_314 = arith.mulf %get3A_313, %gather3A : vector<16xf32>
        %swap3A_315 = arith.index_cast %add3A_253 : i32 to index
        %swap3A_316 = arith.constant 112 : index
        %swap3A_317 = tpu.vector_load %arg21[%swap3A_315, %swap3A_316] {strides = array<i32>} : memref<40x128xf32, #tpu.memory_space<vmem>>, vector<16xf32>,
        tpu.vector_store %arg21[%swap3A_315, %swap3A_316], %mul3A_314 {strides = array<i32>} : memref<40x128xf32, #tpu.memory_space<vmem>>, vector<16xf32>,
        %get3A_318 = arith.index_cast %add3A_263 : i32 to index
        %get3A_319 = arith.constant 0 : index
        %get3A_320 = tpu.vector_load %arg21[%get3A_318, %get3A_319] {strides = array<i32>} : memref<40x128xf32, #tpu.memory_space<vmem>>, vector<16xf32>,
        %mul3A_321 = arith.mulf %get3A_320, %gather3A_261 : vector<16xf32>
        %swap3A_322 = arith.index_cast %add3A_263 : i32 to index
        %swap3A_323 = arith.constant 0 : index
        %swap3A_324 = tpu.vector_load %arg21[%swap3A_322, %swap3A_323] {strides = array<i32>} : memref<40x128xf32, #tpu.memory_space<vmem>>, vector<16xf32>,
        tpu.vector_store %arg21[%swap3A_322, %swap3A_323], %mul3A_321 {strides = array<i32>} : memref<40x128xf32, #tpu.memory_space<vmem>>, vector<16xf32>,
        %get3A_325 = arith.index_cast %add3A_263 : i32 to index
        %get3A_326 = arith.constant 16 : index
        %get3A_327 = tpu.vector_load %arg21[%get3A_325, %get3A_326] {strides = array<i32>} : memref<40x128xf32, #tpu.memory_space<vmem>>, vector<16xf32>,
        %mul3A_328 = arith.mulf %get3A_327, %gather3A_261 : vector<16xf32>
        %swap3A_329 = arith.index_cast %add3A_263 : i32 to index
        %swap3A_330 = arith.constant 16 : index
        %swap3A_331 = tpu.vector_load %arg21[%swap3A_329, %swap3A_330] {strides = array<i32>} : memref<40x128xf32, #tpu.memory_space<vmem>>, vector<16xf32>,
        tpu.vector_store %arg21[%swap3A_329, %swap3A_330], %mul3A_328 {strides = array<i32>} : memref<40x128xf32, #tpu.memory_space<vmem>>, vector<16xf32>,
        %get3A_332 = arith.index_cast %add3A_263 : i32 to index
        %get3A_333 = arith.constant 32 : index
        %get3A_334 = tpu.vector_load %arg21[%get3A_332, %get3A_333] {strides = array<i32>} : memref<40x128xf32, #tpu.memory_space<vmem>>, vector<16xf32>,
        %mul3A_335 = arith.mulf %get3A_334, %gather3A_261 : vector<16xf32>
        %swap3A_336 = arith.index_cast %add3A_263 : i32 to index
        %swap3A_337 = arith.constant 32 : index
        %swap3A_338 = tpu.vector_load %arg21[%swap3A_336, %swap3A_337] {strides = array<i32>} : memref<40x128xf32, #tpu.memory_space<vmem>>, vector<16xf32>,
        tpu.vector_store %arg21[%swap3A_336, %swap3A_337], %mul3A_335 {strides = array<i32>} : memref<40x128xf32, #tpu.memory_space<vmem>>, vector<16xf32>,
        %get3A_339 = arith.index_cast %add3A_263 : i32 to index
        %get3A_340 = arith.constant 48 : index
        %get3A_341 = tpu.vector_load %arg21[%get3A_339, %get3A_340] {strides = array<i32>} : memref<40x128xf32, #tpu.memory_space<vmem>>, vector<16xf32>,
        %mul3A_342 = arith.mulf %get3A_341, %gather3A_261 : vector<16xf32>
        %swap3A_343 = arith.index_cast %add3A_263 : i32 to index
        %swap3A_344 = arith.constant 48 : index
        %swap3A_345 = tpu.vector_load %arg21[%swap3A_343, %swap3A_344] {strides = array<i32>} : memref<40x128xf32, #tpu.memory_space<vmem>>, vector<16xf32>,
        tpu.vector_store %arg21[%swap3A_343, %swap3A_344], %mul3A_342 {strides = array<i32>} : memref<40x128xf32, #tpu.memory_space<vmem>>, vector<16xf32>,
        %get3A_346 = arith.index_cast %add3A_263 : i32 to index
        %get3A_347 = arith.constant 64 : index
        %get3A_348 = tpu.vector_load %arg21[%get3A_346, %get3A_347] {strides = array<i32>} : memref<40x128xf32, #tpu.memory_space<vmem>>, vector<16xf32>,
        %mul3A_349 = arith.mulf %get3A_348, %gather3A_261 : vector<16xf32>
        %swap3A_350 = arith.index_cast %add3A_263 : i32 to index
        %swap3A_351 = arith.constant 64 : index
        %swap3A_352 = tpu.vector_load %arg21[%swap3A_350, %swap3A_351] {strides = array<i32>} : memref<40x128xf32, #tpu.memory_space<vmem>>, vector<16xf32>,
        tpu.vector_store %arg21[%swap3A_350, %swap3A_351], %mul3A_349 {strides = array<i32>} : memref<40x128xf32, #tpu.memory_space<vmem>>, vector<16xf32>,
        %get3A_353 = arith.index_cast %add3A_263 : i32 to index
        %get3A_354 = arith.constant 80 : index
        %get3A_355 = tpu.vector_load %arg21[%get3A_353, %get3A_354] {strides = array<i32>} : memref<40x128xf32, #tpu.memory_space<vmem>>, vector<16xf32>,
        %mul3A_356 = arith.mulf %get3A_355, %gather3A_261 : vector<16xf32>
        %swap3A_357 = arith.index_cast %add3A_263 : i32 to index
        %swap3A_358 = arith.constant 80 : index
        %swap3A_359 = tpu.vector_load %arg21[%swap3A_357, %swap3A_358] {strides = array<i32>} : memref<40x128xf32, #tpu.memory_space<vmem>>, vector<16xf32>,
        tpu.vector_store %arg21[%swap3A_357, %swap3A_358], %mul3A_356 {strides = array<i32>} : memref<40x128xf32, #tpu.memory_space<vmem>>, vector<16xf32>,
        %get3A_360 = arith.index_cast %add3A_263 : i32 to index
        %get3A_361 = arith.constant 96 : index
        %get3A_362 = tpu.vector_load %arg21[%get3A_360, %get3A_361] {strides = array<i32>} : memref<40x128xf32, #tpu.memory_space<vmem>>, vector<16xf32>,
        %mul3A_363 = arith.mulf %get3A_362, %gather3A_261 : vector<16xf32>
        %swap3A_364 = arith.index_cast %add3A_263 : i32 to index
        %swap3A_365 = arith.constant 96 : index
        %swap3A_366 = tpu.vector_load %arg21[%swap3A_364, %swap3A_365] {strides = array<i32>} : memref<40x128xf32, #tpu.memory_space<vmem>>, vector<16xf32>,
        tpu.vector_store %arg21[%swap3A_364, %swap3A_365], %mul3A_363 {strides = array<i32>} : memref<40x128xf32, #tpu.memory_space<vmem>>, vector<16xf32>,
        %get3A_367 = arith.index_cast %add3A_263 : i32 to index
        %get3A_368 = arith.constant 112 : index
        %get3A_369 = tpu.vector_load %arg21[%get3A_367, %get3A_368] {strides = array<i32>} : memref<40x128xf32, #tpu.memory_space<vmem>>, vector<16xf32>,
        %mul3A_370 = arith.mulf %get3A_369, %gather3A_261 : vector<16xf32>
        %swap3A_371 = arith.index_cast %add3A_263 : i32 to index
        %swap3A_372 = arith.constant 112 : index
        %swap3A_373 = tpu.vector_load %arg21[%swap3A_371, %swap3A_372] {strides = array<i32>} : memref<40x128xf32, #tpu.memory_space<vmem>>, vector<16xf32>,
        tpu.vector_store %arg21[%swap3A_371, %swap3A_372], %mul3A_370 {strides = array<i32>} : memref<40x128xf32, #tpu.memory_space<vmem>>, vector<16xf32>,
      }
      %scan3A_117 = arith.constant 20 : i32
      %dma_start3A_118 = arith.constant 0 : i32
      %dma_start3A_119 = arith.constant 0 : i32
      %dma_start3A_120 = tpu.memref_slice %arg41[%dma_start3A_118, %dma_start3A_119] : memref<10112x128xf32, #tpu.memory_space<vmem_shared>> -> memref<10112x128xf32, #tpu.memory_space<vmem_shared>>
      tpu.enqueue_indirect_dma source(%arg21 : memref<40x128xf32, #tpu.memory_space<vmem>>) target(%dma_start3A_120 : memref<10112x128xf32, #tpu.memory_space<vmem_shared>>) offsets(%arg11 : memref<40xi32, #tpu.memory_space<vmem>>) semaphore(%arg36 : memref<!tpu.dma_semaphore, #tpu.memory_space<semaphore_mem>>) {add = true}
      %add3A_121 = arith.constant 1 : i32
      %add3A_122 = arith.addi %add3A_92, %add3A_121 : i32
      %ge3A_123 = arith.constant 2 : i32
      %ge3A_124 = arith.cmpi sge, %add3A_122, %ge3A_123 : i32
      %convert_element_type3A_125 = arith.extui %ge3A_124 : i1 to i32
      %cond3A_126 = arith.constant 0 : i32
      %cond3A_127 = arith.cmpi ne, %convert_element_type3A_125, %cond3A_126 : i32
      scf.if %cond3A_127 {
        %dma_wait3A_249 = arith.constant 0 : i32
        %dma_wait3A_250 = arith.constant 0 : i32
        %dma_wait3A_251 = tpu.memref_slice %arg41[%dma_wait3A_249, %dma_wait3A_250] : memref<10112x128xf32, #tpu.memory_space<vmem_shared>> -> memref<10112x128xf32, #tpu.memory_space<vmem_shared>>
        tpu.wait_indirect_dma semaphore(%arg40 : memref<!tpu.dma_semaphore, #tpu.memory_space<semaphore_mem>>) src(%arg25 : memref<40x128xf32, #tpu.memory_space<vmem>>) dst(%dma_wait3A_251 : memref<10112x128xf32, #tpu.memory_space<vmem_shared>>)
      } else {
      }
      %add3A_128 = arith.constant 3 : i32
      %add3A_129 = arith.addi %add3A_122, %add3A_128 : i32
      %lt3A_130 = arith.constant 250 : i32
      %lt3A_131 = arith.cmpi slt, %add3A_129, %lt3A_130 : i32
      %convert_element_type3A_132 = arith.extui %lt3A_131 : i1 to i32
      %cond3A_133 = arith.constant 0 : i32
      %cond3A_134 = arith.cmpi ne, %convert_element_type3A_132, %cond3A_133 : i32
      scf.if %cond3A_134 {
        %add3A_249 = arith.constant 3 : i32
        %add3A_250 = arith.addi %add3A_122, %add3A_249 : i32
        %mul3A_251 = arith.constant 40 : i32
        %mul3A_252 = arith.muli %add3A_250, %mul3A_251 : i32
        %add3A_253 = arith.addi %mul3A_2, %mul3A_252 : i32
        %dma_start3A_254 = tpu.memref_slice %arg3[%add3A_253] : memref<640000xi32, #tpu.memory_space<hbm>> -> memref<40xi32, #tpu.memory_space<hbm>>
        %dma_start3A_255 = tpu.memref_slice %arg3[%add3A_253] : memref<640000xi32, #tpu.memory_space<hbm>> -> memref<40xi32, #tpu.memory_space<hbm>>
        tpu.enqueue_dma source(%dma_start3A_255 : memref<40xi32, #tpu.memory_space<hbm>>) target(%arg10 : memref<40xi32, #tpu.memory_space<vmem>>) target_semaphore(%arg30 : memref<!tpu.dma_semaphore, #tpu.memory_space<semaphore_mem>>)
        %add3A_256 = arith.constant 320000 : i32
        %add3A_257 = arith.addi %add3A_256, %add3A_253 : i32
        %dma_start3A_258 = tpu.memref_slice %arg3[%add3A_257] : memref<640000xi32, #tpu.memory_space<hbm>> -> memref<40xi32, #tpu.memory_space<hbm>>
        %dma_start3A_259 = tpu.memref_slice %arg3[%add3A_257] : memref<640000xi32, #tpu.memory_space<hbm>> -> memref<40xi32, #tpu.memory_space<hbm>>
        tpu.enqueue_dma source(%dma_start3A_259 : memref<40xi32, #tpu.memory_space<hbm>>) target(%arg15 : memref<40xi32, #tpu.memory_space<vmem>>) target_semaphore(%arg30 : memref<!tpu.dma_semaphore, #tpu.memory_space<semaphore_mem>>)
        %dma_start3A_260 = tpu.memref_slice %arg4[%add3A_253] : memref<320000xf32, #tpu.memory_space<hbm>> -> memref<40xf32, #tpu.memory_space<hbm>>
        %dma_start3A_261 = tpu.memref_slice %arg4[%add3A_253] : memref<320000xf32, #tpu.memory_space<hbm>> -> memref<40xf32, #tpu.memory_space<hbm>>
        tpu.enqueue_dma source(%dma_start3A_261 : memref<40xf32, #tpu.memory_space<hbm>>) target(%arg20 : memref<40xf32, #tpu.memory_space<vmem>>) target_semaphore(%arg30 : memref<!tpu.dma_semaphore, #tpu.memory_space<semaphore_mem>>)
      } else {
      }
      %add3A_135 = arith.constant 2 : i32
      %add3A_136 = arith.addi %add3A_122, %add3A_135 : i32
      %lt3A_137 = arith.constant 250 : i32
      %lt3A_138 = arith.cmpi slt, %add3A_136, %lt3A_137 : i32
      %convert_element_type3A_139 = arith.extui %lt3A_138 : i1 to i32
      %cond3A_140 = arith.constant 0 : i32
      %cond3A_141 = arith.cmpi ne, %convert_element_type3A_139, %cond3A_140 : i32
      scf.if %cond3A_141 {
        %add3A_249 = arith.constant 2 : i32
        %add3A_250 = arith.addi %add3A_122, %add3A_249 : i32
        %mul3A_251 = arith.constant 40 : i32
        %mul3A_252 = arith.muli %add3A_250, %mul3A_251 : i32
        %add3A_253 = arith.addi %mul3A_2, %mul3A_252 : i32
        %dma_wait3A_254 = tpu.memref_slice %arg3[%add3A_253] : memref<640000xi32, #tpu.memory_space<hbm>> -> memref<40xi32, #tpu.memory_space<hbm>>
        %dma_wait3A_255 = tpu.memref_slice %arg3[%add3A_253] : memref<640000xi32, #tpu.memory_space<hbm>> -> memref<40xi32, #tpu.memory_space<hbm>>
        tpu.wait_dma2 semaphore(%arg29 : memref<!tpu.dma_semaphore, #tpu.memory_space<semaphore_mem>>) src(%dma_wait3A_255 : memref<40xi32, #tpu.memory_space<hbm>>) dst(%arg9 : memref<40xi32, #tpu.memory_space<vmem>>)
        %add3A_256 = arith.constant 320000 : i32
        %add3A_257 = arith.addi %add3A_256, %add3A_253 : i32
        %dma_wait3A_258 = tpu.memref_slice %arg3[%add3A_257] : memref<640000xi32, #tpu.memory_space<hbm>> -> memref<40xi32, #tpu.memory_space<hbm>>
        %dma_wait3A_259 = tpu.memref_slice %arg3[%add3A_257] : memref<640000xi32, #tpu.memory_space<hbm>> -> memref<40xi32, #tpu.memory_space<hbm>>
        tpu.wait_dma2 semaphore(%arg29 : memref<!tpu.dma_semaphore, #tpu.memory_space<semaphore_mem>>) src(%dma_wait3A_259 : memref<40xi32, #tpu.memory_space<hbm>>) dst(%arg14 : memref<40xi32, #tpu.memory_space<vmem>>)
        %dma_wait3A_260 = tpu.memref_slice %arg4[%add3A_253] : memref<320000xf32, #tpu.memory_space<hbm>> -> memref<40xf32, #tpu.memory_space<hbm>>
        %dma_wait3A_261 = tpu.memref_slice %arg4[%add3A_253] : memref<320000xf32, #tpu.memory_space<hbm>> -> memref<40xf32, #tpu.memory_space<hbm>>
        tpu.wait_dma2 semaphore(%arg29 : memref<!tpu.dma_semaphore, #tpu.memory_space<semaphore_mem>>) src(%dma_wait3A_261 : memref<40xf32, #tpu.memory_space<hbm>>) dst(%arg19 : memref<40xf32, #tpu.memory_space<vmem>>)
        %dma_start3A_262 = arith.constant 0 : i32
        %dma_start3A_263 = arith.constant 0 : i32
        %dma_start3A_264 = tpu.memref_slice %arg2[%dma_start3A_262, %dma_start3A_263] : memref<10240x128xf32, #tpu.memory_space<hbm>> -> memref<10240x128xf32, #tpu.memory_space<hbm>>
        tpu.enqueue_indirect_dma source(%dma_start3A_264 : memref<10240x128xf32, #tpu.memory_space<hbm>>) target(%arg24 : memref<40x128xf32, #tpu.memory_space<vmem>>) offsets(%arg9 : memref<40xi32, #tpu.memory_space<vmem>>) semaphore(%arg34 : memref<!tpu.dma_semaphore, #tpu.memory_space<semaphore_mem>>)
      } else {
      }
      %dma_wait3A_142 = arith.constant 0 : i32
      %dma_wait3A_143 = arith.constant 0 : i32
      %dma_wait3A_144 = tpu.memref_slice %arg2[%dma_wait3A_142, %dma_wait3A_143] : memref<10240x128xf32, #tpu.memory_space<hbm>> -> memref<10240x128xf32, #tpu.memory_space<hbm>>
      tpu.wait_indirect_dma semaphore(%arg32 : memref<!tpu.dma_semaphore, #tpu.memory_space<semaphore_mem>>) src(%dma_wait3A_144 : memref<10240x128xf32, #tpu.memory_space<hbm>>) dst(%arg22 : memref<40x128xf32, #tpu.memory_space<vmem>>)
      %scan3A_145 = arith.constant 0 : i32
      %scan3A_146 = arith.constant 20 : i32
      %scan3A_147 = arith.addi %scan3A_145, %scan3A_146 : i32
      %scan3A_148 = arith.constant 1 : i32
      scf.for %scan3A_249 = %scan3A_145 to %scan3A_147 step %scan3A_148  : i32 {
        %mul3A_250 = arith.constant 2 : i32
        %mul3A_251 = arith.muli %scan3A_249, %mul3A_250 : i32
        %add3A_252 = arith.constant 0 : i32
        %add3A_253 = arith.addi %add3A_252, %mul3A_251 : i32
        %broadcast_in_dim3A_254 = arith.constant 0 : i32
        %broadcast_in_dim3A_255 = vector.broadcast %broadcast_in_dim3A_254 : i32 to vector<16xi32>
        %add3A_256 = vector.broadcast %add3A_253 : i32 to vector<16xi32>
        %add3A_257 = arith.addi %broadcast_in_dim3A_255, %add3A_256 : vector<16xi32>
        %gather3A = tpu.vector_load_idx %arg17[%add3A_257] : memref<40xf32, #tpu.memory_space<vmem>>[vector<16xi32>], vector<16xf32>,
        %add3A_258 = arith.constant 1 : i32
        %add3A_259 = vector.broadcast %add3A_258 : i32 to vector<16xi32>
        %add3A_260 = arith.addi %add3A_257, %add3A_259 : vector<16xi32>
        %gather3A_261 = tpu.vector_load_idx %arg17[%add3A_260] : memref<40xf32, #tpu.memory_space<vmem>>[vector<16xi32>], vector<16xf32>,
        %add3A_262 = arith.constant 1 : i32
        %add3A_263 = arith.addi %add3A_253, %add3A_262 : i32
        %get3A = arith.index_cast %add3A_253 : i32 to index
        %get3A_264 = arith.constant 0 : index
        %get3A_265 = tpu.vector_load %arg22[%get3A, %get3A_264] {strides = array<i32>} : memref<40x128xf32, #tpu.memory_space<vmem>>, vector<16xf32>,
        %mul3A_266 = arith.mulf %get3A_265, %gather3A : vector<16xf32>
        %swap3A = arith.index_cast %add3A_253 : i32 to index
        %swap3A_267 = arith.constant 0 : index
        %swap3A_268 = tpu.vector_load %arg22[%swap3A, %swap3A_267] {strides = array<i32>} : memref<40x128xf32, #tpu.memory_space<vmem>>, vector<16xf32>,
        tpu.vector_store %arg22[%swap3A, %swap3A_267], %mul3A_266 {strides = array<i32>} : memref<40x128xf32, #tpu.memory_space<vmem>>, vector<16xf32>,
        %get3A_269 = arith.index_cast %add3A_253 : i32 to index
        %get3A_270 = arith.constant 16 : index
        %get3A_271 = tpu.vector_load %arg22[%get3A_269, %get3A_270] {strides = array<i32>} : memref<40x128xf32, #tpu.memory_space<vmem>>, vector<16xf32>,
        %mul3A_272 = arith.mulf %get3A_271, %gather3A : vector<16xf32>
        %swap3A_273 = arith.index_cast %add3A_253 : i32 to index
        %swap3A_274 = arith.constant 16 : index
        %swap3A_275 = tpu.vector_load %arg22[%swap3A_273, %swap3A_274] {strides = array<i32>} : memref<40x128xf32, #tpu.memory_space<vmem>>, vector<16xf32>,
        tpu.vector_store %arg22[%swap3A_273, %swap3A_274], %mul3A_272 {strides = array<i32>} : memref<40x128xf32, #tpu.memory_space<vmem>>, vector<16xf32>,
        %get3A_276 = arith.index_cast %add3A_253 : i32 to index
        %get3A_277 = arith.constant 32 : index
        %get3A_278 = tpu.vector_load %arg22[%get3A_276, %get3A_277] {strides = array<i32>} : memref<40x128xf32, #tpu.memory_space<vmem>>, vector<16xf32>,
        %mul3A_279 = arith.mulf %get3A_278, %gather3A : vector<16xf32>
        %swap3A_280 = arith.index_cast %add3A_253 : i32 to index
        %swap3A_281 = arith.constant 32 : index
        %swap3A_282 = tpu.vector_load %arg22[%swap3A_280, %swap3A_281] {strides = array<i32>} : memref<40x128xf32, #tpu.memory_space<vmem>>, vector<16xf32>,
        tpu.vector_store %arg22[%swap3A_280, %swap3A_281], %mul3A_279 {strides = array<i32>} : memref<40x128xf32, #tpu.memory_space<vmem>>, vector<16xf32>,
        %get3A_283 = arith.index_cast %add3A_253 : i32 to index
        %get3A_284 = arith.constant 48 : index
        %get3A_285 = tpu.vector_load %arg22[%get3A_283, %get3A_284] {strides = array<i32>} : memref<40x128xf32, #tpu.memory_space<vmem>>, vector<16xf32>,
        %mul3A_286 = arith.mulf %get3A_285, %gather3A : vector<16xf32>
        %swap3A_287 = arith.index_cast %add3A_253 : i32 to index
        %swap3A_288 = arith.constant 48 : index
        %swap3A_289 = tpu.vector_load %arg22[%swap3A_287, %swap3A_288] {strides = array<i32>} : memref<40x128xf32, #tpu.memory_space<vmem>>, vector<16xf32>,
        tpu.vector_store %arg22[%swap3A_287, %swap3A_288], %mul3A_286 {strides = array<i32>} : memref<40x128xf32, #tpu.memory_space<vmem>>, vector<16xf32>,
        %get3A_290 = arith.index_cast %add3A_253 : i32 to index
        %get3A_291 = arith.constant 64 : index
        %get3A_292 = tpu.vector_load %arg22[%get3A_290, %get3A_291] {strides = array<i32>} : memref<40x128xf32, #tpu.memory_space<vmem>>, vector<16xf32>,
        %mul3A_293 = arith.mulf %get3A_292, %gather3A : vector<16xf32>
        %swap3A_294 = arith.index_cast %add3A_253 : i32 to index
        %swap3A_295 = arith.constant 64 : index
        %swap3A_296 = tpu.vector_load %arg22[%swap3A_294, %swap3A_295] {strides = array<i32>} : memref<40x128xf32, #tpu.memory_space<vmem>>, vector<16xf32>,
        tpu.vector_store %arg22[%swap3A_294, %swap3A_295], %mul3A_293 {strides = array<i32>} : memref<40x128xf32, #tpu.memory_space<vmem>>, vector<16xf32>,
        %get3A_297 = arith.index_cast %add3A_253 : i32 to index
        %get3A_298 = arith.constant 80 : index
        %get3A_299 = tpu.vector_load %arg22[%get3A_297, %get3A_298] {strides = array<i32>} : memref<40x128xf32, #tpu.memory_space<vmem>>, vector<16xf32>,
        %mul3A_300 = arith.mulf %get3A_299, %gather3A : vector<16xf32>
        %swap3A_301 = arith.index_cast %add3A_253 : i32 to index
        %swap3A_302 = arith.constant 80 : index
        %swap3A_303 = tpu.vector_load %arg22[%swap3A_301, %swap3A_302] {strides = array<i32>} : memref<40x128xf32, #tpu.memory_space<vmem>>, vector<16xf32>,
        tpu.vector_store %arg22[%swap3A_301, %swap3A_302], %mul3A_300 {strides = array<i32>} : memref<40x128xf32, #tpu.memory_space<vmem>>, vector<16xf32>,
        %get3A_304 = arith.index_cast %add3A_253 : i32 to index
        %get3A_305 = arith.constant 96 : index
        %get3A_306 = tpu.vector_load %arg22[%get3A_304, %get3A_305] {strides = array<i32>} : memref<40x128xf32, #tpu.memory_space<vmem>>, vector<16xf32>,
        %mul3A_307 = arith.mulf %get3A_306, %gather3A : vector<16xf32>
        %swap3A_308 = arith.index_cast %add3A_253 : i32 to index
        %swap3A_309 = arith.constant 96 : index
        %swap3A_310 = tpu.vector_load %arg22[%swap3A_308, %swap3A_309] {strides = array<i32>} : memref<40x128xf32, #tpu.memory_space<vmem>>, vector<16xf32>,
        tpu.vector_store %arg22[%swap3A_308, %swap3A_309], %mul3A_307 {strides = array<i32>} : memref<40x128xf32, #tpu.memory_space<vmem>>, vector<16xf32>,
        %get3A_311 = arith.index_cast %add3A_253 : i32 to index
        %get3A_312 = arith.constant 112 : index
        %get3A_313 = tpu.vector_load %arg22[%get3A_311, %get3A_312] {strides = array<i32>} : memref<40x128xf32, #tpu.memory_space<vmem>>, vector<16xf32>,
        %mul3A_314 = arith.mulf %get3A_313, %gather3A : vector<16xf32>
        %swap3A_315 = arith.index_cast %add3A_253 : i32 to index
        %swap3A_316 = arith.constant 112 : index
        %swap3A_317 = tpu.vector_load %arg22[%swap3A_315, %swap3A_316] {strides = array<i32>} : memref<40x128xf32, #tpu.memory_space<vmem>>, vector<16xf32>,
        tpu.vector_store %arg22[%swap3A_315, %swap3A_316], %mul3A_314 {strides = array<i32>} : memref<40x128xf32, #tpu.memory_space<vmem>>, vector<16xf32>,
        %get3A_318 = arith.index_cast %add3A_263 : i32 to index
        %get3A_319 = arith.constant 0 : index
        %get3A_320 = tpu.vector_load %arg22[%get3A_318, %get3A_319] {strides = array<i32>} : memref<40x128xf32, #tpu.memory_space<vmem>>, vector<16xf32>,
        %mul3A_321 = arith.mulf %get3A_320, %gather3A_261 : vector<16xf32>
        %swap3A_322 = arith.index_cast %add3A_263 : i32 to index
        %swap3A_323 = arith.constant 0 : index
        %swap3A_324 = tpu.vector_load %arg22[%swap3A_322, %swap3A_323] {strides = array<i32>} : memref<40x128xf32, #tpu.memory_space<vmem>>, vector<16xf32>,
        tpu.vector_store %arg22[%swap3A_322, %swap3A_323], %mul3A_321 {strides = array<i32>} : memref<40x128xf32, #tpu.memory_space<vmem>>, vector<16xf32>,
        %get3A_325 = arith.index_cast %add3A_263 : i32 to index
        %get3A_326 = arith.constant 16 : index
        %get3A_327 = tpu.vector_load %arg22[%get3A_325, %get3A_326] {strides = array<i32>} : memref<40x128xf32, #tpu.memory_space<vmem>>, vector<16xf32>,
        %mul3A_328 = arith.mulf %get3A_327, %gather3A_261 : vector<16xf32>
        %swap3A_329 = arith.index_cast %add3A_263 : i32 to index
        %swap3A_330 = arith.constant 16 : index
        %swap3A_331 = tpu.vector_load %arg22[%swap3A_329, %swap3A_330] {strides = array<i32>} : memref<40x128xf32, #tpu.memory_space<vmem>>, vector<16xf32>,
        tpu.vector_store %arg22[%swap3A_329, %swap3A_330], %mul3A_328 {strides = array<i32>} : memref<40x128xf32, #tpu.memory_space<vmem>>, vector<16xf32>,
        %get3A_332 = arith.index_cast %add3A_263 : i32 to index
        %get3A_333 = arith.constant 32 : index
        %get3A_334 = tpu.vector_load %arg22[%get3A_332, %get3A_333] {strides = array<i32>} : memref<40x128xf32, #tpu.memory_space<vmem>>, vector<16xf32>,
        %mul3A_335 = arith.mulf %get3A_334, %gather3A_261 : vector<16xf32>
        %swap3A_336 = arith.index_cast %add3A_263 : i32 to index
        %swap3A_337 = arith.constant 32 : index
        %swap3A_338 = tpu.vector_load %arg22[%swap3A_336, %swap3A_337] {strides = array<i32>} : memref<40x128xf32, #tpu.memory_space<vmem>>, vector<16xf32>,
        tpu.vector_store %arg22[%swap3A_336, %swap3A_337], %mul3A_335 {strides = array<i32>} : memref<40x128xf32, #tpu.memory_space<vmem>>, vector<16xf32>,
        %get3A_339 = arith.index_cast %add3A_263 : i32 to index
        %get3A_340 = arith.constant 48 : index
        %get3A_341 = tpu.vector_load %arg22[%get3A_339, %get3A_340] {strides = array<i32>} : memref<40x128xf32, #tpu.memory_space<vmem>>, vector<16xf32>,
        %mul3A_342 = arith.mulf %get3A_341, %gather3A_261 : vector<16xf32>
        %swap3A_343 = arith.index_cast %add3A_263 : i32 to index
        %swap3A_344 = arith.constant 48 : index
        %swap3A_345 = tpu.vector_load %arg22[%swap3A_343, %swap3A_344] {strides = array<i32>} : memref<40x128xf32, #tpu.memory_space<vmem>>, vector<16xf32>,
        tpu.vector_store %arg22[%swap3A_343, %swap3A_344], %mul3A_342 {strides = array<i32>} : memref<40x128xf32, #tpu.memory_space<vmem>>, vector<16xf32>,
        %get3A_346 = arith.index_cast %add3A_263 : i32 to index
        %get3A_347 = arith.constant 64 : index
        %get3A_348 = tpu.vector_load %arg22[%get3A_346, %get3A_347] {strides = array<i32>} : memref<40x128xf32, #tpu.memory_space<vmem>>, vector<16xf32>,
        %mul3A_349 = arith.mulf %get3A_348, %gather3A_261 : vector<16xf32>
        %swap3A_350 = arith.index_cast %add3A_263 : i32 to index
        %swap3A_351 = arith.constant 64 : index
        %swap3A_352 = tpu.vector_load %arg22[%swap3A_350, %swap3A_351] {strides = array<i32>} : memref<40x128xf32, #tpu.memory_space<vmem>>, vector<16xf32>,
        tpu.vector_store %arg22[%swap3A_350, %swap3A_351], %mul3A_349 {strides = array<i32>} : memref<40x128xf32, #tpu.memory_space<vmem>>, vector<16xf32>,
        %get3A_353 = arith.index_cast %add3A_263 : i32 to index
        %get3A_354 = arith.constant 80 : index
        %get3A_355 = tpu.vector_load %arg22[%get3A_353, %get3A_354] {strides = array<i32>} : memref<40x128xf32, #tpu.memory_space<vmem>>, vector<16xf32>,
        %mul3A_356 = arith.mulf %get3A_355, %gather3A_261 : vector<16xf32>
        %swap3A_357 = arith.index_cast %add3A_263 : i32 to index
        %swap3A_358 = arith.constant 80 : index
        %swap3A_359 = tpu.vector_load %arg22[%swap3A_357, %swap3A_358] {strides = array<i32>} : memref<40x128xf32, #tpu.memory_space<vmem>>, vector<16xf32>,
        tpu.vector_store %arg22[%swap3A_357, %swap3A_358], %mul3A_356 {strides = array<i32>} : memref<40x128xf32, #tpu.memory_space<vmem>>, vector<16xf32>,
        %get3A_360 = arith.index_cast %add3A_263 : i32 to index
        %get3A_361 = arith.constant 96 : index
        %get3A_362 = tpu.vector_load %arg22[%get3A_360, %get3A_361] {strides = array<i32>} : memref<40x128xf32, #tpu.memory_space<vmem>>, vector<16xf32>,
        %mul3A_363 = arith.mulf %get3A_362, %gather3A_261 : vector<16xf32>
        %swap3A_364 = arith.index_cast %add3A_263 : i32 to index
        %swap3A_365 = arith.constant 96 : index
        %swap3A_366 = tpu.vector_load %arg22[%swap3A_364, %swap3A_365] {strides = array<i32>} : memref<40x128xf32, #tpu.memory_space<vmem>>, vector<16xf32>,
        tpu.vector_store %arg22[%swap3A_364, %swap3A_365], %mul3A_363 {strides = array<i32>} : memref<40x128xf32, #tpu.memory_space<vmem>>, vector<16xf32>,
        %get3A_367 = arith.index_cast %add3A_263 : i32 to index
        %get3A_368 = arith.constant 112 : index
        %get3A_369 = tpu.vector_load %arg22[%get3A_367, %get3A_368] {strides = array<i32>} : memref<40x128xf32, #tpu.memory_space<vmem>>, vector<16xf32>,
        %mul3A_370 = arith.mulf %get3A_369, %gather3A_261 : vector<16xf32>
        %swap3A_371 = arith.index_cast %add3A_263 : i32 to index
        %swap3A_372 = arith.constant 112 : index
        %swap3A_373 = tpu.vector_load %arg22[%swap3A_371, %swap3A_372] {strides = array<i32>} : memref<40x128xf32, #tpu.memory_space<vmem>>, vector<16xf32>,
        tpu.vector_store %arg22[%swap3A_371, %swap3A_372], %mul3A_370 {strides = array<i32>} : memref<40x128xf32, #tpu.memory_space<vmem>>, vector<16xf32>,
      }
      %scan3A_149 = arith.constant 20 : i32
      %dma_start3A_150 = arith.constant 0 : i32
      %dma_start3A_151 = arith.constant 0 : i32
      %dma_start3A_152 = tpu.memref_slice %arg41[%dma_start3A_150, %dma_start3A_151] : memref<10112x128xf32, #tpu.memory_space<vmem_shared>> -> memref<10112x128xf32, #tpu.memory_space<vmem_shared>>
      tpu.enqueue_indirect_dma source(%arg22 : memref<40x128xf32, #tpu.memory_space<vmem>>) target(%dma_start3A_152 : memref<10112x128xf32, #tpu.memory_space<vmem_shared>>) offsets(%arg12 : memref<40xi32, #tpu.memory_space<vmem>>) semaphore(%arg37 : memref<!tpu.dma_semaphore, #tpu.memory_space<semaphore_mem>>) {add = true}
      %add3A_153 = arith.constant 2 : i32
      %add3A_154 = arith.addi %add3A_92, %add3A_153 : i32
      %ge3A_155 = arith.constant 2 : i32
      %ge3A_156 = arith.cmpi sge, %add3A_154, %ge3A_155 : i32
      %convert_element_type3A_157 = arith.extui %ge3A_156 : i1 to i32
      %cond3A_158 = arith.constant 0 : i32
      %cond3A_159 = arith.cmpi ne, %convert_element_type3A_157, %cond3A_158 : i32
      scf.if %cond3A_159 {
        %dma_wait3A_249 = arith.constant 0 : i32
        %dma_wait3A_250 = arith.constant 0 : i32
        %dma_wait3A_251 = tpu.memref_slice %arg41[%dma_wait3A_249, %dma_wait3A_250] : memref<10112x128xf32, #tpu.memory_space<vmem_shared>> -> memref<10112x128xf32, #tpu.memory_space<vmem_shared>>
        tpu.wait_indirect_dma semaphore(%arg36 : memref<!tpu.dma_semaphore, #tpu.memory_space<semaphore_mem>>) src(%arg21 : memref<40x128xf32, #tpu.memory_space<vmem>>) dst(%dma_wait3A_251 : memref<10112x128xf32, #tpu.memory_space<vmem_shared>>)
      } else {
      }
      %add3A_160 = arith.constant 3 : i32
      %add3A_161 = arith.addi %add3A_154, %add3A_160 : i32
      %lt3A_162 = arith.constant 250 : i32
      %lt3A_163 = arith.cmpi slt, %add3A_161, %lt3A_162 : i32
      %convert_element_type3A_164 = arith.extui %lt3A_163 : i1 to i32
      %cond3A_165 = arith.constant 0 : i32
      %cond3A_166 = arith.cmpi ne, %convert_element_type3A_164, %cond3A_165 : i32
      scf.if %cond3A_166 {
        %add3A_249 = arith.constant 3 : i32
        %add3A_250 = arith.addi %add3A_154, %add3A_249 : i32
        %mul3A_251 = arith.constant 40 : i32
        %mul3A_252 = arith.muli %add3A_250, %mul3A_251 : i32
        %add3A_253 = arith.addi %mul3A_2, %mul3A_252 : i32
        %dma_start3A_254 = tpu.memref_slice %arg3[%add3A_253] : memref<640000xi32, #tpu.memory_space<hbm>> -> memref<40xi32, #tpu.memory_space<hbm>>
        %dma_start3A_255 = tpu.memref_slice %arg3[%add3A_253] : memref<640000xi32, #tpu.memory_space<hbm>> -> memref<40xi32, #tpu.memory_space<hbm>>
        tpu.enqueue_dma source(%dma_start3A_255 : memref<40xi32, #tpu.memory_space<hbm>>) target(%arg6 : memref<40xi32, #tpu.memory_space<vmem>>) target_semaphore(%arg26 : memref<!tpu.dma_semaphore, #tpu.memory_space<semaphore_mem>>)
        %add3A_256 = arith.constant 320000 : i32
        %add3A_257 = arith.addi %add3A_256, %add3A_253 : i32
        %dma_start3A_258 = tpu.memref_slice %arg3[%add3A_257] : memref<640000xi32, #tpu.memory_space<hbm>> -> memref<40xi32, #tpu.memory_space<hbm>>
        %dma_start3A_259 = tpu.memref_slice %arg3[%add3A_257] : memref<640000xi32, #tpu.memory_space<hbm>> -> memref<40xi32, #tpu.memory_space<hbm>>
        tpu.enqueue_dma source(%dma_start3A_259 : memref<40xi32, #tpu.memory_space<hbm>>) target(%arg11 : memref<40xi32, #tpu.memory_space<vmem>>) target_semaphore(%arg26 : memref<!tpu.dma_semaphore, #tpu.memory_space<semaphore_mem>>)
        %dma_start3A_260 = tpu.memref_slice %arg4[%add3A_253] : memref<320000xf32, #tpu.memory_space<hbm>> -> memref<40xf32, #tpu.memory_space<hbm>>
        %dma_start3A_261 = tpu.memref_slice %arg4[%add3A_253] : memref<320000xf32, #tpu.memory_space<hbm>> -> memref<40xf32, #tpu.memory_space<hbm>>
        tpu.enqueue_dma source(%dma_start3A_261 : memref<40xf32, #tpu.memory_space<hbm>>) target(%arg16 : memref<40xf32, #tpu.memory_space<vmem>>) target_semaphore(%arg26 : memref<!tpu.dma_semaphore, #tpu.memory_space<semaphore_mem>>)
      } else {
      }
      %add3A_167 = arith.constant 2 : i32
      %add3A_168 = arith.addi %add3A_154, %add3A_167 : i32
      %lt3A_169 = arith.constant 250 : i32
      %lt3A_170 = arith.cmpi slt, %add3A_168, %lt3A_169 : i32
      %convert_element_type3A_171 = arith.extui %lt3A_170 : i1 to i32
      %cond3A_172 = arith.constant 0 : i32
      %cond3A_173 = arith.cmpi ne, %convert_element_type3A_171, %cond3A_172 : i32
      scf.if %cond3A_173 {
        %add3A_249 = arith.constant 2 : i32
        %add3A_250 = arith.addi %add3A_154, %add3A_249 : i32
        %mul3A_251 = arith.constant 40 : i32
        %mul3A_252 = arith.muli %add3A_250, %mul3A_251 : i32
        %add3A_253 = arith.addi %mul3A_2, %mul3A_252 : i32
        %dma_wait3A_254 = tpu.memref_slice %arg3[%add3A_253] : memref<640000xi32, #tpu.memory_space<hbm>> -> memref<40xi32, #tpu.memory_space<hbm>>
        %dma_wait3A_255 = tpu.memref_slice %arg3[%add3A_253] : memref<640000xi32, #tpu.memory_space<hbm>> -> memref<40xi32, #tpu.memory_space<hbm>>
        tpu.wait_dma2 semaphore(%arg30 : memref<!tpu.dma_semaphore, #tpu.memory_space<semaphore_mem>>) src(%dma_wait3A_255 : memref<40xi32, #tpu.memory_space<hbm>>) dst(%arg10 : memref<40xi32, #tpu.memory_space<vmem>>)
        %add3A_256 = arith.constant 320000 : i32
        %add3A_257 = arith.addi %add3A_256, %add3A_253 : i32
        %dma_wait3A_258 = tpu.memref_slice %arg3[%add3A_257] : memref<640000xi32, #tpu.memory_space<hbm>> -> memref<40xi32, #tpu.memory_space<hbm>>
        %dma_wait3A_259 = tpu.memref_slice %arg3[%add3A_257] : memref<640000xi32, #tpu.memory_space<hbm>> -> memref<40xi32, #tpu.memory_space<hbm>>
        tpu.wait_dma2 semaphore(%arg30 : memref<!tpu.dma_semaphore, #tpu.memory_space<semaphore_mem>>) src(%dma_wait3A_259 : memref<40xi32, #tpu.memory_space<hbm>>) dst(%arg15 : memref<40xi32, #tpu.memory_space<vmem>>)
        %dma_wait3A_260 = tpu.memref_slice %arg4[%add3A_253] : memref<320000xf32, #tpu.memory_space<hbm>> -> memref<40xf32, #tpu.memory_space<hbm>>
        %dma_wait3A_261 = tpu.memref_slice %arg4[%add3A_253] : memref<320000xf32, #tpu.memory_space<hbm>> -> memref<40xf32, #tpu.memory_space<hbm>>
        tpu.wait_dma2 semaphore(%arg30 : memref<!tpu.dma_semaphore, #tpu.memory_space<semaphore_mem>>) src(%dma_wait3A_261 : memref<40xf32, #tpu.memory_space<hbm>>) dst(%arg20 : memref<40xf32, #tpu.memory_space<vmem>>)
        %dma_start3A_262 = arith.constant 0 : i32
        %dma_start3A_263 = arith.constant 0 : i32
        %dma_start3A_264 = tpu.memref_slice %arg2[%dma_start3A_262, %dma_start3A_263] : memref<10240x128xf32, #tpu.memory_space<hbm>> -> memref<10240x128xf32, #tpu.memory_space<hbm>>
        tpu.enqueue_indirect_dma source(%dma_start3A_264 : memref<10240x128xf32, #tpu.memory_space<hbm>>) target(%arg25 : memref<40x128xf32, #tpu.memory_space<vmem>>) offsets(%arg10 : memref<40xi32, #tpu.memory_space<vmem>>) semaphore(%arg35 : memref<!tpu.dma_semaphore, #tpu.memory_space<semaphore_mem>>)
      } else {
      }
      %dma_wait3A_174 = arith.constant 0 : i32
      %dma_wait3A_175 = arith.constant 0 : i32
      %dma_wait3A_176 = tpu.memref_slice %arg2[%dma_wait3A_174, %dma_wait3A_175] : memref<10240x128xf32, #tpu.memory_space<hbm>> -> memref<10240x128xf32, #tpu.memory_space<hbm>>
      tpu.wait_indirect_dma semaphore(%arg33 : memref<!tpu.dma_semaphore, #tpu.memory_space<semaphore_mem>>) src(%dma_wait3A_176 : memref<10240x128xf32, #tpu.memory_space<hbm>>) dst(%arg23 : memref<40x128xf32, #tpu.memory_space<vmem>>)
      %scan3A_177 = arith.constant 0 : i32
      %scan3A_178 = arith.constant 20 : i32
      %scan3A_179 = arith.addi %scan3A_177, %scan3A_178 : i32
      %scan3A_180 = arith.constant 1 : i32
      scf.for %scan3A_249 = %scan3A_177 to %scan3A_179 step %scan3A_180  : i32 {
        %mul3A_250 = arith.constant 2 : i32
        %mul3A_251 = arith.muli %scan3A_249, %mul3A_250 : i32
        %add3A_252 = arith.constant 0 : i32
        %add3A_253 = arith.addi %add3A_252, %mul3A_251 : i32
        %broadcast_in_dim3A_254 = arith.constant 0 : i32
        %broadcast_in_dim3A_255 = vector.broadcast %broadcast_in_dim3A_254 : i32 to vector<16xi32>
        %add3A_256 = vector.broadcast %add3A_253 : i32 to vector<16xi32>
        %add3A_257 = arith.addi %broadcast_in_dim3A_255, %add3A_256 : vector<16xi32>
        %gather3A = tpu.vector_load_idx %arg18[%add3A_257] : memref<40xf32, #tpu.memory_space<vmem>>[vector<16xi32>], vector<16xf32>,
        %add3A_258 = arith.constant 1 : i32
        %add3A_259 = vector.broadcast %add3A_258 : i32 to vector<16xi32>
        %add3A_260 = arith.addi %add3A_257, %add3A_259 : vector<16xi32>
        %gather3A_261 = tpu.vector_load_idx %arg18[%add3A_260] : memref<40xf32, #tpu.memory_space<vmem>>[vector<16xi32>], vector<16xf32>,
        %add3A_262 = arith.constant 1 : i32
        %add3A_263 = arith.addi %add3A_253, %add3A_262 : i32
        %get3A = arith.index_cast %add3A_253 : i32 to index
        %get3A_264 = arith.constant 0 : index
        %get3A_265 = tpu.vector_load %arg23[%get3A, %get3A_264] {strides = array<i32>} : memref<40x128xf32, #tpu.memory_space<vmem>>, vector<16xf32>,
        %mul3A_266 = arith.mulf %get3A_265, %gather3A : vector<16xf32>
        %swap3A = arith.index_cast %add3A_253 : i32 to index
        %swap3A_267 = arith.constant 0 : index
        %swap3A_268 = tpu.vector_load %arg23[%swap3A, %swap3A_267] {strides = array<i32>} : memref<40x128xf32, #tpu.memory_space<vmem>>, vector<16xf32>,
        tpu.vector_store %arg23[%swap3A, %swap3A_267], %mul3A_266 {strides = array<i32>} : memref<40x128xf32, #tpu.memory_space<vmem>>, vector<16xf32>,
        %get3A_269 = arith.index_cast %add3A_253 : i32 to index
        %get3A_270 = arith.constant 16 : index
        %get3A_271 = tpu.vector_load %arg23[%get3A_269, %get3A_270] {strides = array<i32>} : memref<40x128xf32, #tpu.memory_space<vmem>>, vector<16xf32>,
        %mul3A_272 = arith.mulf %get3A_271, %gather3A : vector<16xf32>
        %swap3A_273 = arith.index_cast %add3A_253 : i32 to index
        %swap3A_274 = arith.constant 16 : index
        %swap3A_275 = tpu.vector_load %arg23[%swap3A_273, %swap3A_274] {strides = array<i32>} : memref<40x128xf32, #tpu.memory_space<vmem>>, vector<16xf32>,
        tpu.vector_store %arg23[%swap3A_273, %swap3A_274], %mul3A_272 {strides = array<i32>} : memref<40x128xf32, #tpu.memory_space<vmem>>, vector<16xf32>,
        %get3A_276 = arith.index_cast %add3A_253 : i32 to index
        %get3A_277 = arith.constant 32 : index
        %get3A_278 = tpu.vector_load %arg23[%get3A_276, %get3A_277] {strides = array<i32>} : memref<40x128xf32, #tpu.memory_space<vmem>>, vector<16xf32>,
        %mul3A_279 = arith.mulf %get3A_278, %gather3A : vector<16xf32>
        %swap3A_280 = arith.index_cast %add3A_253 : i32 to index
        %swap3A_281 = arith.constant 32 : index
        %swap3A_282 = tpu.vector_load %arg23[%swap3A_280, %swap3A_281] {strides = array<i32>} : memref<40x128xf32, #tpu.memory_space<vmem>>, vector<16xf32>,
        tpu.vector_store %arg23[%swap3A_280, %swap3A_281], %mul3A_279 {strides = array<i32>} : memref<40x128xf32, #tpu.memory_space<vmem>>, vector<16xf32>,
        %get3A_283 = arith.index_cast %add3A_253 : i32 to index
        %get3A_284 = arith.constant 48 : index
        %get3A_285 = tpu.vector_load %arg23[%get3A_283, %get3A_284] {strides = array<i32>} : memref<40x128xf32, #tpu.memory_space<vmem>>, vector<16xf32>,
        %mul3A_286 = arith.mulf %get3A_285, %gather3A : vector<16xf32>
        %swap3A_287 = arith.index_cast %add3A_253 : i32 to index
        %swap3A_288 = arith.constant 48 : index
        %swap3A_289 = tpu.vector_load %arg23[%swap3A_287, %swap3A_288] {strides = array<i32>} : memref<40x128xf32, #tpu.memory_space<vmem>>, vector<16xf32>,
        tpu.vector_store %arg23[%swap3A_287, %swap3A_288], %mul3A_286 {strides = array<i32>} : memref<40x128xf32, #tpu.memory_space<vmem>>, vector<16xf32>,
        %get3A_290 = arith.index_cast %add3A_253 : i32 to index
        %get3A_291 = arith.constant 64 : index
        %get3A_292 = tpu.vector_load %arg23[%get3A_290, %get3A_291] {strides = array<i32>} : memref<40x128xf32, #tpu.memory_space<vmem>>, vector<16xf32>,
        %mul3A_293 = arith.mulf %get3A_292, %gather3A : vector<16xf32>
        %swap3A_294 = arith.index_cast %add3A_253 : i32 to index
        %swap3A_295 = arith.constant 64 : index
        %swap3A_296 = tpu.vector_load %arg23[%swap3A_294, %swap3A_295] {strides = array<i32>} : memref<40x128xf32, #tpu.memory_space<vmem>>, vector<16xf32>,
        tpu.vector_store %arg23[%swap3A_294, %swap3A_295], %mul3A_293 {strides = array<i32>} : memref<40x128xf32, #tpu.memory_space<vmem>>, vector<16xf32>,
        %get3A_297 = arith.index_cast %add3A_253 : i32 to index
        %get3A_298 = arith.constant 80 : index
        %get3A_299 = tpu.vector_load %arg23[%get3A_297, %get3A_298] {strides = array<i32>} : memref<40x128xf32, #tpu.memory_space<vmem>>, vector<16xf32>,
        %mul3A_300 = arith.mulf %get3A_299, %gather3A : vector<16xf32>
        %swap3A_301 = arith.index_cast %add3A_253 : i32 to index
        %swap3A_302 = arith.constant 80 : index
        %swap3A_303 = tpu.vector_load %arg23[%swap3A_301, %swap3A_302] {strides = array<i32>} : memref<40x128xf32, #tpu.memory_space<vmem>>, vector<16xf32>,
        tpu.vector_store %arg23[%swap3A_301, %swap3A_302], %mul3A_300 {strides = array<i32>} : memref<40x128xf32, #tpu.memory_space<vmem>>, vector<16xf32>,
        %get3A_304 = arith.index_cast %add3A_253 : i32 to index
        %get3A_305 = arith.constant 96 : index
        %get3A_306 = tpu.vector_load %arg23[%get3A_304, %get3A_305] {strides = array<i32>} : memref<40x128xf32, #tpu.memory_space<vmem>>, vector<16xf32>,
        %mul3A_307 = arith.mulf %get3A_306, %gather3A : vector<16xf32>
        %swap3A_308 = arith.index_cast %add3A_253 : i32 to index
        %swap3A_309 = arith.constant 96 : index
        %swap3A_310 = tpu.vector_load %arg23[%swap3A_308, %swap3A_309] {strides = array<i32>} : memref<40x128xf32, #tpu.memory_space<vmem>>, vector<16xf32>,
        tpu.vector_store %arg23[%swap3A_308, %swap3A_309], %mul3A_307 {strides = array<i32>} : memref<40x128xf32, #tpu.memory_space<vmem>>, vector<16xf32>,
        %get3A_311 = arith.index_cast %add3A_253 : i32 to index
        %get3A_312 = arith.constant 112 : index
        %get3A_313 = tpu.vector_load %arg23[%get3A_311, %get3A_312] {strides = array<i32>} : memref<40x128xf32, #tpu.memory_space<vmem>>, vector<16xf32>,
        %mul3A_314 = arith.mulf %get3A_313, %gather3A : vector<16xf32>
        %swap3A_315 = arith.index_cast %add3A_253 : i32 to index
        %swap3A_316 = arith.constant 112 : index
        %swap3A_317 = tpu.vector_load %arg23[%swap3A_315, %swap3A_316] {strides = array<i32>} : memref<40x128xf32, #tpu.memory_space<vmem>>, vector<16xf32>,
        tpu.vector_store %arg23[%swap3A_315, %swap3A_316], %mul3A_314 {strides = array<i32>} : memref<40x128xf32, #tpu.memory_space<vmem>>, vector<16xf32>,
        %get3A_318 = arith.index_cast %add3A_263 : i32 to index
        %get3A_319 = arith.constant 0 : index
        %get3A_320 = tpu.vector_load %arg23[%get3A_318, %get3A_319] {strides = array<i32>} : memref<40x128xf32, #tpu.memory_space<vmem>>, vector<16xf32>,
        %mul3A_321 = arith.mulf %get3A_320, %gather3A_261 : vector<16xf32>
        %swap3A_322 = arith.index_cast %add3A_263 : i32 to index
        %swap3A_323 = arith.constant 0 : index
        %swap3A_324 = tpu.vector_load %arg23[%swap3A_322, %swap3A_323] {strides = array<i32>} : memref<40x128xf32, #tpu.memory_space<vmem>>, vector<16xf32>,
        tpu.vector_store %arg23[%swap3A_322, %swap3A_323], %mul3A_321 {strides = array<i32>} : memref<40x128xf32, #tpu.memory_space<vmem>>, vector<16xf32>,
        %get3A_325 = arith.index_cast %add3A_263 : i32 to index
        %get3A_326 = arith.constant 16 : index
        %get3A_327 = tpu.vector_load %arg23[%get3A_325, %get3A_326] {strides = array<i32>} : memref<40x128xf32, #tpu.memory_space<vmem>>, vector<16xf32>,
        %mul3A_328 = arith.mulf %get3A_327, %gather3A_261 : vector<16xf32>
        %swap3A_329 = arith.index_cast %add3A_263 : i32 to index
        %swap3A_330 = arith.constant 16 : index
        %swap3A_331 = tpu.vector_load %arg23[%swap3A_329, %swap3A_330] {strides = array<i32>} : memref<40x128xf32, #tpu.memory_space<vmem>>, vector<16xf32>,
        tpu.vector_store %arg23[%swap3A_329, %swap3A_330], %mul3A_328 {strides = array<i32>} : memref<40x128xf32, #tpu.memory_space<vmem>>, vector<16xf32>,
        %get3A_332 = arith.index_cast %add3A_263 : i32 to index
        %get3A_333 = arith.constant 32 : index
        %get3A_334 = tpu.vector_load %arg23[%get3A_332, %get3A_333] {strides = array<i32>} : memref<40x128xf32, #tpu.memory_space<vmem>>, vector<16xf32>,
        %mul3A_335 = arith.mulf %get3A_334, %gather3A_261 : vector<16xf32>
        %swap3A_336 = arith.index_cast %add3A_263 : i32 to index
        %swap3A_337 = arith.constant 32 : index
        %swap3A_338 = tpu.vector_load %arg23[%swap3A_336, %swap3A_337] {strides = array<i32>} : memref<40x128xf32, #tpu.memory_space<vmem>>, vector<16xf32>,
        tpu.vector_store %arg23[%swap3A_336, %swap3A_337], %mul3A_335 {strides = array<i32>} : memref<40x128xf32, #tpu.memory_space<vmem>>, vector<16xf32>,
        %get3A_339 = arith.index_cast %add3A_263 : i32 to index
        %get3A_340 = arith.constant 48 : index
        %get3A_341 = tpu.vector_load %arg23[%get3A_339, %get3A_340] {strides = array<i32>} : memref<40x128xf32, #tpu.memory_space<vmem>>, vector<16xf32>,
        %mul3A_342 = arith.mulf %get3A_341, %gather3A_261 : vector<16xf32>
        %swap3A_343 = arith.index_cast %add3A_263 : i32 to index
        %swap3A_344 = arith.constant 48 : index
        %swap3A_345 = tpu.vector_load %arg23[%swap3A_343, %swap3A_344] {strides = array<i32>} : memref<40x128xf32, #tpu.memory_space<vmem>>, vector<16xf32>,
        tpu.vector_store %arg23[%swap3A_343, %swap3A_344], %mul3A_342 {strides = array<i32>} : memref<40x128xf32, #tpu.memory_space<vmem>>, vector<16xf32>,
        %get3A_346 = arith.index_cast %add3A_263 : i32 to index
        %get3A_347 = arith.constant 64 : index
        %get3A_348 = tpu.vector_load %arg23[%get3A_346, %get3A_347] {strides = array<i32>} : memref<40x128xf32, #tpu.memory_space<vmem>>, vector<16xf32>,
        %mul3A_349 = arith.mulf %get3A_348, %gather3A_261 : vector<16xf32>
        %swap3A_350 = arith.index_cast %add3A_263 : i32 to index
        %swap3A_351 = arith.constant 64 : index
        %swap3A_352 = tpu.vector_load %arg23[%swap3A_350, %swap3A_351] {strides = array<i32>} : memref<40x128xf32, #tpu.memory_space<vmem>>, vector<16xf32>,
        tpu.vector_store %arg23[%swap3A_350, %swap3A_351], %mul3A_349 {strides = array<i32>} : memref<40x128xf32, #tpu.memory_space<vmem>>, vector<16xf32>,
        %get3A_353 = arith.index_cast %add3A_263 : i32 to index
        %get3A_354 = arith.constant 80 : index
        %get3A_355 = tpu.vector_load %arg23[%get3A_353, %get3A_354] {strides = array<i32>} : memref<40x128xf32, #tpu.memory_space<vmem>>, vector<16xf32>,
        %mul3A_356 = arith.mulf %get3A_355, %gather3A_261 : vector<16xf32>
        %swap3A_357 = arith.index_cast %add3A_263 : i32 to index
        %swap3A_358 = arith.constant 80 : index
        %swap3A_359 = tpu.vector_load %arg23[%swap3A_357, %swap3A_358] {strides = array<i32>} : memref<40x128xf32, #tpu.memory_space<vmem>>, vector<16xf32>,
        tpu.vector_store %arg23[%swap3A_357, %swap3A_358], %mul3A_356 {strides = array<i32>} : memref<40x128xf32, #tpu.memory_space<vmem>>, vector<16xf32>,
        %get3A_360 = arith.index_cast %add3A_263 : i32 to index
        %get3A_361 = arith.constant 96 : index
        %get3A_362 = tpu.vector_load %arg23[%get3A_360, %get3A_361] {strides = array<i32>} : memref<40x128xf32, #tpu.memory_space<vmem>>, vector<16xf32>,
        %mul3A_363 = arith.mulf %get3A_362, %gather3A_261 : vector<16xf32>
        %swap3A_364 = arith.index_cast %add3A_263 : i32 to index
        %swap3A_365 = arith.constant 96 : index
        %swap3A_366 = tpu.vector_load %arg23[%swap3A_364, %swap3A_365] {strides = array<i32>} : memref<40x128xf32, #tpu.memory_space<vmem>>, vector<16xf32>,
        tpu.vector_store %arg23[%swap3A_364, %swap3A_365], %mul3A_363 {strides = array<i32>} : memref<40x128xf32, #tpu.memory_space<vmem>>, vector<16xf32>,
        %get3A_367 = arith.index_cast %add3A_263 : i32 to index
        %get3A_368 = arith.constant 112 : index
        %get3A_369 = tpu.vector_load %arg23[%get3A_367, %get3A_368] {strides = array<i32>} : memref<40x128xf32, #tpu.memory_space<vmem>>, vector<16xf32>,
        %mul3A_370 = arith.mulf %get3A_369, %gather3A_261 : vector<16xf32>
        %swap3A_371 = arith.index_cast %add3A_263 : i32 to index
        %swap3A_372 = arith.constant 112 : index
        %swap3A_373 = tpu.vector_load %arg23[%swap3A_371, %swap3A_372] {strides = array<i32>} : memref<40x128xf32, #tpu.memory_space<vmem>>, vector<16xf32>,
        tpu.vector_store %arg23[%swap3A_371, %swap3A_372], %mul3A_370 {strides = array<i32>} : memref<40x128xf32, #tpu.memory_space<vmem>>, vector<16xf32>,
      }
      %scan3A_181 = arith.constant 20 : i32
      %dma_start3A_182 = arith.constant 0 : i32
      %dma_start3A_183 = arith.constant 0 : i32
      %dma_start3A_184 = tpu.memref_slice %arg41[%dma_start3A_182, %dma_start3A_183] : memref<10112x128xf32, #tpu.memory_space<vmem_shared>> -> memref<10112x128xf32, #tpu.memory_space<vmem_shared>>
      tpu.enqueue_indirect_dma source(%arg23 : memref<40x128xf32, #tpu.memory_space<vmem>>) target(%dma_start3A_184 : memref<10112x128xf32, #tpu.memory_space<vmem_shared>>) offsets(%arg13 : memref<40xi32, #tpu.memory_space<vmem>>) semaphore(%arg38 : memref<!tpu.dma_semaphore, #tpu.memory_space<semaphore_mem>>) {add = true}
      %add3A_185 = arith.constant 3 : i32
      %add3A_186 = arith.addi %add3A_92, %add3A_185 : i32
      %ge3A_187 = arith.constant 2 : i32
      %ge3A_188 = arith.cmpi sge, %add3A_186, %ge3A_187 : i32
      %convert_element_type3A_189 = arith.extui %ge3A_188 : i1 to i32
      %cond3A_190 = arith.constant 0 : i32
      %cond3A_191 = arith.cmpi ne, %convert_element_type3A_189, %cond3A_190 : i32
      scf.if %cond3A_191 {
        %dma_wait3A_249 = arith.constant 0 : i32
        %dma_wait3A_250 = arith.constant 0 : i32
        %dma_wait3A_251 = tpu.memref_slice %arg41[%dma_wait3A_249, %dma_wait3A_250] : memref<10112x128xf32, #tpu.memory_space<vmem_shared>> -> memref<10112x128xf32, #tpu.memory_space<vmem_shared>>
        tpu.wait_indirect_dma semaphore(%arg37 : memref<!tpu.dma_semaphore, #tpu.memory_space<semaphore_mem>>) src(%arg22 : memref<40x128xf32, #tpu.memory_space<vmem>>) dst(%dma_wait3A_251 : memref<10112x128xf32, #tpu.memory_space<vmem_shared>>)
      } else {
      }
      %add3A_192 = arith.constant 3 : i32
      %add3A_193 = arith.addi %add3A_186, %add3A_192 : i32
      %lt3A_194 = arith.constant 250 : i32
      %lt3A_195 = arith.cmpi slt, %add3A_193, %lt3A_194 : i32
      %convert_element_type3A_196 = arith.extui %lt3A_195 : i1 to i32
      %cond3A_197 = arith.constant 0 : i32
      %cond3A_198 = arith.cmpi ne, %convert_element_type3A_196, %cond3A_197 : i32
      scf.if %cond3A_198 {
        %add3A_249 = arith.constant 3 : i32
        %add3A_250 = arith.addi %add3A_186, %add3A_249 : i32
        %mul3A_251 = arith.constant 40 : i32
        %mul3A_252 = arith.muli %add3A_250, %mul3A_251 : i32
        %add3A_253 = arith.addi %mul3A_2, %mul3A_252 : i32
        %dma_start3A_254 = tpu.memref_slice %arg3[%add3A_253] : memref<640000xi32, #tpu.memory_space<hbm>> -> memref<40xi32, #tpu.memory_space<hbm>>
        %dma_start3A_255 = tpu.memref_slice %arg3[%add3A_253] : memref<640000xi32, #tpu.memory_space<hbm>> -> memref<40xi32, #tpu.memory_space<hbm>>
        tpu.enqueue_dma source(%dma_start3A_255 : memref<40xi32, #tpu.memory_space<hbm>>) target(%arg7 : memref<40xi32, #tpu.memory_space<vmem>>) target_semaphore(%arg27 : memref<!tpu.dma_semaphore, #tpu.memory_space<semaphore_mem>>)
        %add3A_256 = arith.constant 320000 : i32
        %add3A_257 = arith.addi %add3A_256, %add3A_253 : i32
        %dma_start3A_258 = tpu.memref_slice %arg3[%add3A_257] : memref<640000xi32, #tpu.memory_space<hbm>> -> memref<40xi32, #tpu.memory_space<hbm>>
        %dma_start3A_259 = tpu.memref_slice %arg3[%add3A_257] : memref<640000xi32, #tpu.memory_space<hbm>> -> memref<40xi32, #tpu.memory_space<hbm>>
        tpu.enqueue_dma source(%dma_start3A_259 : memref<40xi32, #tpu.memory_space<hbm>>) target(%arg12 : memref<40xi32, #tpu.memory_space<vmem>>) target_semaphore(%arg27 : memref<!tpu.dma_semaphore, #tpu.memory_space<semaphore_mem>>)
        %dma_start3A_260 = tpu.memref_slice %arg4[%add3A_253] : memref<320000xf32, #tpu.memory_space<hbm>> -> memref<40xf32, #tpu.memory_space<hbm>>
        %dma_start3A_261 = tpu.memref_slice %arg4[%add3A_253] : memref<320000xf32, #tpu.memory_space<hbm>> -> memref<40xf32, #tpu.memory_space<hbm>>
        tpu.enqueue_dma source(%dma_start3A_261 : memref<40xf32, #tpu.memory_space<hbm>>) target(%arg17 : memref<40xf32, #tpu.memory_space<vmem>>) target_semaphore(%arg27 : memref<!tpu.dma_semaphore, #tpu.memory_space<semaphore_mem>>)
      } else {
      }
      %add3A_199 = arith.constant 2 : i32
      %add3A_200 = arith.addi %add3A_186, %add3A_199 : i32
      %lt3A_201 = arith.constant 250 : i32
      %lt3A_202 = arith.cmpi slt, %add3A_200, %lt3A_201 : i32
      %convert_element_type3A_203 = arith.extui %lt3A_202 : i1 to i32
      %cond3A_204 = arith.constant 0 : i32
      %cond3A_205 = arith.cmpi ne, %convert_element_type3A_203, %cond3A_204 : i32
      scf.if %cond3A_205 {
        %add3A_249 = arith.constant 2 : i32
        %add3A_250 = arith.addi %add3A_186, %add3A_249 : i32
        %mul3A_251 = arith.constant 40 : i32
        %mul3A_252 = arith.muli %add3A_250, %mul3A_251 : i32
        %add3A_253 = arith.addi %mul3A_2, %mul3A_252 : i32
        %dma_wait3A_254 = tpu.memref_slice %arg3[%add3A_253] : memref<640000xi32, #tpu.memory_space<hbm>> -> memref<40xi32, #tpu.memory_space<hbm>>
        %dma_wait3A_255 = tpu.memref_slice %arg3[%add3A_253] : memref<640000xi32, #tpu.memory_space<hbm>> -> memref<40xi32, #tpu.memory_space<hbm>>
        tpu.wait_dma2 semaphore(%arg26 : memref<!tpu.dma_semaphore, #tpu.memory_space<semaphore_mem>>) src(%dma_wait3A_255 : memref<40xi32, #tpu.memory_space<hbm>>) dst(%arg6 : memref<40xi32, #tpu.memory_space<vmem>>)
        %add3A_256 = arith.constant 320000 : i32
        %add3A_257 = arith.addi %add3A_256, %add3A_253 : i32
        %dma_wait3A_258 = tpu.memref_slice %arg3[%add3A_257] : memref<640000xi32, #tpu.memory_space<hbm>> -> memref<40xi32, #tpu.memory_space<hbm>>
        %dma_wait3A_259 = tpu.memref_slice %arg3[%add3A_257] : memref<640000xi32, #tpu.memory_space<hbm>> -> memref<40xi32, #tpu.memory_space<hbm>>
        tpu.wait_dma2 semaphore(%arg26 : memref<!tpu.dma_semaphore, #tpu.memory_space<semaphore_mem>>) src(%dma_wait3A_259 : memref<40xi32, #tpu.memory_space<hbm>>) dst(%arg11 : memref<40xi32, #tpu.memory_space<vmem>>)
        %dma_wait3A_260 = tpu.memref_slice %arg4[%add3A_253] : memref<320000xf32, #tpu.memory_space<hbm>> -> memref<40xf32, #tpu.memory_space<hbm>>
        %dma_wait3A_261 = tpu.memref_slice %arg4[%add3A_253] : memref<320000xf32, #tpu.memory_space<hbm>> -> memref<40xf32, #tpu.memory_space<hbm>>
        tpu.wait_dma2 semaphore(%arg26 : memref<!tpu.dma_semaphore, #tpu.memory_space<semaphore_mem>>) src(%dma_wait3A_261 : memref<40xf32, #tpu.memory_space<hbm>>) dst(%arg16 : memref<40xf32, #tpu.memory_space<vmem>>)
        %dma_start3A_262 = arith.constant 0 : i32
        %dma_start3A_263 = arith.constant 0 : i32
        %dma_start3A_264 = tpu.memref_slice %arg2[%dma_start3A_262, %dma_start3A_263] : memref<10240x128xf32, #tpu.memory_space<hbm>> -> memref<10240x128xf32, #tpu.memory_space<hbm>>
        tpu.enqueue_indirect_dma source(%dma_start3A_264 : memref<10240x128xf32, #tpu.memory_space<hbm>>) target(%arg21 : memref<40x128xf32, #tpu.memory_space<vmem>>) offsets(%arg6 : memref<40xi32, #tpu.memory_space<vmem>>) semaphore(%arg31 : memref<!tpu.dma_semaphore, #tpu.memory_space<semaphore_mem>>)
      } else {
      }
      %dma_wait3A_206 = arith.constant 0 : i32
      %dma_wait3A_207 = arith.constant 0 : i32
      %dma_wait3A_208 = tpu.memref_slice %arg2[%dma_wait3A_206, %dma_wait3A_207] : memref<10240x128xf32, #tpu.memory_space<hbm>> -> memref<10240x128xf32, #tpu.memory_space<hbm>>
      tpu.wait_indirect_dma semaphore(%arg34 : memref<!tpu.dma_semaphore, #tpu.memory_space<semaphore_mem>>) src(%dma_wait3A_208 : memref<10240x128xf32, #tpu.memory_space<hbm>>) dst(%arg24 : memref<40x128xf32, #tpu.memory_space<vmem>>)
      %scan3A_209 = arith.constant 0 : i32
      %scan3A_210 = arith.constant 20 : i32
      %scan3A_211 = arith.addi %scan3A_209, %scan3A_210 : i32
      %scan3A_212 = arith.constant 1 : i32
      scf.for %scan3A_249 = %scan3A_209 to %scan3A_211 step %scan3A_212  : i32 {
        %mul3A_250 = arith.constant 2 : i32
        %mul3A_251 = arith.muli %scan3A_249, %mul3A_250 : i32
        %add3A_252 = arith.constant 0 : i32
        %add3A_253 = arith.addi %add3A_252, %mul3A_251 : i32
        %broadcast_in_dim3A_254 = arith.constant 0 : i32
        %broadcast_in_dim3A_255 = vector.broadcast %broadcast_in_dim3A_254 : i32 to vector<16xi32>
        %add3A_256 = vector.broadcast %add3A_253 : i32 to vector<16xi32>
        %add3A_257 = arith.addi %broadcast_in_dim3A_255, %add3A_256 : vector<16xi32>
        %gather3A = tpu.vector_load_idx %arg19[%add3A_257] : memref<40xf32, #tpu.memory_space<vmem>>[vector<16xi32>], vector<16xf32>,
        %add3A_258 = arith.constant 1 : i32
        %add3A_259 = vector.broadcast %add3A_258 : i32 to vector<16xi32>
        %add3A_260 = arith.addi %add3A_257, %add3A_259 : vector<16xi32>
        %gather3A_261 = tpu.vector_load_idx %arg19[%add3A_260] : memref<40xf32, #tpu.memory_space<vmem>>[vector<16xi32>], vector<16xf32>,
        %add3A_262 = arith.constant 1 : i32
        %add3A_263 = arith.addi %add3A_253, %add3A_262 : i32
        %get3A = arith.index_cast %add3A_253 : i32 to index
        %get3A_264 = arith.constant 0 : index
        %get3A_265 = tpu.vector_load %arg24[%get3A, %get3A_264] {strides = array<i32>} : memref<40x128xf32, #tpu.memory_space<vmem>>, vector<16xf32>,
        %mul3A_266 = arith.mulf %get3A_265, %gather3A : vector<16xf32>
        %swap3A = arith.index_cast %add3A_253 : i32 to index
        %swap3A_267 = arith.constant 0 : index
        %swap3A_268 = tpu.vector_load %arg24[%swap3A, %swap3A_267] {strides = array<i32>} : memref<40x128xf32, #tpu.memory_space<vmem>>, vector<16xf32>,
        tpu.vector_store %arg24[%swap3A, %swap3A_267], %mul3A_266 {strides = array<i32>} : memref<40x128xf32, #tpu.memory_space<vmem>>, vector<16xf32>,
        %get3A_269 = arith.index_cast %add3A_253 : i32 to index
        %get3A_270 = arith.constant 16 : index
        %get3A_271 = tpu.vector_load %arg24[%get3A_269, %get3A_270] {strides = array<i32>} : memref<40x128xf32, #tpu.memory_space<vmem>>, vector<16xf32>,
        %mul3A_272 = arith.mulf %get3A_271, %gather3A : vector<16xf32>
        %swap3A_273 = arith.index_cast %add3A_253 : i32 to index
        %swap3A_274 = arith.constant 16 : index
        %swap3A_275 = tpu.vector_load %arg24[%swap3A_273, %swap3A_274] {strides = array<i32>} : memref<40x128xf32, #tpu.memory_space<vmem>>, vector<16xf32>,
        tpu.vector_store %arg24[%swap3A_273, %swap3A_274], %mul3A_272 {strides = array<i32>} : memref<40x128xf32, #tpu.memory_space<vmem>>, vector<16xf32>,
        %get3A_276 = arith.index_cast %add3A_253 : i32 to index
        %get3A_277 = arith.constant 32 : index
        %get3A_278 = tpu.vector_load %arg24[%get3A_276, %get3A_277] {strides = array<i32>} : memref<40x128xf32, #tpu.memory_space<vmem>>, vector<16xf32>,
        %mul3A_279 = arith.mulf %get3A_278, %gather3A : vector<16xf32>
        %swap3A_280 = arith.index_cast %add3A_253 : i32 to index
        %swap3A_281 = arith.constant 32 : index
        %swap3A_282 = tpu.vector_load %arg24[%swap3A_280, %swap3A_281] {strides = array<i32>} : memref<40x128xf32, #tpu.memory_space<vmem>>, vector<16xf32>,
        tpu.vector_store %arg24[%swap3A_280, %swap3A_281], %mul3A_279 {strides = array<i32>} : memref<40x128xf32, #tpu.memory_space<vmem>>, vector<16xf32>,
        %get3A_283 = arith.index_cast %add3A_253 : i32 to index
        %get3A_284 = arith.constant 48 : index
        %get3A_285 = tpu.vector_load %arg24[%get3A_283, %get3A_284] {strides = array<i32>} : memref<40x128xf32, #tpu.memory_space<vmem>>, vector<16xf32>,
        %mul3A_286 = arith.mulf %get3A_285, %gather3A : vector<16xf32>
        %swap3A_287 = arith.index_cast %add3A_253 : i32 to index
        %swap3A_288 = arith.constant 48 : index
        %swap3A_289 = tpu.vector_load %arg24[%swap3A_287, %swap3A_288] {strides = array<i32>} : memref<40x128xf32, #tpu.memory_space<vmem>>, vector<16xf32>,
        tpu.vector_store %arg24[%swap3A_287, %swap3A_288], %mul3A_286 {strides = array<i32>} : memref<40x128xf32, #tpu.memory_space<vmem>>, vector<16xf32>,
        %get3A_290 = arith.index_cast %add3A_253 : i32 to index
        %get3A_291 = arith.constant 64 : index
        %get3A_292 = tpu.vector_load %arg24[%get3A_290, %get3A_291] {strides = array<i32>} : memref<40x128xf32, #tpu.memory_space<vmem>>, vector<16xf32>,
        %mul3A_293 = arith.mulf %get3A_292, %gather3A : vector<16xf32>
        %swap3A_294 = arith.index_cast %add3A_253 : i32 to index
        %swap3A_295 = arith.constant 64 : index
        %swap3A_296 = tpu.vector_load %arg24[%swap3A_294, %swap3A_295] {strides = array<i32>} : memref<40x128xf32, #tpu.memory_space<vmem>>, vector<16xf32>,
        tpu.vector_store %arg24[%swap3A_294, %swap3A_295], %mul3A_293 {strides = array<i32>} : memref<40x128xf32, #tpu.memory_space<vmem>>, vector<16xf32>,
        %get3A_297 = arith.index_cast %add3A_253 : i32 to index
        %get3A_298 = arith.constant 80 : index
        %get3A_299 = tpu.vector_load %arg24[%get3A_297, %get3A_298] {strides = array<i32>} : memref<40x128xf32, #tpu.memory_space<vmem>>, vector<16xf32>,
        %mul3A_300 = arith.mulf %get3A_299, %gather3A : vector<16xf32>
        %swap3A_301 = arith.index_cast %add3A_253 : i32 to index
        %swap3A_302 = arith.constant 80 : index
        %swap3A_303 = tpu.vector_load %arg24[%swap3A_301, %swap3A_302] {strides = array<i32>} : memref<40x128xf32, #tpu.memory_space<vmem>>, vector<16xf32>,
        tpu.vector_store %arg24[%swap3A_301, %swap3A_302], %mul3A_300 {strides = array<i32>} : memref<40x128xf32, #tpu.memory_space<vmem>>, vector<16xf32>,
        %get3A_304 = arith.index_cast %add3A_253 : i32 to index
        %get3A_305 = arith.constant 96 : index
        %get3A_306 = tpu.vector_load %arg24[%get3A_304, %get3A_305] {strides = array<i32>} : memref<40x128xf32, #tpu.memory_space<vmem>>, vector<16xf32>,
        %mul3A_307 = arith.mulf %get3A_306, %gather3A : vector<16xf32>
        %swap3A_308 = arith.index_cast %add3A_253 : i32 to index
        %swap3A_309 = arith.constant 96 : index
        %swap3A_310 = tpu.vector_load %arg24[%swap3A_308, %swap3A_309] {strides = array<i32>} : memref<40x128xf32, #tpu.memory_space<vmem>>, vector<16xf32>,
        tpu.vector_store %arg24[%swap3A_308, %swap3A_309], %mul3A_307 {strides = array<i32>} : memref<40x128xf32, #tpu.memory_space<vmem>>, vector<16xf32>,
        %get3A_311 = arith.index_cast %add3A_253 : i32 to index
        %get3A_312 = arith.constant 112 : index
        %get3A_313 = tpu.vector_load %arg24[%get3A_311, %get3A_312] {strides = array<i32>} : memref<40x128xf32, #tpu.memory_space<vmem>>, vector<16xf32>,
        %mul3A_314 = arith.mulf %get3A_313, %gather3A : vector<16xf32>
        %swap3A_315 = arith.index_cast %add3A_253 : i32 to index
        %swap3A_316 = arith.constant 112 : index
        %swap3A_317 = tpu.vector_load %arg24[%swap3A_315, %swap3A_316] {strides = array<i32>} : memref<40x128xf32, #tpu.memory_space<vmem>>, vector<16xf32>,
        tpu.vector_store %arg24[%swap3A_315, %swap3A_316], %mul3A_314 {strides = array<i32>} : memref<40x128xf32, #tpu.memory_space<vmem>>, vector<16xf32>,
        %get3A_318 = arith.index_cast %add3A_263 : i32 to index
        %get3A_319 = arith.constant 0 : index
        %get3A_320 = tpu.vector_load %arg24[%get3A_318, %get3A_319] {strides = array<i32>} : memref<40x128xf32, #tpu.memory_space<vmem>>, vector<16xf32>,
        %mul3A_321 = arith.mulf %get3A_320, %gather3A_261 : vector<16xf32>
        %swap3A_322 = arith.index_cast %add3A_263 : i32 to index
        %swap3A_323 = arith.constant 0 : index
        %swap3A_324 = tpu.vector_load %arg24[%swap3A_322, %swap3A_323] {strides = array<i32>} : memref<40x128xf32, #tpu.memory_space<vmem>>, vector<16xf32>,
        tpu.vector_store %arg24[%swap3A_322, %swap3A_323], %mul3A_321 {strides = array<i32>} : memref<40x128xf32, #tpu.memory_space<vmem>>, vector<16xf32>,
        %get3A_325 = arith.index_cast %add3A_263 : i32 to index
        %get3A_326 = arith.constant 16 : index
        %get3A_327 = tpu.vector_load %arg24[%get3A_325, %get3A_326] {strides = array<i32>} : memref<40x128xf32, #tpu.memory_space<vmem>>, vector<16xf32>,
        %mul3A_328 = arith.mulf %get3A_327, %gather3A_261 : vector<16xf32>
        %swap3A_329 = arith.index_cast %add3A_263 : i32 to index
        %swap3A_330 = arith.constant 16 : index
        %swap3A_331 = tpu.vector_load %arg24[%swap3A_329, %swap3A_330] {strides = array<i32>} : memref<40x128xf32, #tpu.memory_space<vmem>>, vector<16xf32>,
        tpu.vector_store %arg24[%swap3A_329, %swap3A_330], %mul3A_328 {strides = array<i32>} : memref<40x128xf32, #tpu.memory_space<vmem>>, vector<16xf32>,
        %get3A_332 = arith.index_cast %add3A_263 : i32 to index
        %get3A_333 = arith.constant 32 : index
        %get3A_334 = tpu.vector_load %arg24[%get3A_332, %get3A_333] {strides = array<i32>} : memref<40x128xf32, #tpu.memory_space<vmem>>, vector<16xf32>,
        %mul3A_335 = arith.mulf %get3A_334, %gather3A_261 : vector<16xf32>
        %swap3A_336 = arith.index_cast %add3A_263 : i32 to index
        %swap3A_337 = arith.constant 32 : index
        %swap3A_338 = tpu.vector_load %arg24[%swap3A_336, %swap3A_337] {strides = array<i32>} : memref<40x128xf32, #tpu.memory_space<vmem>>, vector<16xf32>,
        tpu.vector_store %arg24[%swap3A_336, %swap3A_337], %mul3A_335 {strides = array<i32>} : memref<40x128xf32, #tpu.memory_space<vmem>>, vector<16xf32>,
        %get3A_339 = arith.index_cast %add3A_263 : i32 to index
        %get3A_340 = arith.constant 48 : index
        %get3A_341 = tpu.vector_load %arg24[%get3A_339, %get3A_340] {strides = array<i32>} : memref<40x128xf32, #tpu.memory_space<vmem>>, vector<16xf32>,
        %mul3A_342 = arith.mulf %get3A_341, %gather3A_261 : vector<16xf32>
        %swap3A_343 = arith.index_cast %add3A_263 : i32 to index
        %swap3A_344 = arith.constant 48 : index
        %swap3A_345 = tpu.vector_load %arg24[%swap3A_343, %swap3A_344] {strides = array<i32>} : memref<40x128xf32, #tpu.memory_space<vmem>>, vector<16xf32>,
        tpu.vector_store %arg24[%swap3A_343, %swap3A_344], %mul3A_342 {strides = array<i32>} : memref<40x128xf32, #tpu.memory_space<vmem>>, vector<16xf32>,
        %get3A_346 = arith.index_cast %add3A_263 : i32 to index
        %get3A_347 = arith.constant 64 : index
        %get3A_348 = tpu.vector_load %arg24[%get3A_346, %get3A_347] {strides = array<i32>} : memref<40x128xf32, #tpu.memory_space<vmem>>, vector<16xf32>,
        %mul3A_349 = arith.mulf %get3A_348, %gather3A_261 : vector<16xf32>
        %swap3A_350 = arith.index_cast %add3A_263 : i32 to index
        %swap3A_351 = arith.constant 64 : index
        %swap3A_352 = tpu.vector_load %arg24[%swap3A_350, %swap3A_351] {strides = array<i32>} : memref<40x128xf32, #tpu.memory_space<vmem>>, vector<16xf32>,
        tpu.vector_store %arg24[%swap3A_350, %swap3A_351], %mul3A_349 {strides = array<i32>} : memref<40x128xf32, #tpu.memory_space<vmem>>, vector<16xf32>,
        %get3A_353 = arith.index_cast %add3A_263 : i32 to index
        %get3A_354 = arith.constant 80 : index
        %get3A_355 = tpu.vector_load %arg24[%get3A_353, %get3A_354] {strides = array<i32>} : memref<40x128xf32, #tpu.memory_space<vmem>>, vector<16xf32>,
        %mul3A_356 = arith.mulf %get3A_355, %gather3A_261 : vector<16xf32>
        %swap3A_357 = arith.index_cast %add3A_263 : i32 to index
        %swap3A_358 = arith.constant 80 : index
        %swap3A_359 = tpu.vector_load %arg24[%swap3A_357, %swap3A_358] {strides = array<i32>} : memref<40x128xf32, #tpu.memory_space<vmem>>, vector<16xf32>,
        tpu.vector_store %arg24[%swap3A_357, %swap3A_358], %mul3A_356 {strides = array<i32>} : memref<40x128xf32, #tpu.memory_space<vmem>>, vector<16xf32>,
        %get3A_360 = arith.index_cast %add3A_263 : i32 to index
        %get3A_361 = arith.constant 96 : index
        %get3A_362 = tpu.vector_load %arg24[%get3A_360, %get3A_361] {strides = array<i32>} : memref<40x128xf32, #tpu.memory_space<vmem>>, vector<16xf32>,
        %mul3A_363 = arith.mulf %get3A_362, %gather3A_261 : vector<16xf32>
        %swap3A_364 = arith.index_cast %add3A_263 : i32 to index
        %swap3A_365 = arith.constant 96 : index
        %swap3A_366 = tpu.vector_load %arg24[%swap3A_364, %swap3A_365] {strides = array<i32>} : memref<40x128xf32, #tpu.memory_space<vmem>>, vector<16xf32>,
        tpu.vector_store %arg24[%swap3A_364, %swap3A_365], %mul3A_363 {strides = array<i32>} : memref<40x128xf32, #tpu.memory_space<vmem>>, vector<16xf32>,
        %get3A_367 = arith.index_cast %add3A_263 : i32 to index
        %get3A_368 = arith.constant 112 : index
        %get3A_369 = tpu.vector_load %arg24[%get3A_367, %get3A_368] {strides = array<i32>} : memref<40x128xf32, #tpu.memory_space<vmem>>, vector<16xf32>,
        %mul3A_370 = arith.mulf %get3A_369, %gather3A_261 : vector<16xf32>
        %swap3A_371 = arith.index_cast %add3A_263 : i32 to index
        %swap3A_372 = arith.constant 112 : index
        %swap3A_373 = tpu.vector_load %arg24[%swap3A_371, %swap3A_372] {strides = array<i32>} : memref<40x128xf32, #tpu.memory_space<vmem>>, vector<16xf32>,
        tpu.vector_store %arg24[%swap3A_371, %swap3A_372], %mul3A_370 {strides = array<i32>} : memref<40x128xf32, #tpu.memory_space<vmem>>, vector<16xf32>,
      }
      %scan3A_213 = arith.constant 20 : i32
      %dma_start3A_214 = arith.constant 0 : i32
      %dma_start3A_215 = arith.constant 0 : i32
      %dma_start3A_216 = tpu.memref_slice %arg41[%dma_start3A_214, %dma_start3A_215] : memref<10112x128xf32, #tpu.memory_space<vmem_shared>> -> memref<10112x128xf32, #tpu.memory_space<vmem_shared>>
      tpu.enqueue_indirect_dma source(%arg24 : memref<40x128xf32, #tpu.memory_space<vmem>>) target(%dma_start3A_216 : memref<10112x128xf32, #tpu.memory_space<vmem_shared>>) offsets(%arg14 : memref<40xi32, #tpu.memory_space<vmem>>) semaphore(%arg39 : memref<!tpu.dma_semaphore, #tpu.memory_space<semaphore_mem>>) {add = true}
      %add3A_217 = arith.constant 4 : i32
      %add3A_218 = arith.addi %add3A_92, %add3A_217 : i32
      %ge3A_219 = arith.constant 2 : i32
      %ge3A_220 = arith.cmpi sge, %add3A_218, %ge3A_219 : i32
      %convert_element_type3A_221 = arith.extui %ge3A_220 : i1 to i32
      %cond3A_222 = arith.constant 0 : i32
      %cond3A_223 = arith.cmpi ne, %convert_element_type3A_221, %cond3A_222 : i32
      scf.if %cond3A_223 {
        %dma_wait3A_249 = arith.constant 0 : i32
        %dma_wait3A_250 = arith.constant 0 : i32
        %dma_wait3A_251 = tpu.memref_slice %arg41[%dma_wait3A_249, %dma_wait3A_250] : memref<10112x128xf32, #tpu.memory_space<vmem_shared>> -> memref<10112x128xf32, #tpu.memory_space<vmem_shared>>
        tpu.wait_indirect_dma semaphore(%arg38 : memref<!tpu.dma_semaphore, #tpu.memory_space<semaphore_mem>>) src(%arg23 : memref<40x128xf32, #tpu.memory_space<vmem>>) dst(%dma_wait3A_251 : memref<10112x128xf32, #tpu.memory_space<vmem_shared>>)
      } else {
      }
      %add3A_224 = arith.constant 3 : i32
      %add3A_225 = arith.addi %add3A_218, %add3A_224 : i32
      %lt3A_226 = arith.constant 250 : i32
      %lt3A_227 = arith.cmpi slt, %add3A_225, %lt3A_226 : i32
      %convert_element_type3A_228 = arith.extui %lt3A_227 : i1 to i32
      %cond3A_229 = arith.constant 0 : i32
      %cond3A_230 = arith.cmpi ne, %convert_element_type3A_228, %cond3A_229 : i32
      scf.if %cond3A_230 {
        %add3A_249 = arith.constant 3 : i32
        %add3A_250 = arith.addi %add3A_218, %add3A_249 : i32
        %mul3A_251 = arith.constant 40 : i32
        %mul3A_252 = arith.muli %add3A_250, %mul3A_251 : i32
        %add3A_253 = arith.addi %mul3A_2, %mul3A_252 : i32
        %dma_start3A_254 = tpu.memref_slice %arg3[%add3A_253] : memref<640000xi32, #tpu.memory_space<hbm>> -> memref<40xi32, #tpu.memory_space<hbm>>
        %dma_start3A_255 = tpu.memref_slice %arg3[%add3A_253] : memref<640000xi32, #tpu.memory_space<hbm>> -> memref<40xi32, #tpu.memory_space<hbm>>
        tpu.enqueue_dma source(%dma_start3A_255 : memref<40xi32, #tpu.memory_space<hbm>>) target(%arg8 : memref<40xi32, #tpu.memory_space<vmem>>) target_semaphore(%arg28 : memref<!tpu.dma_semaphore, #tpu.memory_space<semaphore_mem>>)
        %add3A_256 = arith.constant 320000 : i32
        %add3A_257 = arith.addi %add3A_256, %add3A_253 : i32
        %dma_start3A_258 = tpu.memref_slice %arg3[%add3A_257] : memref<640000xi32, #tpu.memory_space<hbm>> -> memref<40xi32, #tpu.memory_space<hbm>>
        %dma_start3A_259 = tpu.memref_slice %arg3[%add3A_257] : memref<640000xi32, #tpu.memory_space<hbm>> -> memref<40xi32, #tpu.memory_space<hbm>>
        tpu.enqueue_dma source(%dma_start3A_259 : memref<40xi32, #tpu.memory_space<hbm>>) target(%arg13 : memref<40xi32, #tpu.memory_space<vmem>>) target_semaphore(%arg28 : memref<!tpu.dma_semaphore, #tpu.memory_space<semaphore_mem>>)
        %dma_start3A_260 = tpu.memref_slice %arg4[%add3A_253] : memref<320000xf32, #tpu.memory_space<hbm>> -> memref<40xf32, #tpu.memory_space<hbm>>
        %dma_start3A_261 = tpu.memref_slice %arg4[%add3A_253] : memref<320000xf32, #tpu.memory_space<hbm>> -> memref<40xf32, #tpu.memory_space<hbm>>
        tpu.enqueue_dma source(%dma_start3A_261 : memref<40xf32, #tpu.memory_space<hbm>>) target(%arg18 : memref<40xf32, #tpu.memory_space<vmem>>) target_semaphore(%arg28 : memref<!tpu.dma_semaphore, #tpu.memory_space<semaphore_mem>>)
      } else {
      }
      %add3A_231 = arith.constant 2 : i32
      %add3A_232 = arith.addi %add3A_218, %add3A_231 : i32
      %lt3A_233 = arith.constant 250 : i32
      %lt3A_234 = arith.cmpi slt, %add3A_232, %lt3A_233 : i32
      %convert_element_type3A_235 = arith.extui %lt3A_234 : i1 to i32
      %cond3A_236 = arith.constant 0 : i32
      %cond3A_237 = arith.cmpi ne, %convert_element_type3A_235, %cond3A_236 : i32
      scf.if %cond3A_237 {
        %add3A_249 = arith.constant 2 : i32
        %add3A_250 = arith.addi %add3A_218, %add3A_249 : i32
        %mul3A_251 = arith.constant 40 : i32
        %mul3A_252 = arith.muli %add3A_250, %mul3A_251 : i32
        %add3A_253 = arith.addi %mul3A_2, %mul3A_252 : i32
        %dma_wait3A_254 = tpu.memref_slice %arg3[%add3A_253] : memref<640000xi32, #tpu.memory_space<hbm>> -> memref<40xi32, #tpu.memory_space<hbm>>
        %dma_wait3A_255 = tpu.memref_slice %arg3[%add3A_253] : memref<640000xi32, #tpu.memory_space<hbm>> -> memref<40xi32, #tpu.memory_space<hbm>>
        tpu.wait_dma2 semaphore(%arg27 : memref<!tpu.dma_semaphore, #tpu.memory_space<semaphore_mem>>) src(%dma_wait3A_255 : memref<40xi32, #tpu.memory_space<hbm>>) dst(%arg7 : memref<40xi32, #tpu.memory_space<vmem>>)
        %add3A_256 = arith.constant 320000 : i32
        %add3A_257 = arith.addi %add3A_256, %add3A_253 : i32
        %dma_wait3A_258 = tpu.memref_slice %arg3[%add3A_257] : memref<640000xi32, #tpu.memory_space<hbm>> -> memref<40xi32, #tpu.memory_space<hbm>>
        %dma_wait3A_259 = tpu.memref_slice %arg3[%add3A_257] : memref<640000xi32, #tpu.memory_space<hbm>> -> memref<40xi32, #tpu.memory_space<hbm>>
        tpu.wait_dma2 semaphore(%arg27 : memref<!tpu.dma_semaphore, #tpu.memory_space<semaphore_mem>>) src(%dma_wait3A_259 : memref<40xi32, #tpu.memory_space<hbm>>) dst(%arg12 : memref<40xi32, #tpu.memory_space<vmem>>)
        %dma_wait3A_260 = tpu.memref_slice %arg4[%add3A_253] : memref<320000xf32, #tpu.memory_space<hbm>> -> memref<40xf32, #tpu.memory_space<hbm>>
        %dma_wait3A_261 = tpu.memref_slice %arg4[%add3A_253] : memref<320000xf32, #tpu.memory_space<hbm>> -> memref<40xf32, #tpu.memory_space<hbm>>
        tpu.wait_dma2 semaphore(%arg27 : memref<!tpu.dma_semaphore, #tpu.memory_space<semaphore_mem>>) src(%dma_wait3A_261 : memref<40xf32, #tpu.memory_space<hbm>>) dst(%arg17 : memref<40xf32, #tpu.memory_space<vmem>>)
        %dma_start3A_262 = arith.constant 0 : i32
        %dma_start3A_263 = arith.constant 0 : i32
        %dma_start3A_264 = tpu.memref_slice %arg2[%dma_start3A_262, %dma_start3A_263] : memref<10240x128xf32, #tpu.memory_space<hbm>> -> memref<10240x128xf32, #tpu.memory_space<hbm>>
        tpu.enqueue_indirect_dma source(%dma_start3A_264 : memref<10240x128xf32, #tpu.memory_space<hbm>>) target(%arg22 : memref<40x128xf32, #tpu.memory_space<vmem>>) offsets(%arg7 : memref<40xi32, #tpu.memory_space<vmem>>) semaphore(%arg32 : memref<!tpu.dma_semaphore, #tpu.memory_space<semaphore_mem>>)
      } else {
      }
      %dma_wait3A_238 = arith.constant 0 : i32
      %dma_wait3A_239 = arith.constant 0 : i32
      %dma_wait3A_240 = tpu.memref_slice %arg2[%dma_wait3A_238, %dma_wait3A_239] : memref<10240x128xf32, #tpu.memory_space<hbm>> -> memref<10240x128xf32, #tpu.memory_space<hbm>>
      tpu.wait_indirect_dma semaphore(%arg35 : memref<!tpu.dma_semaphore, #tpu.memory_space<semaphore_mem>>) src(%dma_wait3A_240 : memref<10240x128xf32, #tpu.memory_space<hbm>>) dst(%arg25 : memref<40x128xf32, #tpu.memory_space<vmem>>)
      %scan3A_241 = arith.constant 0 : i32
      %scan3A_242 = arith.constant 20 : i32
      %scan3A_243 = arith.addi %scan3A_241, %scan3A_242 : i32
      %scan3A_244 = arith.constant 1 : i32
      scf.for %scan3A_249 = %scan3A_241 to %scan3A_243 step %scan3A_244  : i32 {
        %mul3A_250 = arith.constant 2 : i32
        %mul3A_251 = arith.muli %scan3A_249, %mul3A_250 : i32
        %add3A_252 = arith.constant 0 : i32
        %add3A_253 = arith.addi %add3A_252, %mul3A_251 : i32
        %broadcast_in_dim3A_254 = arith.constant 0 : i32
        %broadcast_in_dim3A_255 = vector.broadcast %broadcast_in_dim3A_254 : i32 to vector<16xi32>
        %add3A_256 = vector.broadcast %add3A_253 : i32 to vector<16xi32>
        %add3A_257 = arith.addi %broadcast_in_dim3A_255, %add3A_256 : vector<16xi32>
        %gather3A = tpu.vector_load_idx %arg20[%add3A_257] : memref<40xf32, #tpu.memory_space<vmem>>[vector<16xi32>], vector<16xf32>,
        %add3A_258 = arith.constant 1 : i32
        %add3A_259 = vector.broadcast %add3A_258 : i32 to vector<16xi32>
        %add3A_260 = arith.addi %add3A_257, %add3A_259 : vector<16xi32>
        %gather3A_261 = tpu.vector_load_idx %arg20[%add3A_260] : memref<40xf32, #tpu.memory_space<vmem>>[vector<16xi32>], vector<16xf32>,
        %add3A_262 = arith.constant 1 : i32
        %add3A_263 = arith.addi %add3A_253, %add3A_262 : i32
        %get3A = arith.index_cast %add3A_253 : i32 to index
        %get3A_264 = arith.constant 0 : index
        %get3A_265 = tpu.vector_load %arg25[%get3A, %get3A_264] {strides = array<i32>} : memref<40x128xf32, #tpu.memory_space<vmem>>, vector<16xf32>,
        %mul3A_266 = arith.mulf %get3A_265, %gather3A : vector<16xf32>
        %swap3A = arith.index_cast %add3A_253 : i32 to index
        %swap3A_267 = arith.constant 0 : index
        %swap3A_268 = tpu.vector_load %arg25[%swap3A, %swap3A_267] {strides = array<i32>} : memref<40x128xf32, #tpu.memory_space<vmem>>, vector<16xf32>,
        tpu.vector_store %arg25[%swap3A, %swap3A_267], %mul3A_266 {strides = array<i32>} : memref<40x128xf32, #tpu.memory_space<vmem>>, vector<16xf32>,
        %get3A_269 = arith.index_cast %add3A_253 : i32 to index
        %get3A_270 = arith.constant 16 : index
        %get3A_271 = tpu.vector_load %arg25[%get3A_269, %get3A_270] {strides = array<i32>} : memref<40x128xf32, #tpu.memory_space<vmem>>, vector<16xf32>,
        %mul3A_272 = arith.mulf %get3A_271, %gather3A : vector<16xf32>
        %swap3A_273 = arith.index_cast %add3A_253 : i32 to index
        %swap3A_274 = arith.constant 16 : index
        %swap3A_275 = tpu.vector_load %arg25[%swap3A_273, %swap3A_274] {strides = array<i32>} : memref<40x128xf32, #tpu.memory_space<vmem>>, vector<16xf32>,
        tpu.vector_store %arg25[%swap3A_273, %swap3A_274], %mul3A_272 {strides = array<i32>} : memref<40x128xf32, #tpu.memory_space<vmem>>, vector<16xf32>,
        %get3A_276 = arith.index_cast %add3A_253 : i32 to index
        %get3A_277 = arith.constant 32 : index
        %get3A_278 = tpu.vector_load %arg25[%get3A_276, %get3A_277] {strides = array<i32>} : memref<40x128xf32, #tpu.memory_space<vmem>>, vector<16xf32>,
        %mul3A_279 = arith.mulf %get3A_278, %gather3A : vector<16xf32>
        %swap3A_280 = arith.index_cast %add3A_253 : i32 to index
        %swap3A_281 = arith.constant 32 : index
        %swap3A_282 = tpu.vector_load %arg25[%swap3A_280, %swap3A_281] {strides = array<i32>} : memref<40x128xf32, #tpu.memory_space<vmem>>, vector<16xf32>,
        tpu.vector_store %arg25[%swap3A_280, %swap3A_281], %mul3A_279 {strides = array<i32>} : memref<40x128xf32, #tpu.memory_space<vmem>>, vector<16xf32>,
        %get3A_283 = arith.index_cast %add3A_253 : i32 to index
        %get3A_284 = arith.constant 48 : index
        %get3A_285 = tpu.vector_load %arg25[%get3A_283, %get3A_284] {strides = array<i32>} : memref<40x128xf32, #tpu.memory_space<vmem>>, vector<16xf32>,
        %mul3A_286 = arith.mulf %get3A_285, %gather3A : vector<16xf32>
        %swap3A_287 = arith.index_cast %add3A_253 : i32 to index
        %swap3A_288 = arith.constant 48 : index
        %swap3A_289 = tpu.vector_load %arg25[%swap3A_287, %swap3A_288] {strides = array<i32>} : memref<40x128xf32, #tpu.memory_space<vmem>>, vector<16xf32>,
        tpu.vector_store %arg25[%swap3A_287, %swap3A_288], %mul3A_286 {strides = array<i32>} : memref<40x128xf32, #tpu.memory_space<vmem>>, vector<16xf32>,
        %get3A_290 = arith.index_cast %add3A_253 : i32 to index
        %get3A_291 = arith.constant 64 : index
        %get3A_292 = tpu.vector_load %arg25[%get3A_290, %get3A_291] {strides = array<i32>} : memref<40x128xf32, #tpu.memory_space<vmem>>, vector<16xf32>,
        %mul3A_293 = arith.mulf %get3A_292, %gather3A : vector<16xf32>
        %swap3A_294 = arith.index_cast %add3A_253 : i32 to index
        %swap3A_295 = arith.constant 64 : index
        %swap3A_296 = tpu.vector_load %arg25[%swap3A_294, %swap3A_295] {strides = array<i32>} : memref<40x128xf32, #tpu.memory_space<vmem>>, vector<16xf32>,
        tpu.vector_store %arg25[%swap3A_294, %swap3A_295], %mul3A_293 {strides = array<i32>} : memref<40x128xf32, #tpu.memory_space<vmem>>, vector<16xf32>,
        %get3A_297 = arith.index_cast %add3A_253 : i32 to index
        %get3A_298 = arith.constant 80 : index
        %get3A_299 = tpu.vector_load %arg25[%get3A_297, %get3A_298] {strides = array<i32>} : memref<40x128xf32, #tpu.memory_space<vmem>>, vector<16xf32>,
        %mul3A_300 = arith.mulf %get3A_299, %gather3A : vector<16xf32>
        %swap3A_301 = arith.index_cast %add3A_253 : i32 to index
        %swap3A_302 = arith.constant 80 : index
        %swap3A_303 = tpu.vector_load %arg25[%swap3A_301, %swap3A_302] {strides = array<i32>} : memref<40x128xf32, #tpu.memory_space<vmem>>, vector<16xf32>,
        tpu.vector_store %arg25[%swap3A_301, %swap3A_302], %mul3A_300 {strides = array<i32>} : memref<40x128xf32, #tpu.memory_space<vmem>>, vector<16xf32>,
        %get3A_304 = arith.index_cast %add3A_253 : i32 to index
        %get3A_305 = arith.constant 96 : index
        %get3A_306 = tpu.vector_load %arg25[%get3A_304, %get3A_305] {strides = array<i32>} : memref<40x128xf32, #tpu.memory_space<vmem>>, vector<16xf32>,
        %mul3A_307 = arith.mulf %get3A_306, %gather3A : vector<16xf32>
        %swap3A_308 = arith.index_cast %add3A_253 : i32 to index
        %swap3A_309 = arith.constant 96 : index
        %swap3A_310 = tpu.vector_load %arg25[%swap3A_308, %swap3A_309] {strides = array<i32>} : memref<40x128xf32, #tpu.memory_space<vmem>>, vector<16xf32>,
        tpu.vector_store %arg25[%swap3A_308, %swap3A_309], %mul3A_307 {strides = array<i32>} : memref<40x128xf32, #tpu.memory_space<vmem>>, vector<16xf32>,
        %get3A_311 = arith.index_cast %add3A_253 : i32 to index
        %get3A_312 = arith.constant 112 : index
        %get3A_313 = tpu.vector_load %arg25[%get3A_311, %get3A_312] {strides = array<i32>} : memref<40x128xf32, #tpu.memory_space<vmem>>, vector<16xf32>,
        %mul3A_314 = arith.mulf %get3A_313, %gather3A : vector<16xf32>
        %swap3A_315 = arith.index_cast %add3A_253 : i32 to index
        %swap3A_316 = arith.constant 112 : index
        %swap3A_317 = tpu.vector_load %arg25[%swap3A_315, %swap3A_316] {strides = array<i32>} : memref<40x128xf32, #tpu.memory_space<vmem>>, vector<16xf32>,
        tpu.vector_store %arg25[%swap3A_315, %swap3A_316], %mul3A_314 {strides = array<i32>} : memref<40x128xf32, #tpu.memory_space<vmem>>, vector<16xf32>,
        %get3A_318 = arith.index_cast %add3A_263 : i32 to index
        %get3A_319 = arith.constant 0 : index
        %get3A_320 = tpu.vector_load %arg25[%get3A_318, %get3A_319] {strides = array<i32>} : memref<40x128xf32, #tpu.memory_space<vmem>>, vector<16xf32>,
        %mul3A_321 = arith.mulf %get3A_320, %gather3A_261 : vector<16xf32>
        %swap3A_322 = arith.index_cast %add3A_263 : i32 to index
        %swap3A_323 = arith.constant 0 : index
        %swap3A_324 = tpu.vector_load %arg25[%swap3A_322, %swap3A_323] {strides = array<i32>} : memref<40x128xf32, #tpu.memory_space<vmem>>, vector<16xf32>,
        tpu.vector_store %arg25[%swap3A_322, %swap3A_323], %mul3A_321 {strides = array<i32>} : memref<40x128xf32, #tpu.memory_space<vmem>>, vector<16xf32>,
        %get3A_325 = arith.index_cast %add3A_263 : i32 to index
        %get3A_326 = arith.constant 16 : index
        %get3A_327 = tpu.vector_load %arg25[%get3A_325, %get3A_326] {strides = array<i32>} : memref<40x128xf32, #tpu.memory_space<vmem>>, vector<16xf32>,
        %mul3A_328 = arith.mulf %get3A_327, %gather3A_261 : vector<16xf32>
        %swap3A_329 = arith.index_cast %add3A_263 : i32 to index
        %swap3A_330 = arith.constant 16 : index
        %swap3A_331 = tpu.vector_load %arg25[%swap3A_329, %swap3A_330] {strides = array<i32>} : memref<40x128xf32, #tpu.memory_space<vmem>>, vector<16xf32>,
        tpu.vector_store %arg25[%swap3A_329, %swap3A_330], %mul3A_328 {strides = array<i32>} : memref<40x128xf32, #tpu.memory_space<vmem>>, vector<16xf32>,
        %get3A_332 = arith.index_cast %add3A_263 : i32 to index
        %get3A_333 = arith.constant 32 : index
        %get3A_334 = tpu.vector_load %arg25[%get3A_332, %get3A_333] {strides = array<i32>} : memref<40x128xf32, #tpu.memory_space<vmem>>, vector<16xf32>,
        %mul3A_335 = arith.mulf %get3A_334, %gather3A_261 : vector<16xf32>
        %swap3A_336 = arith.index_cast %add3A_263 : i32 to index
        %swap3A_337 = arith.constant 32 : index
        %swap3A_338 = tpu.vector_load %arg25[%swap3A_336, %swap3A_337] {strides = array<i32>} : memref<40x128xf32, #tpu.memory_space<vmem>>, vector<16xf32>,
        tpu.vector_store %arg25[%swap3A_336, %swap3A_337], %mul3A_335 {strides = array<i32>} : memref<40x128xf32, #tpu.memory_space<vmem>>, vector<16xf32>,
        %get3A_339 = arith.index_cast %add3A_263 : i32 to index
        %get3A_340 = arith.constant 48 : index
        %get3A_341 = tpu.vector_load %arg25[%get3A_339, %get3A_340] {strides = array<i32>} : memref<40x128xf32, #tpu.memory_space<vmem>>, vector<16xf32>,
        %mul3A_342 = arith.mulf %get3A_341, %gather3A_261 : vector<16xf32>
        %swap3A_343 = arith.index_cast %add3A_263 : i32 to index
        %swap3A_344 = arith.constant 48 : index
        %swap3A_345 = tpu.vector_load %arg25[%swap3A_343, %swap3A_344] {strides = array<i32>} : memref<40x128xf32, #tpu.memory_space<vmem>>, vector<16xf32>,
        tpu.vector_store %arg25[%swap3A_343, %swap3A_344], %mul3A_342 {strides = array<i32>} : memref<40x128xf32, #tpu.memory_space<vmem>>, vector<16xf32>,
        %get3A_346 = arith.index_cast %add3A_263 : i32 to index
        %get3A_347 = arith.constant 64 : index
        %get3A_348 = tpu.vector_load %arg25[%get3A_346, %get3A_347] {strides = array<i32>} : memref<40x128xf32, #tpu.memory_space<vmem>>, vector<16xf32>,
        %mul3A_349 = arith.mulf %get3A_348, %gather3A_261 : vector<16xf32>
        %swap3A_350 = arith.index_cast %add3A_263 : i32 to index
        %swap3A_351 = arith.constant 64 : index
        %swap3A_352 = tpu.vector_load %arg25[%swap3A_350, %swap3A_351] {strides = array<i32>} : memref<40x128xf32, #tpu.memory_space<vmem>>, vector<16xf32>,
        tpu.vector_store %arg25[%swap3A_350, %swap3A_351], %mul3A_349 {strides = array<i32>} : memref<40x128xf32, #tpu.memory_space<vmem>>, vector<16xf32>,
        %get3A_353 = arith.index_cast %add3A_263 : i32 to index
        %get3A_354 = arith.constant 80 : index
        %get3A_355 = tpu.vector_load %arg25[%get3A_353, %get3A_354] {strides = array<i32>} : memref<40x128xf32, #tpu.memory_space<vmem>>, vector<16xf32>,
        %mul3A_356 = arith.mulf %get3A_355, %gather3A_261 : vector<16xf32>
        %swap3A_357 = arith.index_cast %add3A_263 : i32 to index
        %swap3A_358 = arith.constant 80 : index
        %swap3A_359 = tpu.vector_load %arg25[%swap3A_357, %swap3A_358] {strides = array<i32>} : memref<40x128xf32, #tpu.memory_space<vmem>>, vector<16xf32>,
        tpu.vector_store %arg25[%swap3A_357, %swap3A_358], %mul3A_356 {strides = array<i32>} : memref<40x128xf32, #tpu.memory_space<vmem>>, vector<16xf32>,
        %get3A_360 = arith.index_cast %add3A_263 : i32 to index
        %get3A_361 = arith.constant 96 : index
        %get3A_362 = tpu.vector_load %arg25[%get3A_360, %get3A_361] {strides = array<i32>} : memref<40x128xf32, #tpu.memory_space<vmem>>, vector<16xf32>,
        %mul3A_363 = arith.mulf %get3A_362, %gather3A_261 : vector<16xf32>
        %swap3A_364 = arith.index_cast %add3A_263 : i32 to index
        %swap3A_365 = arith.constant 96 : index
        %swap3A_366 = tpu.vector_load %arg25[%swap3A_364, %swap3A_365] {strides = array<i32>} : memref<40x128xf32, #tpu.memory_space<vmem>>, vector<16xf32>,
        tpu.vector_store %arg25[%swap3A_364, %swap3A_365], %mul3A_363 {strides = array<i32>} : memref<40x128xf32, #tpu.memory_space<vmem>>, vector<16xf32>,
        %get3A_367 = arith.index_cast %add3A_263 : i32 to index
        %get3A_368 = arith.constant 112 : index
        %get3A_369 = tpu.vector_load %arg25[%get3A_367, %get3A_368] {strides = array<i32>} : memref<40x128xf32, #tpu.memory_space<vmem>>, vector<16xf32>,
        %mul3A_370 = arith.mulf %get3A_369, %gather3A_261 : vector<16xf32>
        %swap3A_371 = arith.index_cast %add3A_263 : i32 to index
        %swap3A_372 = arith.constant 112 : index
        %swap3A_373 = tpu.vector_load %arg25[%swap3A_371, %swap3A_372] {strides = array<i32>} : memref<40x128xf32, #tpu.memory_space<vmem>>, vector<16xf32>,
        tpu.vector_store %arg25[%swap3A_371, %swap3A_372], %mul3A_370 {strides = array<i32>} : memref<40x128xf32, #tpu.memory_space<vmem>>, vector<16xf32>,
      }
      %scan3A_245 = arith.constant 20 : i32
      %dma_start3A_246 = arith.constant 0 : i32
      %dma_start3A_247 = arith.constant 0 : i32
      %dma_start3A_248 = tpu.memref_slice %arg41[%dma_start3A_246, %dma_start3A_247] : memref<10112x128xf32, #tpu.memory_space<vmem_shared>> -> memref<10112x128xf32, #tpu.memory_space<vmem_shared>>
      tpu.enqueue_indirect_dma source(%arg25 : memref<40x128xf32, #tpu.memory_space<vmem>>) target(%dma_start3A_248 : memref<10112x128xf32, #tpu.memory_space<vmem_shared>>) offsets(%arg15 : memref<40xi32, #tpu.memory_space<vmem>>) semaphore(%arg40 : memref<!tpu.dma_semaphore, #tpu.memory_space<semaphore_mem>>) {add = true}
    }
    %scan3A_76 = arith.constant 50 : i32
    %dma_wait3A_77 = arith.constant 0 : i32
    %dma_wait3A_78 = arith.constant 0 : i32
    %dma_wait3A_79 = tpu.memref_slice %arg41[%dma_wait3A_77, %dma_wait3A_78] : memref<10112x128xf32, #tpu.memory_space<vmem_shared>> -> memref<10112x128xf32, #tpu.memory_space<vmem_shared>>
    tpu.wait_indirect_dma semaphore(%arg39 : memref<!tpu.dma_semaphore, #tpu.memory_space<semaphore_mem>>) src(%arg24 : memref<40x128xf32, #tpu.memory_space<vmem>>) dst(%dma_wait3A_79 : memref<10112x128xf32, #tpu.memory_space<vmem_shared>>)
    %dma_wait3A_80 = arith.constant 0 : i32
    %dma_wait3A_81 = arith.constant 0 : i32
    %dma_wait3A_82 = tpu.memref_slice %arg41[%dma_wait3A_80, %dma_wait3A_81] : memref<10112x128xf32, #tpu.memory_space<vmem_shared>> -> memref<10112x128xf32, #tpu.memory_space<vmem_shared>>
    tpu.wait_indirect_dma semaphore(%arg40 : memref<!tpu.dma_semaphore, #tpu.memory_space<semaphore_mem>>) src(%arg25 : memref<40x128xf32, #tpu.memory_space<vmem>>) dst(%dma_wait3A_82 : memref<10112x128xf32, #tpu.memory_space<vmem_shared>>)
    "tpu.trace_stop"() : () -> ()
    "tpu.trace_start"() <{level = 10 : i32, message = "b_publish"}> : () -> ()
    %barrier3A_83 = arith.constant 0 : index
    tpu.barrier barrier_id(%barrier3A_83)
    %mul3A_84 = arith.constant 632 : i32
    %mul3A_85 = arith.muli %arg1, %mul3A_84 : i32
    %mul3A_86 = arith.constant 632 : i32
    %mul3A_87 = arith.muli %arg1, %mul3A_86 : i32
    "tpu.region"() ({
      %run_scoped3A = tpu.sem_alloc : memref<!tpu.dma_semaphore, #tpu.memory_space<semaphore_mem>>
      %dma_start3A_88 = arith.constant 0 : i32
      %dma_start3A_89 = tpu.memref_slice %arg5[%arg0, %mul3A_87, %dma_start3A_88] : memref<2x10240x128xf32, #tpu.memory_space<hbm>> -> memref<1x632x128xf32, #tpu.memory_space<hbm>>
      %dma_start3A_90 = tpu.memref_squeeze %dma_start3A_89 : memref<1x632x128xf32, #tpu.memory_space<hbm>> -> memref<632x128xf32, #tpu.memory_space<hbm>>
      %dma_start3A_91 = arith.constant 0 : i32
      %dma_start3A_92 = tpu.memref_slice %arg41[%mul3A_85, %dma_start3A_91] : memref<10112x128xf32, #tpu.memory_space<vmem_shared>> -> memref<632x128xf32, #tpu.memory_space<vmem_shared>>
      tpu.enqueue_dma source(%dma_start3A_92 : memref<632x128xf32, #tpu.memory_space<vmem_shared>>) target(%dma_start3A_90 : memref<632x128xf32, #tpu.memory_space<hbm>>) target_semaphore(%run_scoped3A : memref<!tpu.dma_semaphore, #tpu.memory_space<semaphore_mem>>)
      %dma_wait3A_93 = arith.constant 0 : i32
      %dma_wait3A_94 = tpu.memref_slice %arg5[%arg0, %mul3A_87, %dma_wait3A_93] : memref<2x10240x128xf32, #tpu.memory_space<hbm>> -> memref<1x632x128xf32, #tpu.memory_space<hbm>>
      %dma_wait3A_95 = tpu.memref_squeeze %dma_wait3A_94 : memref<1x632x128xf32, #tpu.memory_space<hbm>> -> memref<632x128xf32, #tpu.memory_space<hbm>>
      %dma_wait3A_96 = arith.constant 0 : i32
      %dma_wait3A_97 = tpu.memref_slice %arg41[%mul3A_85, %dma_wait3A_96] : memref<10112x128xf32, #tpu.memory_space<vmem_shared>> -> memref<632x128xf32, #tpu.memory_space<vmem_shared>>
      tpu.wait_dma2 semaphore(%run_scoped3A : memref<!tpu.dma_semaphore, #tpu.memory_space<semaphore_mem>>) src(%dma_wait3A_97 : memref<632x128xf32, #tpu.memory_space<vmem_shared>>) dst(%dma_wait3A_95 : memref<632x128xf32, #tpu.memory_space<hbm>>)
      tpu.yield
    }) : () -> ()
    "tpu.trace_stop"() : () -> ()
    return
  }
}

module attributes {stable_mosaic.version = 14 : i64} {
  func.func @_epilog_body(%arg0: i32, %arg1: memref<2x1024x128xf32, #tpu.memory_space<vmem>>, %arg2: memref<32x1024xf32, #tpu.memory_space<vmem>>, %arg3: memref<1x128xf32, #tpu.memory_space<vmem>>, %arg4: memref<1024x128xf32, #tpu.memory_space<vmem>>) attributes {dimension_semantics = [#tpu.dimension_semantics<arbitrary>], iteration_bounds = array<i64: 10>, scalar_prefetch = 0 : i64, scratch_operands = 0 : i64, tpu.core_type = #tpu.core_type<tc>, window_params = [{transform_indices = @transform_0, window_bounds = array<i64: 2, 1024, 128>}, {transform_indices = @transform_1, window_bounds = array<i64: 32, 1024>}, {pipeline_mode = #tpu.pipeline_mode<synchronous>, transform_indices = @transform_2, window_bounds = array<i64: 1, 128>}, {transform_indices = @transform_3, window_bounds = array<i64: 1024, 128>}]} {
    %get3A = arith.constant 0 : index
    %get3A_0 = arith.constant 0 : index
    %get3A_1 = arith.constant 0 : index
    %get3A_2 = vector.load %arg1[%get3A, %get3A_0, %get3A_1] : memref<2x1024x128xf32, #tpu.memory_space<vmem>>, vector<1x1024x128xf32>
    %get3A_3 = vector.shape_cast %get3A_2 : vector<1x1024x128xf32> to vector<1024x128xf32>
    %get3A_4 = arith.constant 1 : index
    %get3A_5 = arith.constant 0 : index
    %get3A_6 = arith.constant 0 : index
    %get3A_7 = vector.load %arg1[%get3A_4, %get3A_5, %get3A_6] : memref<2x1024x128xf32, #tpu.memory_space<vmem>>, vector<1x1024x128xf32>
    %get3A_8 = vector.shape_cast %get3A_7 : vector<1x1024x128xf32> to vector<1024x128xf32>
    %add3A = arith.addf %get3A_3, %get3A_8 : vector<1024x128xf32>
    %broadcast_in_dim3A = arith.constant 1.000000e+00 : f32
    %broadcast_in_dim3A_9 = vector.broadcast %broadcast_in_dim3A : f32 to vector<32x1xf32>
    %get3A_10 = arith.constant 0 : index
    %get3A_11 = arith.constant 0 : index
    %get3A_12 = vector.load %arg2[%get3A_10, %get3A_11] : memref<32x1024xf32, #tpu.memory_space<vmem>>, vector<32x1024xf32>
    %dot_general3A = arith.constant dense<0.000000e+00> : vector<1024x1xf32>
    %dot_general3A_13 = tpu.matmul %get3A_12, %broadcast_in_dim3A_9, %dot_general3A {dimension_numbers = #tpu.dot_dimension_numbers<[0], [0], [1], [1], [0, 1, 1, 1], [], []>, transpose_lhs_hint = false} : vector<32x1024xf32>, vector<32x1xf32>, vector<1024x1xf32> -> vector<1024x1xf32>
    %add3A_14 = arith.constant 1.000000e-16 : f32
    %add3A_15 = vector.broadcast %add3A_14 : f32 to vector<1024x1xf32>
    %add3A_16 = arith.addf %dot_general3A_13, %add3A_15 : vector<1024x1xf32>
    %div3A = vector.broadcast %add3A_16 : vector<1024x1xf32> to vector<1024x128xf32>
    %div3A_17 = arith.divf %add3A, %div3A : vector<1024x128xf32>
    %get3A_18 = arith.constant 0 : index
    %get3A_19 = arith.constant 0 : index
    %get3A_20 = vector.load %arg3[%get3A_18, %get3A_19] : memref<1x128xf32, #tpu.memory_space<vmem>>, vector<1x128xf32>
    %add3A_21 = vector.broadcast %get3A_20 : vector<1x128xf32> to vector<1024x128xf32>
    %add3A_22 = arith.addf %div3A_17, %add3A_21 : vector<1024x128xf32>
    %swap3A = arith.constant 0 : index
    %swap3A_23 = arith.constant 0 : index
    %swap3A_24 = vector.load %arg4[%swap3A, %swap3A_23] : memref<1024x128xf32, #tpu.memory_space<vmem>>, vector<1024x128xf32>
    tpu.vector_store %arg4[%swap3A, %swap3A_23], %add3A_22 {strides = array<i32>} : memref<1024x128xf32, #tpu.memory_space<vmem>>, vector<1024x128xf32>,
    return
  }
  func.func @transform_0(%arg0: i32) -> (i32, i32, i32) {
    %c0_i32 = arith.constant 0 : i32
    %c0_i32_0 = arith.constant 0 : i32
    %c0_i32_1 = arith.constant 0 : i32
    return %c0_i32, %arg0, %c0_i32_0 : i32, i32, i32
  }
  func.func @transform_1(%arg0: i32) -> (i32, i32) {
    %c0_i32 = arith.constant 0 : i32
    %c0_i32_0 = arith.constant 0 : i32
    return %c0_i32, %arg0 : i32, i32
  }
  func.func @transform_2(%arg0: i32) -> (i32, i32) {
    %c0_i32 = arith.constant 0 : i32
    %c0_i32_0 = arith.constant 0 : i32
    %c0_i32_1 = arith.constant 0 : i32
    return %c0_i32, %c0_i32_0 : i32, i32
  }
  func.func @transform_3(%arg0: i32) -> (i32, i32) {
    %c0_i32 = arith.constant 0 : i32
    %c0_i32_0 = arith.constant 0 : i32
    return %arg0, %c0_i32 : i32, i32
  }
}

module attributes {stable_mosaic.version = 14 : i64} {
  func.func @_prolog_body(%arg0: i32, %arg1: memref<512x128xf32, #tpu.memory_space<vmem>>, %arg2: memref<128x128xf32, #tpu.memory_space<vmem>>, %arg3: memref<8x128xf32, #tpu.memory_space<vmem>>, %arg4: memref<512x128xf32, #tpu.memory_space<vmem>>, %arg5: memref<8x512xf32, #tpu.memory_space<vmem>>) attributes {dimension_semantics = [#tpu.dimension_semantics<arbitrary>], iteration_bounds = array<i64: 20>, scalar_prefetch = 0 : i64, scratch_operands = 0 : i64, tpu.core_type = #tpu.core_type<tc>, window_params = [{transform_indices = @transform_0, window_bounds = array<i64: 512, 128>}, {pipeline_mode = #tpu.pipeline_mode<synchronous>, transform_indices = @transform_1, window_bounds = array<i64: 128, 128>}, {pipeline_mode = #tpu.pipeline_mode<synchronous>, transform_indices = @transform_2, window_bounds = array<i64: 8, 128>}, {transform_indices = @transform_3, window_bounds = array<i64: 512, 128>}, {transform_indices = @transform_4, window_bounds = array<i64: 8, 512>}]} {
    %get3A = arith.constant 0 : index
    %get3A_0 = arith.constant 0 : index
    %get3A_1 = vector.load %arg1[%get3A, %get3A_0] : memref<512x128xf32, #tpu.memory_space<vmem>>, vector<512x128xf32>
    %get3A_2 = arith.constant 0 : index
    %get3A_3 = arith.constant 0 : index
    %get3A_4 = vector.load %arg2[%get3A_2, %get3A_3] : memref<128x128xf32, #tpu.memory_space<vmem>>, vector<128x128xf32>
    %dot_general3A = arith.constant dense<0.000000e+00> : vector<512x128xf32>
    %dot_general3A_5 = tpu.matmul %get3A_1, %get3A_4, %dot_general3A {dimension_numbers = #tpu.dot_dimension_numbers<[1], [0], [0], [1], [0, 0, 1, 1], [], []>, transpose_lhs_hint = false} : vector<512x128xf32>, vector<128x128xf32>, vector<512x128xf32> -> vector<512x128xf32>
    %swap3A = arith.constant 0 : index
    %swap3A_6 = arith.constant 0 : index
    %swap3A_7 = vector.load %arg4[%swap3A, %swap3A_6] : memref<512x128xf32, #tpu.memory_space<vmem>>, vector<512x128xf32>
    tpu.vector_store %arg4[%swap3A, %swap3A_6], %dot_general3A_5 {strides = array<i32>} : memref<512x128xf32, #tpu.memory_space<vmem>>, vector<512x128xf32>,
    %get3A_8 = arith.constant 0 : index
    %get3A_9 = arith.constant 0 : index
    %get3A_10 = vector.load %arg3[%get3A_8, %get3A_9] : memref<8x128xf32, #tpu.memory_space<vmem>>, vector<8x128xf32>
    %dot_general3A_11 = arith.constant dense<0.000000e+00> : vector<8x512xf32>
    %dot_general3A_12 = tpu.matmul %get3A_10, %dot_general3A_5, %dot_general3A_11 {dimension_numbers = #tpu.dot_dimension_numbers<[1], [1], [0], [0], [0, 0, 1, 0], [], []>, transpose_lhs_hint = false} : vector<8x128xf32>, vector<512x128xf32>, vector<8x512xf32> -> vector<8x512xf32>
    %swap3A_13 = arith.constant 0 : index
    %swap3A_14 = arith.constant 0 : index
    %swap3A_15 = vector.load %arg5[%swap3A_13, %swap3A_14] : memref<8x512xf32, #tpu.memory_space<vmem>>, vector<8x512xf32>
    tpu.vector_store %arg5[%swap3A_13, %swap3A_14], %dot_general3A_12 {strides = array<i32>} : memref<8x512xf32, #tpu.memory_space<vmem>>, vector<8x512xf32>,
    return
  }
  func.func @transform_0(%arg0: i32) -> (i32, i32) {
    %c0_i32 = arith.constant 0 : i32
    %c0_i32_0 = arith.constant 0 : i32
    return %arg0, %c0_i32 : i32, i32
  }
  func.func @transform_1(%arg0: i32) -> (i32, i32) {
    %c0_i32 = arith.constant 0 : i32
    %c0_i32_0 = arith.constant 0 : i32
    %c0_i32_1 = arith.constant 0 : i32
    return %c0_i32, %c0_i32_0 : i32, i32
  }
  func.func @transform_2(%arg0: i32) -> (i32, i32) {
    %c0_i32 = arith.constant 0 : i32
    %c0_i32_0 = arith.constant 0 : i32
    %c0_i32_1 = arith.constant 0 : i32
    return %c0_i32, %c0_i32_0 : i32, i32
  }
  func.func @transform_3(%arg0: i32) -> (i32, i32) {
    %c0_i32 = arith.constant 0 : i32
    %c0_i32_0 = arith.constant 0 : i32
    return %arg0, %c0_i32 : i32, i32
  }
  func.func @transform_4(%arg0: i32) -> (i32, i32) {
    %c0_i32 = arith.constant 0 : i32
    %c0_i32_0 = arith.constant 0 : i32
    return %c0_i32, %arg0 : i32, i32
  }
}

</mosaic_0001>

<sc_bundles>
// kernel: kernel.6.cloned.1.call-start
scs
__scs_entry_jumppad:
0x0: {  	(pc) =	sbr.rel $0x88, $3  }
0x1: {  	(tag) =	ssettag $0x0;
	lr =	simm.s32 $0x1  }
0x2: {  	[smem:$0x3F9B] =	sst lr;
	_ =	strace $0xD0000000  }
0x3: {  	_ = 	snop  }
0x4: {  	_ = 	snop  }
0x5: {  	_ = 	snop  }
0x6: {  	_ = 	snop  }
0x7: {  	_ = 	snop  }
__scs_overlays_trampoline_lowered:
0x8: {  	[smem:$0x3FAA] =	sst s0  }
0x9: {  	[smem:$0x3FAB] =	sst s1  }
0xa: {  	[smem:$0x3FAC] =	sst s2  }
0xb: {  	[smem:$0x3FAD] =	sst s3  }
0xc: {  	[smem:$0x3FAE] =	sst s4  }
0xd: {  	[smem:$0x3FAF] =	sst s5  }
0xe: {  	[smem:$0x3FB0] =	sst s6  }
0xf: {  	[smem:$0x3FB1] =	sst s7  }
0x10: {  	[smem:$0x3FB2] =	sst s8  }
0x11: {  	[smem:$0x3FB3] =	sst s9;
	s0 =	simm.s32 @!p0 $0x0  }
0x12: {  	s1 =	sld [smem:$0x3F99];
	s0 =	simm.s32 @p0 $0x1  }
0x13: {  	[smem:$0x3FB4] =	sst s0;
	s0 =	simm.s32 @!p1 $0x0  }
0x14: {  	s2 =	sld [smem:$0x3F98];
	s0 =	simm.s32 @p1 $0x1  }
0x15: {  	[smem:$0x3FB5] =	sst s0;
	s0 =	simm.s32 @!p2 $0x0  }
0x16: {  	s3 =	sld [smem:$0x3FDB];
	s0 =	simm.s32 @p2 $0x1  }
0x17: {  	s4 =	simm.s32 $0x1BF5;
	[smem:$0x3FB7] =	sst s0  }
0x18: {  	s0 =	sld [smem:$0x3F9A];
	_ =	swait.ge [sflag:s4], $0x0  }
0x19: {  	s7 =	sld [smem:$0x3F9B]  }
0x1a: {  	s8 =	sadd.s32 $0xFFFFE003, lr  }
0x1b: {  	s9 =	sadd.s32 $0xFFFFFEF7, lr;
	s5 =	simm.s32 $0xFFFFFFFF;
	p2 =	slt.u32 s8, $0xFFFFF086  }
0x1c: {  	p1 =	slt.u32 s9, $0xF7A;
	s5 =	simm.s32 @!p2 $0x0  }
0x1d: {  	s5 =	simm.s32 @p1 $0x1;
	p0 =	seq.s32 s7, s2  }
0x1e: {  	s7 =	smul.u32 @!p0 $0xF7A, s2;
	p2 =	seq.s32 @!p0 s5, $0x0  }
0x1f: {  	s9 =	smul.u32 $0xF7A, s1;
	s8 =	simm.s32 @!p0 $0x1BF5;
	p2 =	por !p2, p0  }
0x20: {  	[sflag:s8] =	ssyncset.s32 @!p0 $0xFFFFF086;
	s6 =	sadd.s32 @!p0 s3, s7;
	s7 =	simm.s32 @!p0 $0x108  }
0x21: {  	s3 =	sadd.s32 s3, s9;
	s6 =	sadd.s32 @!p0 $0x88, s6;
	s7 =	simm.s32 @p2 $0x1082  }
0x22: {  	[simem:s7], [sflag:s8] =	dma.local @!p0 [hbm:s6], $0xF7A  }
0x23: {  	s9 =	sor.u32 $0xD0000000, s2;
	s6 =	simm.s32 $0x108;
	_ =	swait.ge @!p0 [sflag:s8], $0x0  }
0x24: {  	s3 =	sadd.s32 $0x88, s3;
	s6 =	simm.s32 @!p1 $0x1082;
	[sflag:s4] =	ssyncset.s32 $0xFFFFF086  }
0x25: {  	[simem:s6], [sflag:s4] =	dma.local [hbm:s3], $0xF7A  }
0x26: {  	[smem:$0x3F9B] =	sst s1;
	(tag) =	ssettag s2;
	_ =	strace s9  }
0x27: {  	s1 =	sld [smem:$0x3FAB]  }
0x28: {  	s2 =	sld [smem:$0x3FAC]  }
0x29: {  	s4 =	sld [smem:$0x3FAE]  }
0x2a: {  	p0 =	seq.s32 s5, $0x0;
	s5 =	sld [smem:$0x3FAF]  }
0x2b: {  	s6 =	sld [smem:$0x3FB0]  }
0x2c: {  	s7 =	sld [smem:$0x3FB1]  }
0x2d: {  	s3 =	simm.s32 $0x108;
	s8 =	sld [smem:$0x3FB2]  }
0x2e: {  	s3 =	simm.s32 @!p0 $0x1082;
	s9 =	sld [smem:$0x3FB3]  }
0x2f: {  	lr =	sadd.s32 s0, s3;
	s0 =	sld [smem:$0x3FAA]  }
0x30: {  	s3 =	sld [smem:$0x3FAD]  }
0x31: {  	[smem:$0x3FB6] =	sst s10  }
0x32: {  	s10 =	sld [smem:$0x3FB4];
	_ =	sdelay $0x3  }
0x33: {  	p0 =	seq.s32 s10, $0x1;
	s10 =	sld [smem:$0x3FB6];
	_ =	sdelay $0x3  }
0x34: {  	[smem:$0x3FB6] =	sst s10  }
0x35: {  	s10 =	sld [smem:$0x3FB5];
	_ =	sdelay $0x3  }
0x36: {  	p1 =	seq.s32 s10, $0x1;
	s10 =	sld [smem:$0x3FB6];
	_ =	sdelay $0x3  }
0x37: {  	[smem:$0x3FB6] =	sst s10  }
0x38: {  	s10 =	sld [smem:$0x3FB7]  }
0x39: {  	_ = 	snop;
	(pc) =	sbr.ind lr, $3  }
0x3a: {  	_ = 	snop  }
0x3b: {  	_ = 	snop  }
0x3c: {  	p2 =	seq.s32 s10, $0x1;
	s10 =	sld [smem:$0x3FB6]  }
0x3d: {  	_ =	shalt  }
0x3e: {  	_ =	shalt  }
0x3f: {  	_ =	shalt  }
0x40: {  	_ =	shalt  }
0x41: {  	_ =	shalt  }
0x42: {  	_ =	shalt  }
0x43: {  	_ =	shalt  }
0x44: {  	_ =	shalt  }
0x45: {  	_ =	shalt  }
0x46: {  	_ =	shalt  }
0x47: {  	_ =	shalt  }
0x48: {  	_ =	shalt  }
0x49: {  	_ =	shalt  }
0x4a: {  	_ =	shalt  }
0x4b: {  	_ =	shalt  }
0x4c: {  	_ =	shalt  }
0x4d: {  	_ =	shalt  }
0x4e: {  	_ =	shalt  }
0x4f: {  	_ =	shalt  }
0x50: {  	_ =	shalt  }
0x51: {  	_ =	shalt  }
0x52: {  	_ =	shalt  }
0x53: {  	_ =	shalt  }
0x54: {  	_ =	shalt  }
0x55: {  	_ =	shalt  }
0x56: {  	_ =	shalt  }
0x57: {  	_ =	shalt  }
0x58: {  	_ =	shalt  }
0x59: {  	_ =	shalt  }
0x5a: {  	_ =	shalt  }
0x5b: {  	_ =	shalt  }
0x5c: {  	_ =	shalt  }
0x5d: {  	_ =	shalt  }
0x5e: {  	_ =	shalt  }
0x5f: {  	_ =	shalt  }
0x60: {  	_ =	shalt  }
0x61: {  	_ =	shalt  }
0x62: {  	_ =	shalt  }
0x63: {  	_ =	shalt  }
0x64: {  	_ =	shalt  }
0x65: {  	_ =	shalt  }
0x66: {  	_ =	shalt  }
0x67: {  	_ =	shalt  }
0x68: {  	_ =	shalt  }
0x69: {  	_ =	shalt  }
0x6a: {  	_ =	shalt  }
0x6b: {  	_ =	shalt  }
0x6c: {  	_ =	shalt  }
0x6d: {  	_ =	shalt  }
0x6e: {  	_ =	shalt  }
0x6f: {  	_ =	shalt  }
0x70: {  	_ =	shalt  }
0x71: {  	_ =	shalt  }
0x72: {  	_ =	shalt  }
0x73: {  	_ =	shalt  }
0x74: {  	_ =	shalt  }
0x75: {  	_ =	shalt  }
0x76: {  	_ =	shalt  }
0x77: {  	_ =	shalt  }
0x78: {  	_ =	shalt  }
0x79: {  	_ =	shalt  }
0x7a: {  	_ =	shalt  }
0x7b: {  	_ =	shalt  }
0x7c: {  	_ =	shalt  }
0x7d: {  	_ =	shalt  }
0x7e: {  	_ =	shalt  }
0x7f: {  	_ =	shalt  }
0x80: {  	_ =	shalt  }
0x81: {  	_ =	shalt  }
0x82: {  	_ =	shalt  }
0x83: {  	_ =	shalt  }
0x84: {  	_ =	shalt  }
0x85: {  	_ =	shalt  }
0x86: {  	_ =	shalt  }
0x87: {  	_ =	shalt  }
.Lfunc_end0:
.L_simem_size_0:
called_computation_lowered:
.L_overlay_start_0:
0x88: {  	s2 =	sld [smem:$0x3FD9]  }
0x89: {  	s3 =	sld [smem:$0x3FFE];
	_ =	sdelay $0x1  }
0x8a: {  	s1 =	srdreg.scid  }
0x8b: {  	s0 =	sand.u32 $0x1, s1  }
0x8c: {  	s17 =	sshll.u32 s0, $0xA;
	s2 =	sadd.s32 s3, s2  }
0x8d: {  	s2 =	sadd.s32 s2, s17  }
0x8e: {  	[smem:$0x3FC2] =	sst s2  }
0x8f: {  	_ = 	snop  }
0x90: {  	s2 =	sld [smem:$0x3FD0];
	(tm) =	ssettm $0x1  }
0x91: {  	s18 =	sld [smem:$0x3FFB];
	_ =	sdelay $0x3  }
0x92: {  	_ =	strace s18  }
0x93: {  	s3 =	sld [smem:$0x3FFC];
	_ =	sdelay $0x3  }
0x94: {  	_ =	strace s3  }
0x95: {  	s3 =	sld [smem:$0x3FFD];
	_ =	sdelay $0x3  }
0x96: {  	_ =	strace s3  }
0x97: {  	_ =	strace $0x8FFFFFFF  }
0x98: {  	s19 =	sld [smem:$0x3FDB];
	_ =	sdelay $0x1  }
0x99: {  	s4 =	simm.s32 $_scs_section_size  }
0x9a: {  	s5 =	simm.s32 $_size__tile_overlayer_lowered;
	s6 =	simm.s32 $_tile_overlayer_lowered  }
0x9b: {  	s22 =	simm.s32 $0x1BFF;
	s21 =	sshll.u32 s6, $0x1;
	s3 =	sadd.s32 s4, s19  }
0x9c: {  	s7 =	simm.s32 $0x0;
	s20 =	sshll.u32 s5, $0x1;
	s5 =	sadd.s32 s21, s3  }
0x9d: {  	[timem:s7], [sflag:s22] =	dma.local [hbm:s5], s20  }
0x9e: {  	_ =	swait.ge [sflag:s22], s20  }
0x9f: {  	s4 =	ssub.s32 $0x0, s20;
	[sflag:s22] =	ssyncset.done $0x0  }
0xa0: {  	[sflag:s22] =	ssyncadd.s32 s4;
	_ =	sdelay $0x1  }
0xa1: {  	s23 =	simm.s32 $0x1B8B  }
0xa2: {  	_ =	swait.ge [sflag:s23], $0x1  }
0xa3: {  	[sflag:s23] =	ssyncset.done $0x0  }
0xa4: {  	s25 =	simm.s32 $0x1B8E;
	s24 =	sld [smem:$0x3FFE];
	[sflag:s23] =	ssyncadd.s32 $0xFFFFFFFF  }
0xa5: {  	s26 =	simm.s32 $execute0_lowered;
	[smem:$0x3FD2] =	sst s25  }
0xa6: {  	s5 =	sshll.u32 s26, $0x1;
	_ =	strace $0x80000046;
	[dreg:$0x1] =	wrdreg $0xFFFFFFFF  }
0xa7: {  	s28 =	simm.s32 $_size_execute0_lowered;
	s3 =	sadd.s32 s3, s5;
	[dreg:$0x0] =	wrdreg $0x0  }
0xa8: {  	s5 =	sshll.u32 s28, $0x1;
	[dreg:$0x2] =	wrdreg s3  }
0xa9: {  	[dreg:$0x3] =	wrdreg s5  }
0xaa: {  	[dreg:$0x4] =	wrdreg $0xC0  }
0xab: {  	_ =	task [dreg:s7], $0x5FFFF  }
0xac: {  	[dreg:$0x1] =	wrdreg $0xFFFFFFFF  }
0xad: {  	[dreg:$0x0] =	wrdreg $0x60  }
0xae: {  	[dreg:$0x2] =	wrdreg s24  }
0xaf: {  	[dreg:$0x3] =	wrdreg s2  }
0xb0: {  	[dreg:$0x4] =	wrdreg $0x9  }
0xb1: {  	_ =	task.clear_ibuf [dreg:s7], $0x5FFFF;
	_ =	strace $0x90000046  }
0xb2: {  	s29 =	simm.s32 $0x9;
	_ =	strace $0x80000048  }
0xb3: {  	_ =	swait.ge [sflag:s29], $0x1  }
0xb4: {  	[sflag:s29] =	ssyncadd.s32 $0xFFFFFFFF  }
0xb5: {  	_ =	strace $0x90000048  }
0xb6: {  	_ =	sfence  }
0xb7: {  	s30 =	sld [smem:$0x0];
	_ =	sdelay $0x2  }
0xb8: {  	s31 =	sshll.u32 s1, $0xD;
	s1 =	sshrl.u32 s1, $0x2  }
0xb9: {  	s3 =	sand.u32 $0x4000, s31;
	s1 =	sadd.s32 s1, s30  }
0xba: {  	s0 =	sor.u32 s3, s0;
	s1 =	sshll.u32 s1, $0x11  }
0xbb: {  	s0 =	sor.u32 s1, s0  }
0xbc: {  	s0 =	sadd.s32 $0x8F2B, s0  }
0xbd: {  	[sflag:s0] =	ssyncadd.remote.s32 $0x1  }
0xbe: {  	_ =	sfence.sel $0xFFFF  }
0xbf: {  	[dreg:$0x0] =	wrdreg $0xFFFFFFFF;
	(pc) =	sbr.abs _section_cstart, $3  }
0xc0: {  	[dreg:$0x1] =	wrdreg $0xFFFFFFFF  }
0xc1: {  	_ =	task.clear_ibuf [dreg:s7], $0x2FFFF;
	_ =	strace $0x9FFFFFFF  }
0xc2: {  	(tm) =	ssettm $0x7FFFFFFF  }
0xc3: {  	_ =	shalt  }
tec
execute0_lowered:
.L_overlay_start_1:
0x0: {  	(tag) =	ssettag $0x1  }
0x1: {  	s5 =	rddreg [dreg:$0x0]  }
0x2: {  	s0 =	srdreg.scid;
	s6 =	rddreg [dreg:$0x1];
	s2 =	simm.s32 $0x0  }
0x3: {  	s12 =	simm.s32 $0x1;
	s13 =	simm.s32 $0x2800;
	s14 =	simm.s32 $0x5000  }
0x4: {  	s15 =	simm.s32 $0x7780;
	s16 =	simm.s32 $0xC680;
	s17 =	simm.s32 $0x9F00  }
0x5: {  	s18 =	simm.s32 $0x0;
	s4 =	sand.u32 $0x1, s0;
	s0 =	stileid.u32  }
0x6: {  	[smem:$0x7FF] =	sst s2;
	s1 =	sshll.u32 s4, $0x4;
	s8 =	sshll.u32 s0, $0x7  }
0x7: {  	s9 =	ssub.s32 $0x2, s4;
	s3 =	sor.u32 s0, s1;
	s8 =	sand.u32 $0x380, s8  }
0x8: {  	s11 =	sshrl.u32 s9, $0x1;
	s1 =	sshrl.u32 s3, $0x3;
	s31 =	smul.u32 $0x2710, s3  }
0x9: {  	s3 =	sadd.s32 $0x2000, s5;
	s9 =	ssub.s32 s9, s11;
	s7 =	smul.u32 $0x14000, s1  }
0xa: {  	s11 =	simm.s32 $0x400;
	s1 =	rddreg [dreg:$0x2];
	_ =	strace $0x80000047  }
0xb: {  	s9 =	smax.u32 s9, $0x1;
	s7 =	sor.u32 s8, s7;
	s8 =	sshrl.u32 s31, $0x3  }
0xc: {  	s7 =	sshrl.u32 s7, $0x3;
	s10 =	sadd.s32 s8, s5;
	s4 =	sadd.s32 s6, s8  }
0xd: {  	s7 =	sadd.s32 s7, s5;
	s5 =	sadd.s32 $0x2010, s5;
	s6 =	sadd.s32 $0x9C40, s4  }
0xe: {  	v0 =	vimm.f32 $0.0e+00;
	s8 =	sadd.s32 $0x2C800, s10;
	s10 =	simm.s32 $0x80;
	s7 =	sadd.s32 $0x36600, s7  }
.LBB2_1:
0xf: {  	[tilespmem:s2], [sflag:$0x1] =	stream.strided.gather [hbm4b:s3+s10], $0x2800, s11, s10, $0x38;
	[tilespmem:$0xEE80] =	vst v63  }
0x10: {  	_ =	swait.ge [sflag:s12], $0x2800  }
0x11: {  	[sflag:s12] =	ssyncset.done $0x0  }
0x12: {  	[sflag:s12] =	ssyncadd.s32 $0xFFFFD800  }
0x13: {  	[tilespmem:s13], [sflag:$0x1] =	stream.strided.gather [hbm4b:s5+s10], $0x2800, s11, s10, $0x38;
	[tilespmem:$0xEE80] =	vst v63  }
0x14: {  	_ =	swait.ge [sflag:s12], $0x2800  }
0x15: {  	[sflag:s12] =	ssyncset.done $0x0  }
0x16: {  	[sflag:s12] =	ssyncadd.s32 $0xFFFFD800  }
0x17: {  	[tilespmem:s14], [sflag:$0x1] =	stream.linear.gather [hbm4b:s4+s2], $0x2710, $0x38;
	[tilespmem:$0xEE80] =	vst v63  }
0x18: {  	_ =	swait.ge [sflag:s12], $0x2710  }
0x19: {  	[sflag:s12] =	ssyncset.done $0x0  }
0x1a: {  	[sflag:s12] =	ssyncadd.s32 $0xFFFFD8F0  }
0x1b: {  	[tilespmem:s15], [sflag:$0x1] =	stream.linear.gather [hbm4b:s6+s2], $0x2710, $0x38;
	[tilespmem:$0xEE80] =	vst v63  }
0x1c: {  	_ =	swait.ge [sflag:s12], $0x2710  }
0x1d: {  	[sflag:s12] =	ssyncset.done $0x0  }
0x1e: {  	s19 =	simm.s32 $0x0;
	[sflag:s12] =	ssyncadd.s32 $0xFFFFD8F0  }
.LBB2_2:
0x1f: {  	p0 =	sne.s32 s19, $0x9FC0  }
.Ltmp0:
0x20: {  	_ = 	snop;
	(pc) =	sbr.rel @p0 .LBB2_2-.Ltmp0, $3  }
0x21: {  	_ =	sdelay $0x1  }
0x22: {  	s20 =	sshra.s32 s19, $0x2  }
0x23: {  	s19 =	sadd.s32 $0x40, s19;
	[tilespmem:s20+$0xC680] =	vst v0  }
0x24: {  	s19 =	simm.s32 $0x0  }
0x25: {  	v4 =	vld [tilespmem:s19+$0x5000]  }
0x26: {  	v5 =	vld [tilespmem:s19+$0x7780]  }
0x27: {  	v3 =	vld [tilespmem:s19+$0x5010]  }
0x28: {  	v6 =	vld [tilespmem:s19+$0x7790];
	_ =	sdelay $0x2  }
0x29: {  	v7 =	vld [tilespmem:s19+$0x77A0]  }
0x2a: {  	v8 =	vld [tilespmem:s19+$0x5020]  }
0x2b: {  	v4 =	vld.idx.msk [tilespmem:v4+s2+$0x0], $0xffff  }
0x2c: {  	v10 =	vld.idx.msk [tilespmem:v5+s13+$0x0], $0xffff  }
0x2d: {  	v3 =	vld.idx.msk [tilespmem:v3+s2+$0x0], $0xffff  }
0x2e: {  	v11 =	vld.idx.msk [tilespmem:v6+s13+$0x0], $0xffff  }
0x2f: {  	v2 =	vld [tilespmem:s19+$0x77B0]  }
0x30: {  	v9 =	vld [tilespmem:s19+$0x5030]  }
0x31: {  	v1 =	vld [tilespmem:s19+$0x77C0]  }
0x32: {  	v59 =	vld [tilespmem:s19+$0x5040];
	v4 =	vadd.f32 v10, v4  }
0x33: {  	v3 =	vadd.f32 v11, v3  }
0x34: {  	v14 =	vmul.f32 $2.000000030e-01, v4  }
0x35: {  	v12 =	vld.idx.msk [tilespmem:v7+s13+$0x0], $0xffff;
	v11 =	vmul.f32 $2.000000030e-01, v3  }
0x36: {  	v8 =	vld.idx.msk [tilespmem:v8+s2+$0x0], $0xffff;
	v4 =	vmax.f32 v4, v14  }
0x37: {  	v13 =	vld.idx.msk [tilespmem:v2+s13+$0x0], $0xffff;
	v3 =	vmax.f32 v3, v11;
	v4 =	vmul.f32 $1.442695020e+00, v4  }
0x38: {  	v9 =	vld.idx.msk [tilespmem:v9+s2+$0x0], $0xffff;
	v3 =	vmul.f32 $1.442695020e+00, v3  }
0x39: {  	v62 =	vld.idx.msk [tilespmem:v1+s13+$0x0], $0xffff;
	(erf) = vpow2.f32 v4  }
0x3a: {  	(erf) = vpow2.f32 v3;
	v3 =	vld.idx.msk [tilespmem:v59+s2+$0x0], $0xffff  }
0x3b: {  	v8 =	vadd.f32 v12, v8;
	_ =	sdelay $0x1  }
0x3c: {  	v9 =	vadd.f32 v13, v9;
	v60 =	vmul.f32 $2.000000030e-01, v8;
	_ =	sdelay $0x1  }
0x3d: {  	v61 =	vmul.f32 $2.000000030e-01, v9;
	v4 =	vmax.f32 v8, v60;
	v3 =	vadd.f32 v62, v3  }
0x3e: {  	v4 =	vmul.f32 $1.442695020e+00, v4  }
0x3f: {  	v8 =	vmax.f32 v9, v61;
	v63 =	vmul.f32 $2.000000030e-01, v3  }
0x40: {  	v8 =	vmul.f32 $1.442695020e+00, v8;
	(erf) = vpow2.f32 v4  }
0x41: {  	v3 =	vmax.f32 v3, v63  }
0x42: {  	(erf) = vpow2.f32 v8;
	v3 =	vmul.f32 $1.442695020e+00, v3;
	_ =	sdelay $0x1  }
0x43: {  	v4 =	vpop (erf);
	(erf) = vpow2.f32 v3;
	_ =	sdelay $0x1  }
0x44: {  	[tilespmem:s19+$0x9F00] =	vst v4  }
0x45: {  	[tilespmem:v5+s16+$0x0] =	vst.idx.add.f32.msk $0xffff, v4;
	v4 =	vpop (erf)  }
0x46: {  	[tilespmem:s19+$0x9F10] =	vst v4  }
0x47: {  	[tilespmem:v6+s16+$0x0] =	vst.idx.add.f32.msk $0xffff, v4;
	v4 =	vpop (erf)  }
0x48: {  	[tilespmem:s19+$0x9F20] =	vst v4  }
0x49: {  	s20 =	simm.s32 $0x140;
	[tilespmem:v7+s16+$0x0] =	vst.idx.add.f32.msk $0xffff, v4;
	v3 =	vpop (erf)  }
.LBB2_4:
0x4a: {  	p0 =	sne.s32 s20, $0x9B00;
	[tilespmem:s19+$0x9F30] =	vst v3;
	s21 =	smov.u32 s20;
	s20 =	sadd.s32 $0x140, s20  }
0x4b: {  	[tilespmem:v2+s16+$0x0] =	vst.idx.add.f32.msk $0xffff, v3;
	v2 =	vpop (erf)  }
0x4c: {  	[tilespmem:s19+$0x9F40] =	vst v2  }
0x4d: {  	s19 =	sshra.s32 s21, $0x2;
	[tilespmem:v1+s16+$0x0] =	vst.idx.add.f32.msk $0xffff, v2  }
0x4e: {  	v3 =	vld [tilespmem:s19+$0x5010]  }
0x4f: {  	v4 =	vld [tilespmem:s19+$0x7790]  }
0x50: {  	v5 =	vld [tilespmem:s19+$0x5000]  }
0x51: {  	v6 =	vld [tilespmem:s19+$0x7780]  }
0x52: {  	v7 =	vld [tilespmem:s19+$0x77A0]  }
0x53: {  	v8 =	vld [tilespmem:s19+$0x5020]  }
0x54: {  	v2 =	vld [tilespmem:s19+$0x77B0]  }
0x55: {  	v9 =	vld [tilespmem:s19+$0x5030]  }
0x56: {  	v1 =	vld [tilespmem:s19+$0x77C0]  }
0x57: {  	v10 =	vld [tilespmem:s19+$0x5040]  }
0x58: {  	v5 =	vld.idx.msk [tilespmem:v5+s2+$0x0], $0xffff  }
0x59: {  	v11 =	vld.idx.msk [tilespmem:v6+s13+$0x0], $0xffff  }
0x5a: {  	v3 =	vld.idx.msk [tilespmem:v3+s2+$0x0], $0xffff  }
0x5b: {  	v12 =	vld.idx.msk [tilespmem:v4+s13+$0x0], $0xffff  }
0x5c: {  	v13 =	vld.idx.msk [tilespmem:v7+s13+$0x0], $0xffff  }
0x5d: {  	v8 =	vld.idx.msk [tilespmem:v8+s2+$0x0], $0xffff  }
0x5e: {  	v14 =	vld.idx.msk [tilespmem:v2+s13+$0x0], $0xffff  }
0x5f: {  	v5 =	vadd.f32 v11, v5;
	v9 =	vld.idx.msk [tilespmem:v9+s2+$0x0], $0xffff  }
0x60: {  	v11 =	vld.idx.msk [tilespmem:v1+s13+$0x0], $0xffff  }
0x61: {  	v15 =	vmul.f32 $2.000000030e-01, v5;
	v3 =	vadd.f32 v12, v3;
	v10 =	vld.idx.msk [tilespmem:v10+s2+$0x0], $0xffff;
	_ =	sdelay $0x1  }
0x62: {  	v5 =	vmax.f32 v5, v15;
	v12 =	vmul.f32 $2.000000030e-01, v3;
	v8 =	vadd.f32 v13, v8  }
0x63: {  	v5 =	vmul.f32 $1.442695020e+00, v5  }
0x64: {  	v3 =	vmax.f32 v3, v12;
	v12 =	vmul.f32 $2.000000030e-01, v8;
	v9 =	vadd.f32 v14, v9  }
0x65: {  	v3 =	vmul.f32 $1.442695020e+00, v3;
	(erf) = vpow2.f32 v5  }
0x66: {  	v5 =	vmax.f32 v8, v12;
	v8 =	vmul.f32 $2.000000030e-01, v9;
	v10 =	vadd.f32 v11, v10  }
0x67: {  	v5 =	vmul.f32 $1.442695020e+00, v5;
	(erf) = vpow2.f32 v3  }
0x68: {  	v3 =	vmax.f32 v9, v8;
	v8 =	vmul.f32 $2.000000030e-01, v10  }
0x69: {  	v3 =	vmul.f32 $1.442695020e+00, v3;
	(erf) = vpow2.f32 v5  }
0x6a: {  	v5 =	vmax.f32 v10, v8  }
0x6b: {  	v5 =	vmul.f32 $1.442695020e+00, v5;
	(erf) = vpow2.f32 v3;
	_ =	sdelay $0x1  }
0x6c: {  	(erf) = vpow2.f32 v5  }
0x6d: {  	v3 =	vpop (erf)  }
0x6e: {  	[tilespmem:s19+$0x9F00] =	vst v3  }
.Ltmp1:
0x6f: {  	[tilespmem:v6+s16+$0x0] =	vst.idx.add.f32.msk $0xffff, v3;
	v3 =	vpop (erf);
	(pc) =	sbr.rel @p0 .LBB2_4-.Ltmp1, $4  }
0x70: {  	[tilespmem:s19+$0x9F10] =	vst v3  }
0x71: {  	[tilespmem:v4+s16+$0x0] =	vst.idx.add.f32.msk $0xffff, v3;
	v3 =	vpop (erf)  }
0x72: {  	[tilespmem:s19+$0x9F20] =	vst v3  }
0x73: {  	[tilespmem:v7+s16+$0x0] =	vst.idx.add.f32.msk $0xffff, v3;
	v3 =	vpop (erf)  }
0x74: {  	_ =	sdelay $0x2  }
0x75: {  	[tilespmem:s19+$0x9F30] =	vst v3  }
0x76: {  	[tilespmem:v2+s16+$0x0] =	vst.idx.add.f32.msk $0xffff, v3;
	v2 =	vpop (erf)  }
0x77: {  	[tilespmem:s19+$0x9F40] =	vst v2  }
0x78: {  	[tilespmem:v1+s16+$0x0] =	vst.idx.add.f32.msk $0xffff, v2  }
0x79: {  	[hbm4b:s7+s10] =	stream.strided.scatter [tilespmem:s16], [sflag:$0x1], $0x2800, s11, s10, $0x38;
	[tilespmem:$0xEE80] =	vst v63  }
0x7a: {  	s18 =	sadd.s32 $0x1, s18;
	_ =	swait.ge [sflag:s12], $0x2800  }
0x7b: {  	p0 =	sne.s32 s18, s9;
	[sflag:s12] =	ssyncset.done $0x0  }
.Ltmp2:
0x7c: {  	[sflag:s12] =	ssyncadd.s32 $0xFFFFD800;
	(pc) =	sbr.rel @p0 .LBB2_1-.Ltmp2, $4  }
0x7d: {  	[hbm4b:s8+s2] =	stream.linear.scatter [tilespmem:s17], [sflag:$0x1], $0x2710, $0x38;
	[tilespmem:$0xEE80] =	vst v63  }
0x7e: {  	_ =	swait.ge [sflag:s12], $0x2710  }
0x7f: {  	[sflag:s12] =	ssyncset.done $0x0  }
0x80: {  	[sflag:s12] =	ssyncadd.s32 $0xFFFFD8F0  }
0x81: {  	_ =	sfence.sel $0x180000  }
0x82: {  	[bflag:$0x0] =	sbarrier.arrive $0xFFFF  }
0x83: {  	p0 =	sne.s32 s0, $0x0;
	_ =	strace $0x90000047  }
0x84: {  	s0 =	sadd.s32 @!p0 $0x100000, s1;
	[bflag:$0x2] =	sbarrier.arrive $0xFFFF  }
0x85: {  	[sflag:s0] =	ssyncadd.tile.s32 @!p0 $0x1;
	_ =	shalt  }
.Lfunc_end2:
_tile_overlayer_lowered:
.L_overlay_start_2:
0x86: {  	(tag) =	ssettag $0x2  }
0x87: {  	s0 =	rddreg [dreg:$0x0];
	s2 =	stileid.u32  }
0x88: {  	s1 =	rddreg [dreg:$0x1];
	p0 =	sne.s32 s2, $0x0  }
0x89: {  	s3 =	rddreg [dreg:$0x2];
	[bflag:$0x3] =	sbarrier.arrive $0xFFFF;
	s2 =	simm.s32 @!p0 $0x1C01  }
0x8a: {  	[timem:s3], [sflag:s2] =	dma.local @!p0 [hbm:s0], s1  }
0x8b: {  	s0 =	simm.s32 @!p0 $0x1  }
0x8c: {  	_ =	swait.ge @!p0 [sflag:s0], s1  }
0x8d: {  	s1 =	ssub.s32 @!p0 $0x0, s1;
	[sflag:s0] =	ssyncset.done @!p0 $0x0  }
0x8e: {  	[sflag:s0] =	ssyncadd.s32 @!p0 s1  }
0x8f: {  	[bflag:$0x3] =	sbarrier.arrive $0xFFFF  }
0x90: {  	_ =	shalt  }

// kernel: kernel.9.cloned.1.call-start
scs
__scs_entry_jumppad:
0x0: {  	(pc) =	sbr.rel $0x88, $3  }
0x1: {  	(tag) =	ssettag $0x0;
	lr =	simm.s32 $0x1  }
0x2: {  	[smem:$0x3F9B] =	sst lr;
	_ =	strace $0xD0000000  }
0x3: {  	_ = 	snop  }
0x4: {  	_ = 	snop  }
0x5: {  	_ = 	snop  }
0x6: {  	_ = 	snop  }
0x7: {  	_ = 	snop  }
__scs_overlays_trampoline_lowered:
0x8: {  	[smem:$0x3FAA] =	sst s0  }
0x9: {  	[smem:$0x3FAB] =	sst s1  }
0xa: {  	[smem:$0x3FAC] =	sst s2  }
0xb: {  	[smem:$0x3FAD] =	sst s3  }
0xc: {  	[smem:$0x3FAE] =	sst s4  }
0xd: {  	[smem:$0x3FAF] =	sst s5  }
0xe: {  	[smem:$0x3FB0] =	sst s6  }
0xf: {  	[smem:$0x3FB1] =	sst s7  }
0x10: {  	[smem:$0x3FB2] =	sst s8  }
0x11: {  	[smem:$0x3FB3] =	sst s9;
	s0 =	simm.s32 @!p0 $0x0  }
0x12: {  	s1 =	sld [smem:$0x3F99];
	s0 =	simm.s32 @p0 $0x1  }
0x13: {  	[smem:$0x3FB4] =	sst s0;
	s0 =	simm.s32 @!p1 $0x0  }
0x14: {  	s2 =	sld [smem:$0x3F98];
	s0 =	simm.s32 @p1 $0x1  }
0x15: {  	[smem:$0x3FB5] =	sst s0;
	s0 =	simm.s32 @!p2 $0x0  }
0x16: {  	s3 =	sld [smem:$0x3FDB];
	s0 =	simm.s32 @p2 $0x1  }
0x17: {  	s4 =	simm.s32 $0x1BF5;
	[smem:$0x3FB7] =	sst s0  }
0x18: {  	s0 =	sld [smem:$0x3F9A];
	_ =	swait.ge [sflag:s4], $0x0  }
0x19: {  	s7 =	sld [smem:$0x3F9B]  }
0x1a: {  	s8 =	sadd.s32 $0xFFFFE003, lr  }
0x1b: {  	s9 =	sadd.s32 $0xFFFFFEF7, lr;
	s5 =	simm.s32 $0xFFFFFFFF;
	p2 =	slt.u32 s8, $0xFFFFF086  }
0x1c: {  	p1 =	slt.u32 s9, $0xF7A;
	s5 =	simm.s32 @!p2 $0x0  }
0x1d: {  	s5 =	simm.s32 @p1 $0x1;
	p0 =	seq.s32 s7, s2  }
0x1e: {  	s7 =	smul.u32 @!p0 $0xF7A, s2;
	p2 =	seq.s32 @!p0 s5, $0x0  }
0x1f: {  	s9 =	smul.u32 $0xF7A, s1;
	s8 =	simm.s32 @!p0 $0x1BF5;
	p2 =	por !p2, p0  }
0x20: {  	[sflag:s8] =	ssyncset.s32 @!p0 $0xFFFFF086;
	s6 =	sadd.s32 @!p0 s3, s7;
	s7 =	simm.s32 @!p0 $0x108  }
0x21: {  	s3 =	sadd.s32 s3, s9;
	s6 =	sadd.s32 @!p0 $0x88, s6;
	s7 =	simm.s32 @p2 $0x1082  }
0x22: {  	[simem:s7], [sflag:s8] =	dma.local @!p0 [hbm:s6], $0xF7A  }
0x23: {  	s9 =	sor.u32 $0xD0000000, s2;
	s6 =	simm.s32 $0x108;
	_ =	swait.ge @!p0 [sflag:s8], $0x0  }
0x24: {  	s3 =	sadd.s32 $0x88, s3;
	s6 =	simm.s32 @!p1 $0x1082;
	[sflag:s4] =	ssyncset.s32 $0xFFFFF086  }
0x25: {  	[simem:s6], [sflag:s4] =	dma.local [hbm:s3], $0xF7A  }
0x26: {  	[smem:$0x3F9B] =	sst s1;
	(tag) =	ssettag s2;
	_ =	strace s9  }
0x27: {  	s1 =	sld [smem:$0x3FAB]  }
0x28: {  	s2 =	sld [smem:$0x3FAC]  }
0x29: {  	s4 =	sld [smem:$0x3FAE]  }
0x2a: {  	p0 =	seq.s32 s5, $0x0;
	s5 =	sld [smem:$0x3FAF]  }
0x2b: {  	s6 =	sld [smem:$0x3FB0]  }
0x2c: {  	s7 =	sld [smem:$0x3FB1]  }
0x2d: {  	s3 =	simm.s32 $0x108;
	s8 =	sld [smem:$0x3FB2]  }
0x2e: {  	s3 =	simm.s32 @!p0 $0x1082;
	s9 =	sld [smem:$0x3FB3]  }
0x2f: {  	lr =	sadd.s32 s0, s3;
	s0 =	sld [smem:$0x3FAA]  }
0x30: {  	s3 =	sld [smem:$0x3FAD]  }
0x31: {  	[smem:$0x3FB6] =	sst s10  }
0x32: {  	s10 =	sld [smem:$0x3FB4];
	_ =	sdelay $0x3  }
0x33: {  	p0 =	seq.s32 s10, $0x1;
	s10 =	sld [smem:$0x3FB6];
	_ =	sdelay $0x3  }
0x34: {  	[smem:$0x3FB6] =	sst s10  }
0x35: {  	s10 =	sld [smem:$0x3FB5];
	_ =	sdelay $0x3  }
0x36: {  	p1 =	seq.s32 s10, $0x1;
	s10 =	sld [smem:$0x3FB6];
	_ =	sdelay $0x3  }
0x37: {  	[smem:$0x3FB6] =	sst s10  }
0x38: {  	s10 =	sld [smem:$0x3FB7]  }
0x39: {  	_ = 	snop;
	(pc) =	sbr.ind lr, $3  }
0x3a: {  	_ = 	snop  }
0x3b: {  	_ = 	snop  }
0x3c: {  	p2 =	seq.s32 s10, $0x1;
	s10 =	sld [smem:$0x3FB6]  }
0x3d: {  	_ =	shalt  }
0x3e: {  	_ =	shalt  }
0x3f: {  	_ =	shalt  }
0x40: {  	_ =	shalt  }
0x41: {  	_ =	shalt  }
0x42: {  	_ =	shalt  }
0x43: {  	_ =	shalt  }
0x44: {  	_ =	shalt  }
0x45: {  	_ =	shalt  }
0x46: {  	_ =	shalt  }
0x47: {  	_ =	shalt  }
0x48: {  	_ =	shalt  }
0x49: {  	_ =	shalt  }
0x4a: {  	_ =	shalt  }
0x4b: {  	_ =	shalt  }
0x4c: {  	_ =	shalt  }
0x4d: {  	_ =	shalt  }
0x4e: {  	_ =	shalt  }
0x4f: {  	_ =	shalt  }
0x50: {  	_ =	shalt  }
0x51: {  	_ =	shalt  }
0x52: {  	_ =	shalt  }
0x53: {  	_ =	shalt  }
0x54: {  	_ =	shalt  }
0x55: {  	_ =	shalt  }
0x56: {  	_ =	shalt  }
0x57: {  	_ =	shalt  }
0x58: {  	_ =	shalt  }
0x59: {  	_ =	shalt  }
0x5a: {  	_ =	shalt  }
0x5b: {  	_ =	shalt  }
0x5c: {  	_ =	shalt  }
0x5d: {  	_ =	shalt  }
0x5e: {  	_ =	shalt  }
0x5f: {  	_ =	shalt  }
0x60: {  	_ =	shalt  }
0x61: {  	_ =	shalt  }
0x62: {  	_ =	shalt  }
0x63: {  	_ =	shalt  }
0x64: {  	_ =	shalt  }
0x65: {  	_ =	shalt  }
0x66: {  	_ =	shalt  }
0x67: {  	_ =	shalt  }
0x68: {  	_ =	shalt  }
0x69: {  	_ =	shalt  }
0x6a: {  	_ =	shalt  }
0x6b: {  	_ =	shalt  }
0x6c: {  	_ =	shalt  }
0x6d: {  	_ =	shalt  }
0x6e: {  	_ =	shalt  }
0x6f: {  	_ =	shalt  }
0x70: {  	_ =	shalt  }
0x71: {  	_ =	shalt  }
0x72: {  	_ =	shalt  }
0x73: {  	_ =	shalt  }
0x74: {  	_ =	shalt  }
0x75: {  	_ =	shalt  }
0x76: {  	_ =	shalt  }
0x77: {  	_ =	shalt  }
0x78: {  	_ =	shalt  }
0x79: {  	_ =	shalt  }
0x7a: {  	_ =	shalt  }
0x7b: {  	_ =	shalt  }
0x7c: {  	_ =	shalt  }
0x7d: {  	_ =	shalt  }
0x7e: {  	_ =	shalt  }
0x7f: {  	_ =	shalt  }
0x80: {  	_ =	shalt  }
0x81: {  	_ =	shalt  }
0x82: {  	_ =	shalt  }
0x83: {  	_ =	shalt  }
0x84: {  	_ =	shalt  }
0x85: {  	_ =	shalt  }
0x86: {  	_ =	shalt  }
0x87: {  	_ =	shalt  }
.Lfunc_end0:
.L_simem_size_0:
called_computation.1_lowered:
.L_overlay_start_0:
0x88: {  	s2 =	sld [smem:$0x3FD9]  }
0x89: {  	s3 =	sld [smem:$0x3FFE];
	_ =	sdelay $0x1  }
0x8a: {  	s1 =	srdreg.scid  }
0x8b: {  	s0 =	sand.u32 $0x1, s1  }
0x8c: {  	s17 =	sshll.u32 s0, $0xA;
	s2 =	sadd.s32 s3, s2  }
0x8d: {  	s2 =	sadd.s32 s2, s17  }
0x8e: {  	[smem:$0x3FC2] =	sst s2  }
0x8f: {  	_ = 	snop  }
0x90: {  	s2 =	sld [smem:$0x3FD0];
	(tm) =	ssettm $0x1  }
0x91: {  	s18 =	sld [smem:$0x3FFB];
	_ =	sdelay $0x3  }
0x92: {  	_ =	strace s18  }
0x93: {  	s3 =	sld [smem:$0x3FFC];
	_ =	sdelay $0x3  }
0x94: {  	_ =	strace s3  }
0x95: {  	s3 =	sld [smem:$0x3FFD];
	_ =	sdelay $0x3  }
0x96: {  	_ =	strace s3  }
0x97: {  	_ =	strace $0x8FFFFFFF  }
0x98: {  	s19 =	sld [smem:$0x3FDB];
	_ =	sdelay $0x1  }
0x99: {  	s4 =	simm.s32 $_scs_section_size  }
0x9a: {  	s5 =	simm.s32 $_size__tile_overlayer_lowered;
	s6 =	simm.s32 $_tile_overlayer_lowered  }
0x9b: {  	s22 =	simm.s32 $0x1BFF;
	s21 =	sshll.u32 s6, $0x1;
	s3 =	sadd.s32 s4, s19  }
0x9c: {  	s7 =	simm.s32 $0x0;
	s20 =	sshll.u32 s5, $0x1;
	s5 =	sadd.s32 s21, s3  }
0x9d: {  	[timem:s7], [sflag:s22] =	dma.local [hbm:s5], s20  }
0x9e: {  	_ =	swait.ge [sflag:s22], s20  }
0x9f: {  	s4 =	ssub.s32 $0x0, s20;
	[sflag:s22] =	ssyncset.done $0x0  }
0xa0: {  	[sflag:s22] =	ssyncadd.s32 s4;
	_ =	sdelay $0x1  }
0xa1: {  	s23 =	simm.s32 $0x1B8B  }
0xa2: {  	_ =	swait.ge [sflag:s23], $0x1  }
0xa3: {  	[sflag:s23] =	ssyncset.done $0x0  }
0xa4: {  	s25 =	simm.s32 $0x1B8E;
	s24 =	sld [smem:$0x3FFE];
	[sflag:s23] =	ssyncadd.s32 $0xFFFFFFFF  }
0xa5: {  	s26 =	simm.s32 $execute0_lowered;
	[smem:$0x3FD2] =	sst s25  }
0xa6: {  	s5 =	sshll.u32 s26, $0x1;
	_ =	strace $0x80000049;
	[dreg:$0x1] =	wrdreg $0xFFFFFFFF  }
0xa7: {  	s28 =	simm.s32 $_size_execute0_lowered;
	s3 =	sadd.s32 s3, s5;
	[dreg:$0x0] =	wrdreg $0x0  }
0xa8: {  	s5 =	sshll.u32 s28, $0x1;
	[dreg:$0x2] =	wrdreg s3  }
0xa9: {  	[dreg:$0x3] =	wrdreg s5  }
0xaa: {  	[dreg:$0x4] =	wrdreg $0xC0  }
0xab: {  	_ =	task [dreg:s7], $0x5FFFF  }
0xac: {  	[dreg:$0x1] =	wrdreg $0xFFFFFFFF  }
0xad: {  	[dreg:$0x0] =	wrdreg $0x60  }
0xae: {  	[dreg:$0x2] =	wrdreg s24  }
0xaf: {  	[dreg:$0x3] =	wrdreg s2  }
0xb0: {  	[dreg:$0x4] =	wrdreg $0x6B800  }
0xb1: {  	[dreg:$0x5] =	wrdreg $0x9  }
0xb2: {  	_ =	task.clear_ibuf [dreg:s7], $0x6FFFF;
	_ =	strace $0x90000049  }
0xb3: {  	s29 =	simm.s32 $0x9;
	_ =	strace $0x8000004E  }
0xb4: {  	_ =	swait.ge [sflag:s29], $0x1  }
0xb5: {  	[sflag:s29] =	ssyncadd.s32 $0xFFFFFFFF  }
0xb6: {  	_ =	strace $0x9000004E  }
0xb7: {  	_ =	sfence  }
0xb8: {  	s30 =	sld [smem:$0x0];
	_ =	sdelay $0x2  }
0xb9: {  	s31 =	sshll.u32 s1, $0xD;
	s1 =	sshrl.u32 s1, $0x2  }
0xba: {  	s3 =	sand.u32 $0x4000, s31;
	s1 =	sadd.s32 s1, s30  }
0xbb: {  	s0 =	sor.u32 s3, s0;
	s1 =	sshll.u32 s1, $0x11  }
0xbc: {  	s0 =	sor.u32 s1, s0  }
0xbd: {  	s0 =	sadd.s32 $0x8F2B, s0  }
0xbe: {  	[sflag:s0] =	ssyncadd.remote.s32 $0x1  }
0xbf: {  	_ =	sfence.sel $0xFFFF  }
0xc0: {  	[dreg:$0x0] =	wrdreg $0xFFFFFFFF;
	(pc) =	sbr.abs _section_cstart, $3  }
0xc1: {  	[dreg:$0x1] =	wrdreg $0xFFFFFFFF  }
0xc2: {  	_ =	task.clear_ibuf [dreg:s7], $0x2FFFF;
	_ =	strace $0x9FFFFFFF  }
0xc3: {  	(tm) =	ssettm $0x7FFFFFFF  }
tec
execute0_lowered:
.L_overlay_start_1:
0x0: {  	(tag) =	ssettag $0x1  }
0x1: {  	s0 =	rddreg [dreg:$0x0];
	s3 =	srdreg.scid  }
0x2: {  	s1 =	rddreg [dreg:$0x1];
	s3 =	sand.u32 $0x1, s3  }
0x3: {  	s2 =	rddreg [dreg:$0x2];
	s10 =	stileid.u32;
	s5 =	sshll.u32 s3, $0x4  }
0x4: {  	s6 =	simm.s32 $0x0;
	s7 =	smul.u32 $0x13C00, s10;
	s15 =	sor.u32 s10, s5  }
0x5: {  	[smem:$0x7FF] =	sst s6;
	s8 =	smul.u32 $0x2710, s15  }
0x6: {  	s6 =	sadd.s32 $0x2C800, s0;
	s4 =	smul.u32 $0x140000, s3;
	_ =	strace $0x8000004A  }
0x7: {  	s3 =	ssub.s32 $0x2, s3;
	s10 =	smul.u32 $0x4F000, s10;
	s25 =	sadd.s32 $0x78, s8  }
0x8: {  	s5 =	sadd.s32 $0x4800, s0;
	s26 =	sadd.s32 $0xA0, s8;
	[dreg:$0xf] =	wrdreg s25  }
0x9: {  	s22 =	sshrl.u32 s10, $0x2;
	s10 =	sadd.s32 $0x118, s8;
	[dreg:$0x10] =	wrdreg s26  }
0xa: {  	s9 =	sshrl.u32 s8, $0x3;
	s13 =	sadd.s32 s22, s2;
	[dreg:$0x13] =	wrdreg s10  }
0xb: {  	s4 =	sadd.s32 s7, s4;
	s12 =	sadd.s32 s6, s9;
	[dreg:$0xc] =	wrdreg s13  }
0xc: {  	s4 =	sshrl.u32 s4, $0x3;
	s11 =	sadd.s32 s1, s9;
	[dreg:$0x6] =	wrdreg s12  }
0xd: {  	s0 =	sadd.s32 s4, s0;
	s24 =	sadd.s32 $0x12C00, s13;
	[dreg:$0x4] =	wrdreg s11  }
0xe: {  	s16 =	sshrl.u32 s3, $0x1;
	s0 =	sadd.s32 $0x40600, s0;
	[dreg:$0xe] =	wrdreg s24  }
0xf: {  	s3 =	ssub.s32 s3, s16;
	s14 =	sadd.s32 $0x2800, s13;
	[dreg:$0x14] =	wrdreg s0  }
0x10: {  	s18 =	sadd.s32 $0x28, s8;
	s15 =	sadd.s32 $0x3C00, s13;
	[dreg:$0x17] =	wrdreg s14  }
0x11: {  	s19 =	sadd.s32 $0x4E228, s8;
	s16 =	sadd.s32 $0x5000, s13;
	[dreg:$0x18] =	wrdreg s15  }
0x12: {  	s4 =	sshrl.u32 s18, $0x3;
	s18 =	sadd.s32 $0x7800, s13;
	[dreg:$0x19] =	wrdreg s16  }
0x13: {  	s7 =	sshrl.u32 s19, $0x3;
	s19 =	sadd.s32 $0x8C00, s13;
	[dreg:$0x1b] =	wrdreg s18  }
0x14: {  	s22 =	sadd.s32 $0xC800, s13;
	[dreg:$0x1c] =	wrdreg s19  }
0x15: {  	s25 =	sadd.s32 $0x10400, s13;
	[dreg:$0x1f] =	wrdreg s22  }
0x16: {  	s26 =	sadd.s32 $0x11800, s13;
	[smem:$0x7FC] =	sst s25  }
0x17: {  	s28 =	simm.s32 $0x5780;
	s17 =	sadd.s32 $0x9C40, s11;
	[smem:$0x7FD] =	sst s26  }
0x18: {  	s31 =	simm.s32 $0x28;
	s20 =	sadd.s32 s1, s4;
	[dreg:$0x5] =	wrdreg s17  }
0x19: {  	s30 =	simm.s32 $0x700;
	s7 =	sadd.s32 s1, s7;
	[dreg:$0x7] =	wrdreg s20  }
0x1a: {  	s21 =	sadd.s32 $0xA, s9;
	s4 =	sadd.s32 s6, s4;
	[dreg:$0x8] =	wrdreg s7  }
0x1b: {  	s29 =	simm.s32 $0x9;
	s9 =	sadd.s32 s1, s21;
	[dreg:$0x9] =	wrdreg s4  }
0x1c: {  	s10 =	simm.s32 $0x0;
	s23 =	sadd.s32 $0x9C4A, s11;
	[dreg:$0xa] =	wrdreg s9  }
0x1d: {  	s11 =	smax.u32 s3, $0x1;
	s12 =	sadd.s32 $0x1400, s13;
	[dreg:$0xb] =	wrdreg s23  }
0x1e: {  	s24 =	sadd.s32 $0xF000, s13;
	s16 =	simm.s32 $0x500;
	[dreg:$0x15] =	wrdreg s11  }
0x1f: {  	s26 =	simm.s32 $0x600;
	s3 =	simm.s32 $0x4;
	[dreg:$0x16] =	wrdreg s12  }
0x20: {  	s14 =	simm.s32 $0x4380;
	s4 =	sadd.s32 s6, s21;
	[smem:$0x7FB] =	sst s24  }
0x21: {  	s25 =	simm.s32 $0x5;
	s7 =	sadd.s32 $0xC8, s8;
	[dreg:$0xd] =	wrdreg s4  }
0x22: {  	s0 =	simm.s32 $0x8;
	s9 =	sadd.s32 $0xF0, s8;
	[dreg:$0x11] =	wrdreg s7  }
0x23: {  	s18 =	simm.s32 $0xD;
	s17 =	sadd.s32 $0x6400, s13;
	[dreg:$0x12] =	wrdreg s9  }
0x24: {  	s19 =	simm.s32 $0xA;
	s20 =	sadd.s32 $0xA000, s13;
	[dreg:$0x1a] =	wrdreg s17  }
0x25: {  	s21 =	sadd.s32 $0xB400, s13;
	s23 =	sadd.s32 $0xDC00, s13;
	[dreg:$0x1d] =	wrdreg s20  }
0x26: {  	s24 =	simm.s32 $0x580;
	s11 =	simm.s32 $0x680;
	[dreg:$0x1e] =	wrdreg s21  }
0x27: {  	s12 =	simm.s32 $0x3;
	s8 =	simm.s32 $0xC;
	[smem:$0x7FA] =	sst s23  }
0x28: {  	s21 =	simm.s32 $0x80;
	s20 =	simm.s32 $0x10;
	s7 =	simm.s32 $0x6  }
0x29: {  	v0 =	vimm.f32 $0.0e+00;
	s4 =	simm.s32 $0x480;
	s23 =	simm.s32 $0x7;
	s17 =	simm.s32 $0xB  }
.LBB2_1:
0x2a: {  	[smem:$0x7F9] =	sst s10  }
0x2b: {  	_ =	strace $0x8000004B  }
0x2c: {  	s9 =	simm.s32 $0x0;
	s15 =	rddreg [dreg:$0x4]  }
0x2d: {  	[tilespmem:s9], [sflag:$0x1] =	stream.linear.gather [hbm4b:s15+s9], $0x28, $0x200038;
	[tilespmem:$0x1A780] =	vst v63  }
0x2e: {  	s22 =	rddreg [dreg:$0x5];
	s15 =	simm.s32 $0x280  }
0x2f: {  	[tilespmem:s15], [sflag:$0x1] =	stream.linear.gather [hbm4b:s22+s9], $0x28, $0x200038;
	[tilespmem:$0x1A780] =	vst v63  }
0x30: {  	s15 =	rddreg [dreg:$0x6]  }
0x31: {  	[tilespmem:s16], [sflag:$0x1] =	stream.linear.gather [hbm4b:s15+s9], $0x28, $0x200038;
	[tilespmem:$0x1A780] =	vst v63  }
0x32: {  	s22 =	rddreg [dreg:$0x7]  }
0x33: {  	[tilespmem:s21], [sflag:$0x2] =	stream.linear.gather [hbm4b:s22+s9], $0x28, $0x200038;
	[tilespmem:$0x1A780] =	vst v63  }
0x34: {  	s15 =	rddreg [dreg:$0x8];
	s22 =	simm.s32 $0x300  }
0x35: {  	[tilespmem:s22], [sflag:$0x2] =	stream.linear.gather [hbm4b:s15+s9], $0x28, $0x200038;
	[tilespmem:$0x1A780] =	vst v63  }
0x36: {  	s22 =	rddreg [dreg:$0x9]  }
0x37: {  	[tilespmem:s24], [sflag:$0x2] =	stream.linear.gather [hbm4b:s22+s9], $0x28, $0x200038;
	[tilespmem:$0x1A780] =	vst v63  }
0x38: {  	s15 =	rddreg [dreg:$0xa];
	s22 =	simm.s32 $0x100  }
0x39: {  	[tilespmem:s22], [sflag:$0x3] =	stream.linear.gather [hbm4b:s15+s9], $0x28, $0x200038;
	[tilespmem:$0x1A780] =	vst v63  }
0x3a: {  	s15 =	rddreg [dreg:$0xb];
	s22 =	simm.s32 $0x380  }
0x3b: {  	[tilespmem:s22], [sflag:$0x3] =	stream.linear.gather [hbm4b:s15+s9], $0x28, $0x200038;
	[tilespmem:$0x1A780] =	vst v63  }
0x3c: {  	s22 =	rddreg [dreg:$0xd]  }
0x3d: {  	[tilespmem:s26], [sflag:$0x3] =	stream.linear.gather [hbm4b:s22+s9], $0x28, $0x200038;
	[tilespmem:$0x1A780] =	vst v63  }
0x3e: {  	s10 =	simm.s32 $0x200;
	s9 =	simm.s32 $0x0  }
.LBB2_2:
0x3f: {  	p0 =	sne.s32 s10, $0x4E00;
	[tilespmem:s9+$0x57F0] =	vst v0  }
0x40: {  	[tilespmem:s9+$0x5780] =	vst v0  }
0x41: {  	[tilespmem:s9+$0x5790] =	vst v0  }
.Ltmp0:
0x42: {  	[tilespmem:s9+$0x57A0] =	vst v0;
	(pc) =	sbr.rel @p0 .LBB2_2-.Ltmp0, $4  }
0x43: {  	[tilespmem:s9+$0x57B0] =	vst v0  }
0x44: {  	[tilespmem:s9+$0x57C0] =	vst v0  }
0x45: {  	[tilespmem:s9+$0x57D0] =	vst v0  }
0x46: {  	[tilespmem:s9+$0x57E0] =	vst v0;
	s9 =	sshra.s32 s10, $0x2;
	s10 =	sadd.s32 $0x200, s10  }
0x47: {  	[tilespmem:s9+$0x57F0] =	vst v0  }
0x48: {  	[tilespmem:s9+$0x5780] =	vst v0  }
0x49: {  	[tilespmem:s9+$0x5790] =	vst v0  }
0x4a: {  	[tilespmem:s9+$0x57A0] =	vst v0  }
0x4b: {  	[tilespmem:s9+$0x57B0] =	vst v0  }
0x4c: {  	[tilespmem:s9+$0x57C0] =	vst v0  }
0x4d: {  	[tilespmem:s9+$0x57D0] =	vst v0  }
0x4e: {  	[tilespmem:s9+$0x57E0] =	vst v0  }
0x4f: {  	[spmem:s13] =	stream.linear.scatter [tilespmem:s28], [sflag:$0x10], $0x1400, $0x200038;
	[tilespmem:$0x1A780] =	vst v63  }
0x50: {  	_ =	swait.ge [sflag:s20], $0x1400  }
0x51: {  	[sflag:s20] =	ssyncset.done $0x0  }
0x52: {  	s13 =	rddreg [dreg:$0x16];
	[sflag:s20] =	ssyncadd.s32 $0xFFFFEC00  }
0x53: {  	[spmem:s13] =	stream.linear.scatter [tilespmem:s28], [sflag:$0x10], $0x1400, $0x200038;
	[tilespmem:$0x1A780] =	vst v63  }
0x54: {  	_ =	swait.ge [sflag:s20], $0x1400  }
0x55: {  	[sflag:s20] =	ssyncset.done $0x0  }
0x56: {  	s15 =	rddreg [dreg:$0x17];
	[sflag:s20] =	ssyncadd.s32 $0xFFFFEC00  }
0x57: {  	[spmem:s15] =	stream.linear.scatter [tilespmem:s28], [sflag:$0x10], $0x1400, $0x200038;
	[tilespmem:$0x1A780] =	vst v63  }
0x58: {  	_ =	swait.ge [sflag:s20], $0x1400  }
0x59: {  	[sflag:s20] =	ssyncset.done $0x0  }
0x5a: {  	s22 =	rddreg [dreg:$0x18];
	[sflag:s20] =	ssyncadd.s32 $0xFFFFEC00  }
0x5b: {  	[spmem:s22] =	stream.linear.scatter [tilespmem:s28], [sflag:$0x10], $0x1400, $0x200038;
	[tilespmem:$0x1A780] =	vst v63  }
0x5c: {  	_ =	swait.ge [sflag:s20], $0x1400  }
0x5d: {  	[sflag:s20] =	ssyncset.done $0x0  }
0x5e: {  	s10 =	rddreg [dreg:$0x19];
	[sflag:s20] =	ssyncadd.s32 $0xFFFFEC00  }
0x5f: {  	[spmem:s10] =	stream.linear.scatter [tilespmem:s28], [sflag:$0x10], $0x1400, $0x200038;
	[tilespmem:$0x1A780] =	vst v63  }
0x60: {  	_ =	swait.ge [sflag:s20], $0x1400  }
0x61: {  	[sflag:s20] =	ssyncset.done $0x0  }
0x62: {  	s13 =	rddreg [dreg:$0x1a];
	[sflag:s20] =	ssyncadd.s32 $0xFFFFEC00  }
0x63: {  	[spmem:s13] =	stream.linear.scatter [tilespmem:s28], [sflag:$0x10], $0x1400, $0x200038;
	[tilespmem:$0x1A780] =	vst v63  }
0x64: {  	_ =	swait.ge [sflag:s20], $0x1400  }
0x65: {  	[sflag:s20] =	ssyncset.done $0x0  }
0x66: {  	s15 =	rddreg [dreg:$0x1b];
	[sflag:s20] =	ssyncadd.s32 $0xFFFFEC00  }
0x67: {  	[spmem:s15] =	stream.linear.scatter [tilespmem:s28], [sflag:$0x10], $0x1400, $0x200038;
	[tilespmem:$0x1A780] =	vst v63  }
0x68: {  	_ =	swait.ge [sflag:s20], $0x1400  }
0x69: {  	[sflag:s20] =	ssyncset.done $0x0  }
0x6a: {  	s22 =	rddreg [dreg:$0x1c];
	[sflag:s20] =	ssyncadd.s32 $0xFFFFEC00  }
0x6b: {  	[spmem:s22] =	stream.linear.scatter [tilespmem:s28], [sflag:$0x10], $0x1400, $0x200038;
	[tilespmem:$0x1A780] =	vst v63  }
0x6c: {  	_ =	swait.ge [sflag:s20], $0x1400  }
0x6d: {  	[sflag:s20] =	ssyncset.done $0x0  }
0x6e: {  	s10 =	rddreg [dreg:$0x1d];
	[sflag:s20] =	ssyncadd.s32 $0xFFFFEC00  }
0x6f: {  	[spmem:s10] =	stream.linear.scatter [tilespmem:s28], [sflag:$0x10], $0x1400, $0x200038;
	[tilespmem:$0x1A780] =	vst v63  }
0x70: {  	_ =	swait.ge [sflag:s20], $0x1400  }
0x71: {  	[sflag:s20] =	ssyncset.done $0x0  }
0x72: {  	s13 =	rddreg [dreg:$0x1e];
	[sflag:s20] =	ssyncadd.s32 $0xFFFFEC00  }
0x73: {  	[spmem:s13] =	stream.linear.scatter [tilespmem:s28], [sflag:$0x10], $0x1400, $0x200038;
	[tilespmem:$0x1A780] =	vst v63  }
0x74: {  	_ =	swait.ge [sflag:s20], $0x1400  }
0x75: {  	[sflag:s20] =	ssyncset.done $0x0  }
0x76: {  	s15 =	rddreg [dreg:$0x1f];
	[sflag:s20] =	ssyncadd.s32 $0xFFFFEC00  }
0x77: {  	[spmem:s15] =	stream.linear.scatter [tilespmem:s28], [sflag:$0x10], $0x1400, $0x200038;
	[tilespmem:$0x1A780] =	vst v63  }
0x78: {  	_ =	swait.ge [sflag:s20], $0x1400  }
0x79: {  	s22 =	sld [smem:$0x7FA]  }
0x7a: {  	[sflag:s20] =	ssyncset.done $0x0  }
0x7b: {  	[sflag:s20] =	ssyncadd.s32 $0xFFFFEC00  }
0x7c: {  	[spmem:s22] =	stream.linear.scatter [tilespmem:s28], [sflag:$0x10], $0x1400, $0x200038;
	[tilespmem:$0x1A780] =	vst v63  }
0x7d: {  	_ =	swait.ge [sflag:s20], $0x1400  }
0x7e: {  	s10 =	sld [smem:$0x7FB]  }
0x7f: {  	[sflag:s20] =	ssyncset.done $0x0  }
0x80: {  	[sflag:s20] =	ssyncadd.s32 $0xFFFFEC00  }
0x81: {  	[spmem:s10] =	stream.linear.scatter [tilespmem:s28], [sflag:$0x10], $0x1400, $0x200038;
	[tilespmem:$0x1A780] =	vst v63  }
0x82: {  	_ =	swait.ge [sflag:s20], $0x1400  }
0x83: {  	s13 =	sld [smem:$0x7FC]  }
0x84: {  	[sflag:s20] =	ssyncset.done $0x0  }
0x85: {  	[sflag:s20] =	ssyncadd.s32 $0xFFFFEC00  }
0x86: {  	[spmem:s13] =	stream.linear.scatter [tilespmem:s28], [sflag:$0x10], $0x1400, $0x200038;
	[tilespmem:$0x1A780] =	vst v63  }
0x87: {  	_ =	swait.ge [sflag:s20], $0x1400  }
0x88: {  	s15 =	sld [smem:$0x7FD]  }
0x89: {  	[sflag:s20] =	ssyncset.done $0x0  }
0x8a: {  	[sflag:s20] =	ssyncadd.s32 $0xFFFFEC00  }
0x8b: {  	[spmem:s15] =	stream.linear.scatter [tilespmem:s28], [sflag:$0x10], $0x1400, $0x200038;
	[tilespmem:$0x1A780] =	vst v63  }
0x8c: {  	_ =	swait.ge [sflag:s20], $0x1400  }
0x8d: {  	[sflag:s20] =	ssyncset.done $0x0  }
0x8e: {  	s22 =	rddreg [dreg:$0xe];
	[sflag:s20] =	ssyncadd.s32 $0xFFFFEC00  }
0x8f: {  	[spmem:s22] =	stream.linear.scatter [tilespmem:s28], [sflag:$0x10], $0x1000, $0x200038;
	[tilespmem:$0x1A780] =	vst v63  }
0x90: {  	_ =	swait.ge [sflag:s20], $0x1000  }
0x91: {  	[sflag:s20] =	ssyncset.done $0x0  }
0x92: {  	s10 =	simm.s32 $0x1;
	[sflag:s20] =	ssyncadd.s32 $0xFFFFF000  }
0x93: {  	_ =	swait.ge [sflag:s10], $0x28  }
0x94: {  	[sflag:s10] =	ssyncset.done $0x0  }
0x95: {  	[sflag:s10] =	ssyncadd.s32 $0xFFFFFFD8  }
0x96: {  	_ =	swait.ge [sflag:s10], $0x28  }
0x97: {  	[sflag:s10] =	ssyncset.done $0x0  }
0x98: {  	[sflag:s10] =	ssyncadd.s32 $0xFFFFFFD8  }
0x99: {  	_ =	swait.ge [sflag:s10], $0x28  }
0x9a: {  	s13 =	simm.s32 $0x780;
	[sflag:s10] =	ssyncset.done $0x0  }
0x9b: {  	s15 =	simm.s32 $0x2;
	s20 =	simm.s32 $0x0;
	[sflag:s10] =	ssyncadd.s32 $0xFFFFFFD8  }
0x9c: {  	[tilespmem:s13], [sflag:$0x6] =	stream.indirect.gather [hbm4b:s5+s31], $0x80, s20, s31, $0x2000b8;
	[tilespmem:$0x1A780] =	vst v63  }
0x9d: {  	_ =	swait.ge [sflag:s15], $0x28  }
0x9e: {  	[sflag:s15] =	ssyncset.done $0x0  }
0x9f: {  	[sflag:s15] =	ssyncadd.s32 $0xFFFFFFD8  }
0xa0: {  	_ =	swait.ge [sflag:s15], $0x28  }
0xa1: {  	[sflag:s15] =	ssyncset.done $0x0  }
0xa2: {  	[sflag:s15] =	ssyncadd.s32 $0xFFFFFFD8  }
0xa3: {  	_ =	swait.ge [sflag:s15], $0x28  }
0xa4: {  	[sflag:s15] =	ssyncset.done $0x0  }
0xa5: {  	s22 =	simm.s32 $0x1B80;
	[sflag:s15] =	ssyncadd.s32 $0xFFFFFFD8  }
0xa6: {  	[tilespmem:s22], [sflag:$0x7] =	stream.indirect.gather [hbm4b:s5+s31], $0x80, s21, s31, $0x2000b8;
	[tilespmem:$0x1A780] =	vst v63  }
0xa7: {  	[bflag:$0x0] =	sbarrier.arrive $0xFFFF  }
0xa8: {  	_ =	strace $0x9000004B  }
0xa9: {  	s21 =	simm.s32 $0x0;
	_ =	strace $0x8000004C  }
.LBB2_4:
0xaa: {  	p0 =	seq.s32 s21, $0x0  }
0xab: {  	s9 =	simm.s32 @!p0 $0xE  }
0xac: {  	s22 =	smul.u32 $0xC8, s21;
	_ =	swait.ge @!p0 [sflag:s9], $0x1400  }
0xad: {  	s10 =	rddreg [dreg:$0xf]  }
0xae: {  	s10 =	sadd.s32 s22, s10  }
0xaf: {  	[sflag:s9] =	ssyncset.done @!p0 $0x0;
	s10 =	sshrl.u32 s10, $0x3  }
0xb0: {  	s13 =	simm.s32 $0x180;
	[sflag:s9] =	ssyncadd.s32 @!p0 $0xFFFFEC00;
	s15 =	sadd.s32 s1, s10  }
0xb1: {  	[tilespmem:s13], [sflag:$0x4] =	stream.linear.gather [hbm4b:s15+s20], $0x28, $0x200038;
	[tilespmem:$0x1A780] =	vst v63  }
0xb2: {  	s9 =	sadd.s32 $0x9C40, s15;
	s15 =	simm.s32 $0x400  }
0xb3: {  	[tilespmem:s15], [sflag:$0x4] =	stream.linear.gather [hbm4b:s9+s20], $0x28, $0x200038;
	[tilespmem:$0x1A780] =	vst v63  }
0xb4: {  	s10 =	sadd.s32 s6, s10  }
0xb5: {  	[tilespmem:s11], [sflag:$0x4] =	stream.linear.gather [hbm4b:s10+s20], $0x28, $0x200038;
	[tilespmem:$0x1A780] =	vst v63  }
0xb6: {  	_ =	swait.ge [sflag:s12], $0x28  }
0xb7: {  	[sflag:s12] =	ssyncset.done $0x0  }
0xb8: {  	[sflag:s12] =	ssyncadd.s32 $0xFFFFFFD8  }
0xb9: {  	_ =	swait.ge [sflag:s12], $0x28  }
0xba: {  	[sflag:s12] =	ssyncset.done $0x0  }
0xbb: {  	[sflag:s12] =	ssyncadd.s32 $0xFFFFFFD8  }
0xbc: {  	_ =	swait.ge [sflag:s12], $0x28  }
0xbd: {  	[sflag:s12] =	ssyncset.done $0x0  }
0xbe: {  	s13 =	simm.s32 $0x100;
	s15 =	simm.s32 $0x2F80;
	[sflag:s12] =	ssyncadd.s32 $0xFFFFFFD8  }
0xbf: {  	[tilespmem:s15], [sflag:$0x8] =	stream.indirect.gather [hbm4b:s5+s31], $0x80, s13, s31, $0x2000b8;
	[tilespmem:$0x1A780] =	vst v63  }
0xc0: {  	_ =	swait.ge [sflag:s7], $0x1400  }
0xc1: {  	[sflag:s7] =	ssyncset.done $0x0  }
0xc2: {  	s9 =	simm.s32 $0x800;
	[sflag:s7] =	ssyncadd.s32 $0xFFFFEC00  }
0xc3: {  	v1 =	vld [tilespmem:s9+$0xFFFFFFF0]  }
0xc4: {  	v10 =	vld [tilespmem:s9+$0xFFFFFF80]  }
0xc5: {  	v2 =	vld [tilespmem:s9+$0xFFFFFFA0]  }
0xc6: {  	v6 =	vld [tilespmem:s9+$0xFFFFFFC0]  }
0xc7: {  	v3 =	vmov s20;
	v12 =	vld [tilespmem:s9+$0x0]  }
0xc8: {  	v8 =	vor.u32 $0x1, v3;
	v11 =	vld [tilespmem:s9+$0xFFFFFF90]  }
0xc9: {  	v4 =	vld [tilespmem:s9+$0xFFFFFFB0]  }
0xca: {  	v7 =	vld [tilespmem:s9+$0x30]  }
0xcb: {  	v13 =	vld [tilespmem:s9+$0xFFFFFFE0]  }
0xcc: {  	v5 =	vld.idx.msk [tilespmem:v3+s16+$0x0], $0xffff  }
0xcd: {  	v3 =	vld.idx.msk [tilespmem:v8+s16+$0x0], $0xffff  }
0xce: {  	v14 =	vld [tilespmem:s9+$0xFFFFFFD0]  }
0xcf: {  	v18 =	vld [tilespmem:s9+$0x20]  }
0xd0: {  	v9 =	vld [tilespmem:s9+$0x10]  }
0xd1: {  	v8 =	vld [tilespmem:s9+$0x50]  }
0xd2: {  	v10 =	vmul.f32 v10, v5;
	v17 =	vmul.f32 v11, v5;
	v11 =	vld [tilespmem:s9+$0x40]  }
0xd3: {  	v15 =	vmul.f32 v13, v5;
	v16 =	vmul.f32 v12, v3;
	v12 =	vld [tilespmem:s9+$0x60]  }
0xd4: {  	s10 =	simm.s32 $0x2;
	s13 =	simm.s32 $0x800;
	v13 =	vmul.f32 v14, v5;
	v14 =	vld [tilespmem:s9+$0x70];
	[tilespmem:s9+$0xFFFFFF80] =	vst v10;
	v10 =	vmul.f32 v18, v3  }
.LBB2_5:
0xd5: {  	p1 =	sne.s32 s10, $0x26  }
0xd6: {  	[tilespmem:s9+$0xFFFFFF90] =	vst v17;
	v6 =	vmul.f32 v6, v5;
	v9 =	vmul.f32 v9, v3;
	s13 =	sadd.s32 $0x100, s13;
	s15 =	smov.u32 s10;
	s10 =	sadd.s32 $0x2, s10  }
0xd7: {  	v2 =	vmul.f32 v2, v5;
	[tilespmem:s9+$0x0] =	vst v16;
	v8 =	vmul.f32 v8, v3  }
0xd8: {  	v7 =	vmul.f32 v7, v3;
	[tilespmem:s9+$0xFFFFFFE0] =	vst v15;
	v11 =	vmul.f32 v11, v3  }
0xd9: {  	v4 =	vmul.f32 v4, v5;
	[tilespmem:s9+$0xFFFFFFC0] =	vst v6;
	v12 =	vmul.f32 v12, v3  }
0xda: {  	v5 =	vmul.f32 v1, v5;
	[tilespmem:s9+$0xFFFFFFA0] =	vst v2;
	v3 =	vmul.f32 v14, v3  }
0xdb: {  	[tilespmem:s9+$0xFFFFFFD0] =	vst v13  }
0xdc: {  	v1 =	vld [tilespmem:s13+$0xFFFFFFF0];
	[tilespmem:s9+$0x30] =	vst v7  }
0xdd: {  	v13 =	vld [tilespmem:s13+$0xFFFFFF80];
	[tilespmem:s9+$0xFFFFFFB0] =	vst v4  }
0xde: {  	v2 =	vld [tilespmem:s13+$0xFFFFFFA0];
	[tilespmem:s9+$0x20] =	vst v10  }
0xdf: {  	v6 =	vld [tilespmem:s13+$0xFFFFFFC0];
	[tilespmem:s9+$0x70] =	vst v3  }
0xe0: {  	v3 =	vmov s15;
	v10 =	vld [tilespmem:s13+$0x0];
	[tilespmem:s9+$0xFFFFFFF0] =	vst v5  }
0xe1: {  	v14 =	vor.u32 $0x1, v3;
	v15 =	vld [tilespmem:s13+$0xFFFFFF90];
	[tilespmem:s9+$0x60] =	vst v12  }
0xe2: {  	v4 =	vld [tilespmem:s13+$0xFFFFFFB0];
	[tilespmem:s9+$0x40] =	vst v11  }
0xe3: {  	v7 =	vld [tilespmem:s13+$0x30];
	[tilespmem:s9+$0x10] =	vst v9  }
0xe4: {  	v12 =	vld [tilespmem:s13+$0xFFFFFFE0];
	[tilespmem:s9+$0x50] =	vst v8;
	s9 =	smov.u32 s13  }
0xe5: {  	v5 =	vld.idx.msk [tilespmem:v3+s16+$0x0], $0xffff  }
0xe6: {  	v3 =	vld.idx.msk [tilespmem:v14+s16+$0x0], $0xffff  }
0xe7: {  	v14 =	vld [tilespmem:s13+$0xFFFFFFD0]  }
0xe8: {  	v18 =	vld [tilespmem:s13+$0x20]  }
.Ltmp1:
0xe9: {  	v9 =	vld [tilespmem:s13+$0x10];
	(pc) =	sbr.rel @p1 .LBB2_5-.Ltmp1, $4  }
0xea: {  	v8 =	vld [tilespmem:s13+$0x50]  }
0xeb: {  	v13 =	vmul.f32 v13, v5;
	v17 =	vmul.f32 v15, v5;
	v11 =	vld [tilespmem:s13+$0x40]  }
0xec: {  	v15 =	vmul.f32 v12, v5;
	v16 =	vmul.f32 v10, v3;
	v12 =	vld [tilespmem:s13+$0x60]  }
0xed: {  	[tilespmem:s13+$0xFFFFFF80] =	vst v13;
	v13 =	vmul.f32 v14, v5;
	v10 =	vmul.f32 v18, v3;
	v14 =	vld [tilespmem:s13+$0x70]  }
0xee: {  	[tilespmem:s9+$0xFFFFFF90] =	vst v17  }
0xef: {  	[tilespmem:s9+$0x0] =	vst v16  }
0xf0: {  	[tilespmem:s9+$0xFFFFFFE0] =	vst v15  }
0xf1: {  	v6 =	vmul.f32 v6, v5;
	[tilespmem:s9+$0xFFFFFFD0] =	vst v13  }
0xf2: {  	v2 =	vmul.f32 v2, v5;
	[tilespmem:s9+$0x20] =	vst v10  }
0xf3: {  	v1 =	vmul.f32 v1, v5;
	[tilespmem:s9+$0xFFFFFFC0] =	vst v6  }
0xf4: {  	v6 =	vmul.f32 v7, v3;
	[tilespmem:s9+$0xFFFFFFA0] =	vst v2  }
0xf5: {  	v2 =	vmul.f32 v4, v5;
	[tilespmem:s9+$0xFFFFFFF0] =	vst v1  }
0xf6: {  	v1 =	vmul.f32 v9, v3;
	[tilespmem:s9+$0x30] =	vst v6  }
0xf7: {  	v4 =	vmul.f32 v14, v3;
	[tilespmem:s9+$0xFFFFFFB0] =	vst v2  }
0xf8: {  	v2 =	vmul.f32 v12, v3;
	[tilespmem:s9+$0x10] =	vst v1  }
0xf9: {  	[tilespmem:s9+$0x70] =	vst v4;
	v4 =	vmul.f32 v11, v3  }
0xfa: {  	[tilespmem:s9+$0x60] =	vst v2;
	v2 =	vmul.f32 v8, v3  }
0xfb: {  	[tilespmem:s9+$0x40] =	vst v4  }
0xfc: {  	s13 =	simm.s32 $0x280;
	s10 =	simm.s32 $0x780;
	[tilespmem:s9+$0x50] =	vst v2;
	s9 =	simm.s32 @!p0 $0xF  }
0xfd: {  	[spmem:s2] =	stream.indirect.scatter.add.f32 [tilespmem:s10], [sflag:$0xB], $0x80, s13, s31, $0x2000b8;
	[tilespmem:$0x1A780] =	vst v63  }
0xfe: {  	_ =	swait.ge @!p0 [sflag:s9], $0x1400  }
0xff: {  	s15 =	rddreg [dreg:$0x10]  }
0x100: {  	s10 =	sadd.s32 s22, s15  }
0x101: {  	s13 =	simm.s32 $0x0;
	[sflag:s9] =	ssyncset.done @!p0 $0x0;
	s10 =	sshrl.u32 s10, $0x3  }
0x102: {  	[sflag:s9] =	ssyncadd.s32 @!p0 $0xFFFFEC00;
	s15 =	simm.s32 $0x200;
	s9 =	sadd.s32 s1, s10  }
0x103: {  	[tilespmem:s15], [sflag:$0x5] =	stream.linear.gather [hbm4b:s9+s13], $0x28, $0x200038;
	[tilespmem:$0x1A780] =	vst v63  }
0x104: {  	s9 =	sadd.s32 $0x9C40, s9  }
0x105: {  	[tilespmem:s4], [sflag:$0x5] =	stream.linear.gather [hbm4b:s9+s13], $0x28, $0x200038;
	[tilespmem:$0x1A780] =	vst v63  }
0x106: {  	s10 =	sadd.s32 s6, s10  }
0x107: {  	[tilespmem:s30], [sflag:$0x5] =	stream.linear.gather [hbm4b:s10+s13], $0x28, $0x200038;
	[tilespmem:$0x1A780] =	vst v63  }
0x108: {  	_ =	swait.ge [sflag:s3], $0x28  }
0x109: {  	[sflag:s3] =	ssyncset.done $0x0  }
0x10a: {  	[sflag:s3] =	ssyncadd.s32 $0xFFFFFFD8  }
0x10b: {  	_ =	swait.ge [sflag:s3], $0x28  }
0x10c: {  	[sflag:s3] =	ssyncset.done $0x0  }
0x10d: {  	[sflag:s3] =	ssyncadd.s32 $0xFFFFFFD8  }
0x10e: {  	_ =	swait.ge [sflag:s3], $0x28  }
0x10f: {  	[sflag:s3] =	ssyncset.done $0x0  }
0x110: {  	s15 =	simm.s32 $0x180;
	[sflag:s3] =	ssyncadd.s32 $0xFFFFFFD8  }
0x111: {  	[tilespmem:s14], [sflag:$0x9] =	stream.indirect.gather [hbm4b:s5+s31], $0x80, s15, s31, $0x2000b8;
	[tilespmem:$0x1A780] =	vst v63  }
0x112: {  	_ =	swait.ge [sflag:s23], $0x1400  }
0x113: {  	[sflag:s23] =	ssyncset.done $0x0  }
0x114: {  	s9 =	simm.s32 $0x1C00;
	[sflag:s23] =	ssyncadd.s32 $0xFFFFEC00  }
0x115: {  	v1 =	vld [tilespmem:s9+$0xFFFFFFF0]  }
0x116: {  	v10 =	vld [tilespmem:s9+$0xFFFFFF80]  }
0x117: {  	v2 =	vld [tilespmem:s9+$0xFFFFFFA0]  }
0x118: {  	v6 =	vld [tilespmem:s9+$0xFFFFFFC0]  }
0x119: {  	v3 =	vmov s13;
	v12 =	vld [tilespmem:s9+$0x0]  }
0x11a: {  	v8 =	vor.u32 $0x1, v3;
	v11 =	vld [tilespmem:s9+$0xFFFFFF90]  }
0x11b: {  	v4 =	vld [tilespmem:s9+$0xFFFFFFB0]  }
0x11c: {  	v7 =	vld [tilespmem:s9+$0x30]  }
0x11d: {  	v13 =	vld [tilespmem:s9+$0xFFFFFFE0]  }
0x11e: {  	v5 =	vld.idx.msk [tilespmem:v3+s24+$0x0], $0xffff  }
0x11f: {  	v3 =	vld.idx.msk [tilespmem:v8+s24+$0x0], $0xffff  }
0x120: {  	v14 =	vld [tilespmem:s9+$0xFFFFFFD0]  }
0x121: {  	v18 =	vld [tilespmem:s9+$0x20]  }
0x122: {  	v9 =	vld [tilespmem:s9+$0x10]  }
0x123: {  	v8 =	vld [tilespmem:s9+$0x50]  }
0x124: {  	v10 =	vmul.f32 v10, v5;
	v17 =	vmul.f32 v11, v5;
	v11 =	vld [tilespmem:s9+$0x40]  }
0x125: {  	v15 =	vmul.f32 v13, v5;
	v16 =	vmul.f32 v12, v3;
	v12 =	vld [tilespmem:s9+$0x60]  }
0x126: {  	s10 =	simm.s32 $0x2;
	s13 =	simm.s32 $0x1C00;
	v13 =	vmul.f32 v14, v5;
	v14 =	vld [tilespmem:s9+$0x70];
	[tilespmem:s9+$0xFFFFFF80] =	vst v10;
	v10 =	vmul.f32 v18, v3  }
.LBB2_7:
0x127: {  	p0 =	sne.s32 s10, $0x26  }
0x128: {  	[tilespmem:s9+$0xFFFFFF90] =	vst v17;
	v6 =	vmul.f32 v6, v5;
	v9 =	vmul.f32 v9, v3;
	s13 =	sadd.s32 $0x100, s13;
	s15 =	smov.u32 s10;
	s10 =	sadd.s32 $0x2, s10  }
0x129: {  	v2 =	vmul.f32 v2, v5;
	[tilespmem:s9+$0x0] =	vst v16;
	v8 =	vmul.f32 v8, v3  }
0x12a: {  	v7 =	vmul.f32 v7, v3;
	[tilespmem:s9+$0xFFFFFFE0] =	vst v15;
	v11 =	vmul.f32 v11, v3  }
0x12b: {  	v4 =	vmul.f32 v4, v5;
	[tilespmem:s9+$0xFFFFFFC0] =	vst v6;
	v12 =	vmul.f32 v12, v3  }
0x12c: {  	v5 =	vmul.f32 v1, v5;
	[tilespmem:s9+$0xFFFFFFA0] =	vst v2;
	v3 =	vmul.f32 v14, v3  }
0x12d: {  	[tilespmem:s9+$0xFFFFFFD0] =	vst v13  }
0x12e: {  	v1 =	vld [tilespmem:s13+$0xFFFFFFF0];
	[tilespmem:s9+$0x30] =	vst v7  }
0x12f: {  	v13 =	vld [tilespmem:s13+$0xFFFFFF80];
	[tilespmem:s9+$0xFFFFFFB0] =	vst v4  }
0x130: {  	v2 =	vld [tilespmem:s13+$0xFFFFFFA0];
	[tilespmem:s9+$0x20] =	vst v10  }
0x131: {  	v6 =	vld [tilespmem:s13+$0xFFFFFFC0];
	[tilespmem:s9+$0x70] =	vst v3  }
0x132: {  	v3 =	vmov s15;
	v10 =	vld [tilespmem:s13+$0x0];
	[tilespmem:s9+$0xFFFFFFF0] =	vst v5  }
0x133: {  	v14 =	vor.u32 $0x1, v3;
	v15 =	vld [tilespmem:s13+$0xFFFFFF90];
	[tilespmem:s9+$0x60] =	vst v12  }
0x134: {  	v4 =	vld [tilespmem:s13+$0xFFFFFFB0];
	[tilespmem:s9+$0x40] =	vst v11  }
0x135: {  	v7 =	vld [tilespmem:s13+$0x30];
	[tilespmem:s9+$0x10] =	vst v9  }
0x136: {  	v12 =	vld [tilespmem:s13+$0xFFFFFFE0];
	[tilespmem:s9+$0x50] =	vst v8;
	s9 =	smov.u32 s13  }
0x137: {  	v5 =	vld.idx.msk [tilespmem:v3+s24+$0x0], $0xffff  }
0x138: {  	v3 =	vld.idx.msk [tilespmem:v14+s24+$0x0], $0xffff  }
0x139: {  	v14 =	vld [tilespmem:s13+$0xFFFFFFD0]  }
0x13a: {  	v18 =	vld [tilespmem:s13+$0x20]  }
.Ltmp2:
0x13b: {  	v9 =	vld [tilespmem:s13+$0x10];
	(pc) =	sbr.rel @p0 .LBB2_7-.Ltmp2, $4  }
0x13c: {  	v8 =	vld [tilespmem:s13+$0x50]  }
0x13d: {  	v13 =	vmul.f32 v13, v5;
	v17 =	vmul.f32 v15, v5;
	v11 =	vld [tilespmem:s13+$0x40]  }
0x13e: {  	v15 =	vmul.f32 v12, v5;
	v16 =	vmul.f32 v10, v3;
	v12 =	vld [tilespmem:s13+$0x60]  }
0x13f: {  	[tilespmem:s13+$0xFFFFFF80] =	vst v13;
	v13 =	vmul.f32 v14, v5;
	v10 =	vmul.f32 v18, v3;
	v14 =	vld [tilespmem:s13+$0x70]  }
0x140: {  	[tilespmem:s9+$0xFFFFFF90] =	vst v17  }
0x141: {  	[tilespmem:s9+$0x0] =	vst v16  }
0x142: {  	[tilespmem:s9+$0xFFFFFFE0] =	vst v15  }
0x143: {  	v6 =	vmul.f32 v6, v5;
	[tilespmem:s9+$0xFFFFFFD0] =	vst v13  }
0x144: {  	v2 =	vmul.f32 v2, v5;
	[tilespmem:s9+$0x20] =	vst v10  }
0x145: {  	v1 =	vmul.f32 v1, v5;
	[tilespmem:s9+$0xFFFFFFC0] =	vst v6  }
0x146: {  	v6 =	vmul.f32 v7, v3;
	[tilespmem:s9+$0xFFFFFFA0] =	vst v2  }
0x147: {  	v2 =	vmul.f32 v4, v5;
	[tilespmem:s9+$0xFFFFFFF0] =	vst v1  }
0x148: {  	v1 =	vmul.f32 v9, v3;
	[tilespmem:s9+$0x30] =	vst v6  }
0x149: {  	v4 =	vmul.f32 v14, v3;
	[tilespmem:s9+$0xFFFFFFB0] =	vst v2  }
0x14a: {  	v2 =	vmul.f32 v12, v3;
	[tilespmem:s9+$0x10] =	vst v1  }
0x14b: {  	[tilespmem:s9+$0x70] =	vst v4;
	v4 =	vmul.f32 v11, v3  }
0x14c: {  	[tilespmem:s9+$0x60] =	vst v2;
	v2 =	vmul.f32 v8, v3  }
0x14d: {  	[tilespmem:s9+$0x40] =	vst v4  }
0x14e: {  	s15 =	simm.s32 $0x300;
	s10 =	simm.s32 $0x1B80;
	[tilespmem:s9+$0x50] =	vst v2  }
0x14f: {  	[spmem:s2] =	stream.indirect.scatter.add.f32 [tilespmem:s10], [sflag:$0xC], $0x80, s15, s31, $0x2000b8;
	[tilespmem:$0x1A780] =	vst v63  }
0x150: {  	_ =	swait.ge [sflag:s17], $0x1400  }
0x151: {  	p0 =	seq.s32 s21, $0x31;
	s9 =	rddreg [dreg:$0x11]  }
0x152: {  	s9 =	sadd.s32 @!p0 s22, s9  }
0x153: {  	[sflag:s17] =	ssyncset.done $0x0;
	s9 =	sshrl.u32 @!p0 s9, $0x3  }
0x154: {  	s13 =	simm.s32 @!p0 $0x0;
	[sflag:s17] =	ssyncadd.s32 $0xFFFFEC00;
	s10 =	sadd.s32 @!p0 s1, s9  }
0x155: {  	[tilespmem:s13], [sflag:$0x1] =	stream.linear.gather @!p0 [hbm4b:s10+s13], $0x28, $0x200038;
	[tilespmem:$0x1A780] =	vst v63  }
0x156: {  	s15 =	simm.s32 @!p0 $0x280;
	s10 =	sadd.s32 @!p0 $0x9C40, s10  }
0x157: {  	[tilespmem:s15], [sflag:$0x1] =	stream.linear.gather @!p0 [hbm4b:s10+s13], $0x28, $0x200038;
	[tilespmem:$0x1A780] =	vst v63  }
0x158: {  	s9 =	sadd.s32 @!p0 s6, s9;
	s10 =	simm.s32 @!p0 $0x500  }
0x159: {  	[tilespmem:s10], [sflag:$0x1] =	stream.linear.gather @!p0 [hbm4b:s9+s13], $0x28, $0x200038;
	[tilespmem:$0x1A780] =	vst v63  }
0x15a: {  	_ =	swait.ge [sflag:s25], $0x28  }
0x15b: {  	[sflag:s25] =	ssyncset.done $0x0  }
0x15c: {  	[sflag:s25] =	ssyncadd.s32 $0xFFFFFFD8  }
0x15d: {  	_ =	swait.ge [sflag:s25], $0x28  }
0x15e: {  	[sflag:s25] =	ssyncset.done $0x0  }
0x15f: {  	[sflag:s25] =	ssyncadd.s32 $0xFFFFFFD8  }
0x160: {  	_ =	swait.ge [sflag:s25], $0x28  }
0x161: {  	[sflag:s25] =	ssyncset.done $0x0  }
0x162: {  	s13 =	simm.s32 $0x200;
	[sflag:s25] =	ssyncadd.s32 $0xFFFFFFD8  }
0x163: {  	[tilespmem:s28], [sflag:$0xA] =	stream.indirect.gather [hbm4b:s5+s31], $0x80, s13, s31, $0x2000b8;
	[tilespmem:$0x1A780] =	vst v63  }
0x164: {  	_ =	swait.ge [sflag:s0], $0x1400  }
0x165: {  	[sflag:s0] =	ssyncset.done $0x0  }
0x166: {  	s9 =	simm.s32 $0x3000;
	[sflag:s0] =	ssyncadd.s32 $0xFFFFEC00  }
0x167: {  	v1 =	vld [tilespmem:s9+$0xFFFFFFF0]  }
0x168: {  	v10 =	vld [tilespmem:s9+$0xFFFFFF80]  }
0x169: {  	v2 =	vld [tilespmem:s9+$0xFFFFFFA0]  }
0x16a: {  	s15 =	simm.s32 $0x0;
	v6 =	vld [tilespmem:s9+$0xFFFFFFC0]  }
0x16b: {  	v3 =	vmov s15;
	v12 =	vld [tilespmem:s9+$0x0]  }
0x16c: {  	v8 =	vor.u32 $0x1, v3;
	v11 =	vld [tilespmem:s9+$0xFFFFFF90]  }
0x16d: {  	v4 =	vld [tilespmem:s9+$0xFFFFFFB0]  }
0x16e: {  	v7 =	vld [tilespmem:s9+$0x30]  }
0x16f: {  	v13 =	vld [tilespmem:s9+$0xFFFFFFE0]  }
0x170: {  	v5 =	vld.idx.msk [tilespmem:v3+s26+$0x0], $0xffff  }
0x171: {  	v3 =	vld.idx.msk [tilespmem:v8+s26+$0x0], $0xffff  }
0x172: {  	v14 =	vld [tilespmem:s9+$0xFFFFFFD0]  }
0x173: {  	v18 =	vld [tilespmem:s9+$0x20]  }
0x174: {  	v9 =	vld [tilespmem:s9+$0x10]  }
0x175: {  	v8 =	vld [tilespmem:s9+$0x50]  }
0x176: {  	v10 =	vmul.f32 v10, v5;
	v17 =	vmul.f32 v11, v5;
	v11 =	vld [tilespmem:s9+$0x40]  }
0x177: {  	v15 =	vmul.f32 v13, v5;
	v16 =	vmul.f32 v12, v3;
	v12 =	vld [tilespmem:s9+$0x60]  }
0x178: {  	s10 =	simm.s32 $0x2;
	s13 =	simm.s32 $0x3000;
	v13 =	vmul.f32 v14, v5;
	v14 =	vld [tilespmem:s9+$0x70];
	[tilespmem:s9+$0xFFFFFF80] =	vst v10;
	v10 =	vmul.f32 v18, v3  }
.LBB2_9:
0x179: {  	p1 =	sne.s32 s10, $0x26  }
0x17a: {  	[tilespmem:s9+$0xFFFFFF90] =	vst v17;
	v6 =	vmul.f32 v6, v5;
	v9 =	vmul.f32 v9, v3;
	s13 =	sadd.s32 $0x100, s13;
	s15 =	smov.u32 s10;
	s10 =	sadd.s32 $0x2, s10  }
0x17b: {  	v2 =	vmul.f32 v2, v5;
	[tilespmem:s9+$0x0] =	vst v16;
	v8 =	vmul.f32 v8, v3  }
0x17c: {  	v7 =	vmul.f32 v7, v3;
	[tilespmem:s9+$0xFFFFFFE0] =	vst v15;
	v11 =	vmul.f32 v11, v3  }
0x17d: {  	v4 =	vmul.f32 v4, v5;
	[tilespmem:s9+$0xFFFFFFC0] =	vst v6;
	v12 =	vmul.f32 v12, v3  }
0x17e: {  	v5 =	vmul.f32 v1, v5;
	[tilespmem:s9+$0xFFFFFFA0] =	vst v2;
	v3 =	vmul.f32 v14, v3  }
0x17f: {  	[tilespmem:s9+$0xFFFFFFD0] =	vst v13  }
0x180: {  	v1 =	vld [tilespmem:s13+$0xFFFFFFF0];
	[tilespmem:s9+$0x30] =	vst v7  }
0x181: {  	v13 =	vld [tilespmem:s13+$0xFFFFFF80];
	[tilespmem:s9+$0xFFFFFFB0] =	vst v4  }
0x182: {  	v2 =	vld [tilespmem:s13+$0xFFFFFFA0];
	[tilespmem:s9+$0x20] =	vst v10  }
0x183: {  	v6 =	vld [tilespmem:s13+$0xFFFFFFC0];
	[tilespmem:s9+$0x70] =	vst v3  }
0x184: {  	v3 =	vmov s15;
	v10 =	vld [tilespmem:s13+$0x0];
	[tilespmem:s9+$0xFFFFFFF0] =	vst v5  }
0x185: {  	v14 =	vor.u32 $0x1, v3;
	v15 =	vld [tilespmem:s13+$0xFFFFFF90];
	[tilespmem:s9+$0x60] =	vst v12  }
0x186: {  	v4 =	vld [tilespmem:s13+$0xFFFFFFB0];
	[tilespmem:s9+$0x40] =	vst v11  }
0x187: {  	v7 =	vld [tilespmem:s13+$0x30];
	[tilespmem:s9+$0x10] =	vst v9  }
0x188: {  	v12 =	vld [tilespmem:s13+$0xFFFFFFE0];
	[tilespmem:s9+$0x50] =	vst v8;
	s9 =	smov.u32 s13  }
0x189: {  	v5 =	vld.idx.msk [tilespmem:v3+s26+$0x0], $0xffff  }
0x18a: {  	v3 =	vld.idx.msk [tilespmem:v14+s26+$0x0], $0xffff  }
0x18b: {  	v14 =	vld [tilespmem:s13+$0xFFFFFFD0]  }
0x18c: {  	v18 =	vld [tilespmem:s13+$0x20]  }
.Ltmp3:
0x18d: {  	v9 =	vld [tilespmem:s13+$0x10];
	(pc) =	sbr.rel @p1 .LBB2_9-.Ltmp3, $4  }
0x18e: {  	v8 =	vld [tilespmem:s13+$0x50]  }
0x18f: {  	v13 =	vmul.f32 v13, v5;
	v17 =	vmul.f32 v15, v5;
	v11 =	vld [tilespmem:s13+$0x40]  }
0x190: {  	v15 =	vmul.f32 v12, v5;
	v16 =	vmul.f32 v10, v3;
	v12 =	vld [tilespmem:s13+$0x60]  }
0x191: {  	[tilespmem:s13+$0xFFFFFF80] =	vst v13;
	v13 =	vmul.f32 v14, v5;
	v10 =	vmul.f32 v18, v3;
	v14 =	vld [tilespmem:s13+$0x70]  }
0x192: {  	[tilespmem:s9+$0xFFFFFF90] =	vst v17  }
0x193: {  	[tilespmem:s9+$0x0] =	vst v16  }
0x194: {  	[tilespmem:s9+$0xFFFFFFE0] =	vst v15  }
0x195: {  	v6 =	vmul.f32 v6, v5;
	[tilespmem:s9+$0xFFFFFFD0] =	vst v13  }
0x196: {  	v2 =	vmul.f32 v2, v5;
	[tilespmem:s9+$0x20] =	vst v10  }
0x197: {  	v1 =	vmul.f32 v1, v5;
	[tilespmem:s9+$0xFFFFFFC0] =	vst v6  }
0x198: {  	v6 =	vmul.f32 v7, v3;
	[tilespmem:s9+$0xFFFFFFA0] =	vst v2  }
0x199: {  	v2 =	vmul.f32 v4, v5;
	[tilespmem:s9+$0xFFFFFFF0] =	vst v1  }
0x19a: {  	v1 =	vmul.f32 v9, v3;
	[tilespmem:s9+$0x30] =	vst v6  }
0x19b: {  	v4 =	vmul.f32 v14, v3;
	[tilespmem:s9+$0xFFFFFFB0] =	vst v2  }
0x19c: {  	v2 =	vmul.f32 v12, v3;
	[tilespmem:s9+$0x10] =	vst v1  }
0x19d: {  	[tilespmem:s9+$0x70] =	vst v4;
	v4 =	vmul.f32 v11, v3  }
0x19e: {  	[tilespmem:s9+$0x60] =	vst v2;
	v2 =	vmul.f32 v8, v3  }
0x19f: {  	[tilespmem:s9+$0x40] =	vst v4  }
0x1a0: {  	s13 =	simm.s32 $0x380;
	s10 =	simm.s32 $0x2F80;
	[tilespmem:s9+$0x50] =	vst v2  }
0x1a1: {  	[spmem:s2] =	stream.indirect.scatter.add.f32 [tilespmem:s10], [sflag:$0xD], $0x80, s13, s31, $0x2000b8;
	[tilespmem:$0x1A780] =	vst v63  }
0x1a2: {  	_ =	swait.ge [sflag:s8], $0x1400  }
0x1a3: {  	s9 =	rddreg [dreg:$0x12]  }
0x1a4: {  	s9 =	sadd.s32 @!p0 s22, s9  }
0x1a5: {  	s15 =	simm.s32 @!p0 $0x80;
	[sflag:s8] =	ssyncset.done $0x0;
	s9 =	sshrl.u32 @!p0 s9, $0x3  }
0x1a6: {  	s13 =	simm.s32 @!p0 $0x0;
	[sflag:s8] =	ssyncadd.s32 $0xFFFFEC00;
	s10 =	sadd.s32 @!p0 s1, s9  }
0x1a7: {  	[tilespmem:s15], [sflag:$0x2] =	stream.linear.gather @!p0 [hbm4b:s10+s13], $0x28, $0x200038;
	[tilespmem:$0x1A780] =	vst v63  }
0x1a8: {  	s10 =	sadd.s32 @!p0 $0x9C40, s10;
	s15 =	simm.s32 @!p0 $0x300  }
0x1a9: {  	[tilespmem:s15], [sflag:$0x2] =	stream.linear.gather @!p0 [hbm4b:s10+s13], $0x28, $0x200038;
	[tilespmem:$0x1A780] =	vst v63  }
0x1aa: {  	s9 =	sadd.s32 @!p0 s6, s9;
	s10 =	simm.s32 @!p0 $0x580  }
0x1ab: {  	[tilespmem:s10], [sflag:$0x2] =	stream.linear.gather @!p0 [hbm4b:s9+s13], $0x28, $0x200038;
	[tilespmem:$0x1A780] =	vst v63  }
0x1ac: {  	s9 =	simm.s32 @!p0 $0x1  }
0x1ad: {  	_ =	swait.ge @!p0 [sflag:s9], $0x28  }
0x1ae: {  	[sflag:s9] =	ssyncset.done @!p0 $0x0  }
0x1af: {  	[sflag:s9] =	ssyncadd.s32 @!p0 $0xFFFFFFD8  }
0x1b0: {  	_ =	swait.ge @!p0 [sflag:s9], $0x28  }
0x1b1: {  	[sflag:s9] =	ssyncset.done @!p0 $0x0  }
0x1b2: {  	[sflag:s9] =	ssyncadd.s32 @!p0 $0xFFFFFFD8  }
0x1b3: {  	_ =	swait.ge @!p0 [sflag:s9], $0x28  }
0x1b4: {  	[sflag:s9] =	ssyncset.done @!p0 $0x0  }
0x1b5: {  	s10 =	simm.s32 @!p0 $0x780;
	[sflag:s9] =	ssyncadd.s32 @!p0 $0xFFFFFFD8;
	s9 =	simm.s32 @!p0 $0x28  }
0x1b6: {  	[tilespmem:s10], [sflag:$0x6] =	stream.indirect.gather @!p0 [hbm4b:s5+s9], $0x80, s13, s9, $0x2000b8;
	[tilespmem:$0x1A780] =	vst v63  }
0x1b7: {  	_ =	swait.ge [sflag:s29], $0x1400  }
0x1b8: {  	[sflag:s29] =	ssyncset.done $0x0  }
0x1b9: {  	s9 =	simm.s32 $0x4400;
	[sflag:s29] =	ssyncadd.s32 $0xFFFFEC00  }
0x1ba: {  	v1 =	vld [tilespmem:s9+$0xFFFFFFF0]  }
0x1bb: {  	v10 =	vld [tilespmem:s9+$0xFFFFFF80]  }
0x1bc: {  	v2 =	vld [tilespmem:s9+$0xFFFFFFA0]  }
0x1bd: {  	s15 =	simm.s32 $0x0;
	v6 =	vld [tilespmem:s9+$0xFFFFFFC0]  }
0x1be: {  	v3 =	vmov s15;
	v12 =	vld [tilespmem:s9+$0x0]  }
0x1bf: {  	v8 =	vor.u32 $0x1, v3;
	v11 =	vld [tilespmem:s9+$0xFFFFFF90]  }
0x1c0: {  	v4 =	vld [tilespmem:s9+$0xFFFFFFB0]  }
0x1c1: {  	v7 =	vld [tilespmem:s9+$0x30]  }
0x1c2: {  	v13 =	vld [tilespmem:s9+$0xFFFFFFE0]  }
0x1c3: {  	v5 =	vld.idx.msk [tilespmem:v3+s11+$0x0], $0xffff  }
0x1c4: {  	v3 =	vld.idx.msk [tilespmem:v8+s11+$0x0], $0xffff  }
0x1c5: {  	v14 =	vld [tilespmem:s9+$0xFFFFFFD0]  }
0x1c6: {  	v18 =	vld [tilespmem:s9+$0x20]  }
0x1c7: {  	v9 =	vld [tilespmem:s9+$0x10]  }
0x1c8: {  	v8 =	vld [tilespmem:s9+$0x50]  }
0x1c9: {  	v10 =	vmul.f32 v10, v5;
	v17 =	vmul.f32 v11, v5;
	v11 =	vld [tilespmem:s9+$0x40]  }
0x1ca: {  	v15 =	vmul.f32 v13, v5;
	v16 =	vmul.f32 v12, v3;
	v12 =	vld [tilespmem:s9+$0x60]  }
0x1cb: {  	s10 =	simm.s32 $0x2;
	s13 =	simm.s32 $0x4400;
	v13 =	vmul.f32 v14, v5;
	v14 =	vld [tilespmem:s9+$0x70];
	[tilespmem:s9+$0xFFFFFF80] =	vst v10;
	v10 =	vmul.f32 v18, v3  }
.LBB2_11:
0x1cc: {  	p1 =	sne.s32 s10, $0x26  }
0x1cd: {  	[tilespmem:s9+$0xFFFFFF90] =	vst v17;
	v6 =	vmul.f32 v6, v5;
	v9 =	vmul.f32 v9, v3;
	s13 =	sadd.s32 $0x100, s13;
	s15 =	smov.u32 s10;
	s10 =	sadd.s32 $0x2, s10  }
0x1ce: {  	v2 =	vmul.f32 v2, v5;
	[tilespmem:s9+$0x0] =	vst v16;
	v8 =	vmul.f32 v8, v3  }
0x1cf: {  	v7 =	vmul.f32 v7, v3;
	[tilespmem:s9+$0xFFFFFFE0] =	vst v15;
	v11 =	vmul.f32 v11, v3  }
0x1d0: {  	v4 =	vmul.f32 v4, v5;
	[tilespmem:s9+$0xFFFFFFC0] =	vst v6;
	v12 =	vmul.f32 v12, v3  }
0x1d1: {  	v5 =	vmul.f32 v1, v5;
	[tilespmem:s9+$0xFFFFFFA0] =	vst v2;
	v3 =	vmul.f32 v14, v3  }
0x1d2: {  	[tilespmem:s9+$0xFFFFFFD0] =	vst v13  }
0x1d3: {  	v1 =	vld [tilespmem:s13+$0xFFFFFFF0];
	[tilespmem:s9+$0x30] =	vst v7  }
0x1d4: {  	v13 =	vld [tilespmem:s13+$0xFFFFFF80];
	[tilespmem:s9+$0xFFFFFFB0] =	vst v4  }
0x1d5: {  	v2 =	vld [tilespmem:s13+$0xFFFFFFA0];
	[tilespmem:s9+$0x20] =	vst v10  }
0x1d6: {  	v6 =	vld [tilespmem:s13+$0xFFFFFFC0];
	[tilespmem:s9+$0x70] =	vst v3  }
0x1d7: {  	v3 =	vmov s15;
	v10 =	vld [tilespmem:s13+$0x0];
	[tilespmem:s9+$0xFFFFFFF0] =	vst v5  }
0x1d8: {  	v14 =	vor.u32 $0x1, v3;
	v15 =	vld [tilespmem:s13+$0xFFFFFF90];
	[tilespmem:s9+$0x60] =	vst v12  }
0x1d9: {  	v4 =	vld [tilespmem:s13+$0xFFFFFFB0];
	[tilespmem:s9+$0x40] =	vst v11  }
0x1da: {  	v7 =	vld [tilespmem:s13+$0x30];
	[tilespmem:s9+$0x10] =	vst v9  }
0x1db: {  	v12 =	vld [tilespmem:s13+$0xFFFFFFE0];
	[tilespmem:s9+$0x50] =	vst v8;
	s9 =	smov.u32 s13  }
0x1dc: {  	v5 =	vld.idx.msk [tilespmem:v3+s11+$0x0], $0xffff  }
0x1dd: {  	v3 =	vld.idx.msk [tilespmem:v14+s11+$0x0], $0xffff  }
0x1de: {  	v14 =	vld [tilespmem:s13+$0xFFFFFFD0]  }
0x1df: {  	v18 =	vld [tilespmem:s13+$0x20]  }
.Ltmp4:
0x1e0: {  	v9 =	vld [tilespmem:s13+$0x10];
	(pc) =	sbr.rel @p1 .LBB2_11-.Ltmp4, $4  }
0x1e1: {  	v8 =	vld [tilespmem:s13+$0x50]  }
0x1e2: {  	v13 =	vmul.f32 v13, v5;
	v17 =	vmul.f32 v15, v5;
	v11 =	vld [tilespmem:s13+$0x40]  }
0x1e3: {  	v15 =	vmul.f32 v12, v5;
	v16 =	vmul.f32 v10, v3;
	v12 =	vld [tilespmem:s13+$0x60]  }
0x1e4: {  	[tilespmem:s13+$0xFFFFFF80] =	vst v13;
	v13 =	vmul.f32 v14, v5;
	v10 =	vmul.f32 v18, v3;
	v14 =	vld [tilespmem:s13+$0x70]  }
0x1e5: {  	[tilespmem:s9+$0xFFFFFF90] =	vst v17  }
0x1e6: {  	[tilespmem:s9+$0x0] =	vst v16  }
0x1e7: {  	[tilespmem:s9+$0xFFFFFFE0] =	vst v15  }
0x1e8: {  	v6 =	vmul.f32 v6, v5;
	[tilespmem:s9+$0xFFFFFFD0] =	vst v13  }
0x1e9: {  	v2 =	vmul.f32 v2, v5;
	[tilespmem:s9+$0x20] =	vst v10  }
0x1ea: {  	v1 =	vmul.f32 v1, v5;
	[tilespmem:s9+$0xFFFFFFC0] =	vst v6  }
0x1eb: {  	v6 =	vmul.f32 v7, v3;
	[tilespmem:s9+$0xFFFFFFA0] =	vst v2  }
0x1ec: {  	v2 =	vmul.f32 v4, v5;
	[tilespmem:s9+$0xFFFFFFF0] =	vst v1  }
0x1ed: {  	v1 =	vmul.f32 v9, v3;
	[tilespmem:s9+$0x30] =	vst v6  }
0x1ee: {  	v4 =	vmul.f32 v14, v3;
	[tilespmem:s9+$0xFFFFFFB0] =	vst v2  }
0x1ef: {  	v2 =	vmul.f32 v12, v3;
	[tilespmem:s9+$0x10] =	vst v1  }
0x1f0: {  	[tilespmem:s9+$0x70] =	vst v4;
	v4 =	vmul.f32 v11, v3  }
0x1f1: {  	[tilespmem:s9+$0x60] =	vst v2;
	v2 =	vmul.f32 v8, v3  }
0x1f2: {  	[tilespmem:s9+$0x40] =	vst v4  }
0x1f3: {  	s15 =	simm.s32 $0x400;
	[tilespmem:s9+$0x50] =	vst v2  }
0x1f4: {  	[spmem:s2] =	stream.indirect.scatter.add.f32 [tilespmem:s14], [sflag:$0xE], $0x80, s15, s31, $0x2000b8;
	[tilespmem:$0x1A780] =	vst v63  }
0x1f5: {  	_ =	swait.ge [sflag:s18], $0x1400  }
0x1f6: {  	s9 =	rddreg [dreg:$0x13]  }
0x1f7: {  	s9 =	sadd.s32 @!p0 s22, s9  }
0x1f8: {  	s13 =	simm.s32 @!p0 $0x0;
	[sflag:s18] =	ssyncset.done $0x0;
	s9 =	sshrl.u32 @!p0 s9, $0x3  }
0x1f9: {  	s15 =	simm.s32 @!p0 $0x100;
	[sflag:s18] =	ssyncadd.s32 $0xFFFFEC00;
	s10 =	sadd.s32 @!p0 s1, s9  }
0x1fa: {  	[tilespmem:s15], [sflag:$0x3] =	stream.linear.gather @!p0 [hbm4b:s10+s13], $0x28, $0x200038;
	[tilespmem:$0x1A780] =	vst v63  }
0x1fb: {  	s10 =	sadd.s32 @!p0 $0x9C40, s10;
	s15 =	simm.s32 @!p0 $0x380  }
0x1fc: {  	[tilespmem:s15], [sflag:$0x3] =	stream.linear.gather @!p0 [hbm4b:s10+s13], $0x28, $0x200038;
	[tilespmem:$0x1A780] =	vst v63  }
0x1fd: {  	s9 =	sadd.s32 @!p0 s6, s9;
	s10 =	simm.s32 @!p0 $0x600  }
0x1fe: {  	[tilespmem:s10], [sflag:$0x3] =	stream.linear.gather @!p0 [hbm4b:s9+s13], $0x28, $0x200038;
	[tilespmem:$0x1A780] =	vst v63  }
0x1ff: {  	s9 =	simm.s32 @!p0 $0x2  }
0x200: {  	_ =	swait.ge @!p0 [sflag:s9], $0x28  }
0x201: {  	[sflag:s9] =	ssyncset.done @!p0 $0x0  }
0x202: {  	[sflag:s9] =	ssyncadd.s32 @!p0 $0xFFFFFFD8  }
0x203: {  	_ =	swait.ge @!p0 [sflag:s9], $0x28  }
0x204: {  	[sflag:s9] =	ssyncset.done @!p0 $0x0  }
0x205: {  	[sflag:s9] =	ssyncadd.s32 @!p0 $0xFFFFFFD8  }
0x206: {  	_ =	swait.ge @!p0 [sflag:s9], $0x28  }
0x207: {  	s10 =	simm.s32 @!p0 $0x80;
	[sflag:s9] =	ssyncset.done @!p0 $0x0  }
0x208: {  	s13 =	simm.s32 @!p0 $0x1B80;
	[sflag:s9] =	ssyncadd.s32 @!p0 $0xFFFFFFD8;
	s9 =	simm.s32 @!p0 $0x28  }
0x209: {  	[tilespmem:s13], [sflag:$0x7] =	stream.indirect.gather @!p0 [hbm4b:s5+s9], $0x80, s10, s9, $0x2000b8;
	[tilespmem:$0x1A780] =	vst v63  }
0x20a: {  	_ =	swait.ge [sflag:s19], $0x1400  }
0x20b: {  	[sflag:s19] =	ssyncset.done $0x0  }
0x20c: {  	s9 =	simm.s32 $0x5800;
	[sflag:s19] =	ssyncadd.s32 $0xFFFFEC00  }
0x20d: {  	v1 =	vld [tilespmem:s9+$0xFFFFFFF0]  }
0x20e: {  	v10 =	vld [tilespmem:s9+$0xFFFFFF80]  }
0x20f: {  	v2 =	vld [tilespmem:s9+$0xFFFFFFA0]  }
0x210: {  	s22 =	simm.s32 $0x0;
	v6 =	vld [tilespmem:s9+$0xFFFFFFC0]  }
0x211: {  	v3 =	vmov s22;
	v12 =	vld [tilespmem:s9+$0x0]  }
0x212: {  	v8 =	vor.u32 $0x1, v3;
	v11 =	vld [tilespmem:s9+$0xFFFFFF90]  }
0x213: {  	v4 =	vld [tilespmem:s9+$0xFFFFFFB0]  }
0x214: {  	v7 =	vld [tilespmem:s9+$0x30]  }
0x215: {  	v13 =	vld [tilespmem:s9+$0xFFFFFFE0]  }
0x216: {  	v5 =	vld.idx.msk [tilespmem:v3+s30+$0x0], $0xffff  }
0x217: {  	v3 =	vld.idx.msk [tilespmem:v8+s30+$0x0], $0xffff  }
0x218: {  	v14 =	vld [tilespmem:s9+$0xFFFFFFD0]  }
0x219: {  	v18 =	vld [tilespmem:s9+$0x20]  }
0x21a: {  	v9 =	vld [tilespmem:s9+$0x10]  }
0x21b: {  	v8 =	vld [tilespmem:s9+$0x50]  }
0x21c: {  	v10 =	vmul.f32 v10, v5;
	v17 =	vmul.f32 v11, v5;
	v11 =	vld [tilespmem:s9+$0x40]  }
0x21d: {  	v15 =	vmul.f32 v13, v5;
	v16 =	vmul.f32 v12, v3;
	v12 =	vld [tilespmem:s9+$0x60]  }
0x21e: {  	s10 =	simm.s32 $0x2;
	s13 =	simm.s32 $0x5800;
	v13 =	vmul.f32 v14, v5;
	v14 =	vld [tilespmem:s9+$0x70];
	[tilespmem:s9+$0xFFFFFF80] =	vst v10;
	v10 =	vmul.f32 v18, v3  }
.LBB2_13:
0x21f: {  	p0 =	sne.s32 s10, $0x26  }
0x220: {  	[tilespmem:s9+$0xFFFFFF90] =	vst v17;
	v6 =	vmul.f32 v6, v5;
	v9 =	vmul.f32 v9, v3;
	s13 =	sadd.s32 $0x100, s13;
	s15 =	smov.u32 s10;
	s10 =	sadd.s32 $0x2, s10  }
0x221: {  	v2 =	vmul.f32 v2, v5;
	[tilespmem:s9+$0x0] =	vst v16;
	v8 =	vmul.f32 v8, v3  }
0x222: {  	v7 =	vmul.f32 v7, v3;
	[tilespmem:s9+$0xFFFFFFE0] =	vst v15;
	v11 =	vmul.f32 v11, v3  }
0x223: {  	v4 =	vmul.f32 v4, v5;
	[tilespmem:s9+$0xFFFFFFC0] =	vst v6;
	v12 =	vmul.f32 v12, v3  }
0x224: {  	v5 =	vmul.f32 v1, v5;
	[tilespmem:s9+$0xFFFFFFA0] =	vst v2;
	v3 =	vmul.f32 v14, v3  }
0x225: {  	[tilespmem:s9+$0xFFFFFFD0] =	vst v13  }
0x226: {  	v1 =	vld [tilespmem:s13+$0xFFFFFFF0];
	[tilespmem:s9+$0x30] =	vst v7  }
0x227: {  	v13 =	vld [tilespmem:s13+$0xFFFFFF80];
	[tilespmem:s9+$0xFFFFFFB0] =	vst v4  }
0x228: {  	v2 =	vld [tilespmem:s13+$0xFFFFFFA0];
	[tilespmem:s9+$0x20] =	vst v10  }
0x229: {  	v6 =	vld [tilespmem:s13+$0xFFFFFFC0];
	[tilespmem:s9+$0x70] =	vst v3  }
0x22a: {  	v3 =	vmov s15;
	v10 =	vld [tilespmem:s13+$0x0];
	[tilespmem:s9+$0xFFFFFFF0] =	vst v5  }
0x22b: {  	v14 =	vor.u32 $0x1, v3;
	v15 =	vld [tilespmem:s13+$0xFFFFFF90];
	[tilespmem:s9+$0x60] =	vst v12  }
0x22c: {  	v4 =	vld [tilespmem:s13+$0xFFFFFFB0];
	[tilespmem:s9+$0x40] =	vst v11  }
0x22d: {  	v7 =	vld [tilespmem:s13+$0x30];
	[tilespmem:s9+$0x10] =	vst v9  }
0x22e: {  	v12 =	vld [tilespmem:s13+$0xFFFFFFE0];
	[tilespmem:s9+$0x50] =	vst v8;
	s9 =	smov.u32 s13  }
0x22f: {  	v5 =	vld.idx.msk [tilespmem:v3+s30+$0x0], $0xffff  }
0x230: {  	v3 =	vld.idx.msk [tilespmem:v14+s30+$0x0], $0xffff  }
0x231: {  	v14 =	vld [tilespmem:s13+$0xFFFFFFD0]  }
0x232: {  	v18 =	vld [tilespmem:s13+$0x20]  }
.Ltmp5:
0x233: {  	v9 =	vld [tilespmem:s13+$0x10];
	(pc) =	sbr.rel @p0 .LBB2_13-.Ltmp5, $4  }
0x234: {  	v8 =	vld [tilespmem:s13+$0x50]  }
0x235: {  	v13 =	vmul.f32 v13, v5;
	v17 =	vmul.f32 v15, v5;
	v11 =	vld [tilespmem:s13+$0x40]  }
0x236: {  	v15 =	vmul.f32 v12, v5;
	v16 =	vmul.f32 v10, v3;
	v12 =	vld [tilespmem:s13+$0x60]  }
0x237: {  	[tilespmem:s13+$0xFFFFFF80] =	vst v13;
	v13 =	vmul.f32 v14, v5;
	v10 =	vmul.f32 v18, v3;
	v14 =	vld [tilespmem:s13+$0x70]  }
0x238: {  	[tilespmem:s9+$0xFFFFFF90] =	vst v17  }
0x239: {  	[tilespmem:s9+$0x0] =	vst v16  }
0x23a: {  	[tilespmem:s9+$0xFFFFFFE0] =	vst v15  }
0x23b: {  	v6 =	vmul.f32 v6, v5;
	[tilespmem:s9+$0xFFFFFFD0] =	vst v13  }
0x23c: {  	v2 =	vmul.f32 v2, v5;
	[tilespmem:s9+$0x20] =	vst v10  }
0x23d: {  	v61 =	vmul.f32 v7, v3;
	[tilespmem:s9+$0xFFFFFFC0] =	vst v6  }
0x23e: {  	v1 =	vmul.f32 v1, v5;
	[tilespmem:s9+$0xFFFFFFA0] =	vst v2  }
0x23f: {  	v2 =	vmul.f32 v4, v5;
	[tilespmem:s9+$0x30] =	vst v61  }
0x240: {  	v63 =	vmul.f32 v11, v3;
	[tilespmem:s9+$0xFFFFFFF0] =	vst v1  }
0x241: {  	s21 =	sadd.s32 $0x1, s21;
	v1 =	vmul.f32 v9, v3;
	[tilespmem:s9+$0xFFFFFFB0] =	vst v2  }
0x242: {  	p0 =	sne.s32 s21, $0x32;
	v2 =	vmul.f32 v12, v3;
	[tilespmem:s9+$0x40] =	vst v63  }
.Ltmp6:
0x243: {  	v62 =	vmul.f32 v14, v3;
	[tilespmem:s9+$0x10] =	vst v1;
	(pc) =	sbr.rel @p0 .LBB2_4-.Ltmp6, $4  }
0x244: {  	[tilespmem:s9+$0x60] =	vst v2;
	v2 =	vmul.f32 v8, v3  }
0x245: {  	[tilespmem:s9+$0x70] =	vst v62  }
0x246: {  	[tilespmem:s9+$0x50] =	vst v2  }
0x247: {  	[spmem:s2] =	stream.indirect.scatter.add.f32 [tilespmem:s28], [sflag:$0xF], $0x80, s4, s31, $0x2000b8;
	[tilespmem:$0x1A780] =	vst v63  }
0x248: {  	s9 =	simm.s32 $0xE  }
0x249: {  	_ =	swait.ge [sflag:s9], $0x1400  }
0x24a: {  	[sflag:s9] =	ssyncset.done $0x0  }
0x24b: {  	s15 =	simm.s32 $0xF;
	[sflag:s9] =	ssyncadd.s32 $0xFFFFEC00  }
0x24c: {  	_ =	swait.ge [sflag:s15], $0x1400  }
0x24d: {  	[sflag:s15] =	ssyncset.done $0x0  }
0x24e: {  	[sflag:s15] =	ssyncadd.s32 $0xFFFFEC00  }
0x24f: {  	_ =	strace $0x9000004C  }
0x250: {  	_ =	strace $0x8000004D  }
0x251: {  	s20 =	stileid.u32;
	[bflag:$0x0] =	sbarrier.arrive $0xFFFF  }
0x252: {  	s9 =	sshll.u32 s20, $0x6;
	s20 =	simm.s32 $0x10;
	s13 =	rddreg [dreg:$0xc]  }
0x253: {  	s9 =	sor.u32 $0x1C10, s9;
	s15 =	rddreg [dreg:$0x14];
	s10 =	sshrl.u32 s13, $0x3  }
0x254: {  	[hbm:s15], [sflag:s9] =	dma.local [spmem:s10], $0x2780  }
0x255: {  	_ =	swait.ge [sflag:s20], $0x2780  }
0x256: {  	s21 =	sld [smem:$0x7F9];
	_ =	sdelay $0x2  }
0x257: {  	s22 =	rddreg [dreg:$0x15];
	s10 =	sadd.s32 $0x1, s21  }
0x258: {  	p0 =	sne.s32 s10, s22  }
.Ltmp7:
0x259: {  	_ = 	snop;
	(pc) =	sbr.rel @p0 .LBB2_1-.Ltmp7, $4  }
0x25a: {  	_ = 	snop  }
0x25b: {  	[sflag:s20] =	ssyncset.done $0x0  }
0x25c: {  	[sflag:s20] =	ssyncadd.s32 $0xFFFFD880  }
0x25d: {  	_ =	strace $0x9000004D;
	s21 =	simm.s32 $0x80  }
0x25e: {  	_ =	sfence.sel $0x180000  }
0x25f: {  	[bflag:$0x0] =	sbarrier.arrive $0xFFFF  }
0x260: {  	_ =	strace $0x9000004A  }
0x261: {  	s0 =	stileid.u32;
	[bflag:$0x2] =	sbarrier.arrive $0xFFFF  }
0x262: {  	p0 =	sne.s32 s0, $0x0;
	s0 =	rddreg [dreg:$0x3]  }
0x263: {  	s0 =	sadd.s32 @!p0 $0x100000, s0  }
0x264: {  	[sflag:s0] =	ssyncadd.tile.s32 @!p0 $0x1;
	_ =	shalt  }
.Lfunc_end2:
_tile_overlayer_lowered:
.L_overlay_start_2:
0x265: {  	(tag) =	ssettag $0x2  }
0x266: {  	s0 =	rddreg [dreg:$0x0];
	s2 =	stileid.u32  }
0x267: {  	s1 =	rddreg [dreg:$0x1];
	p0 =	sne.s32 s2, $0x0  }
0x268: {  	s3 =	rddreg [dreg:$0x2];
	[bflag:$0x3] =	sbarrier.arrive $0xFFFF;
	s2 =	simm.s32 @!p0 $0x1C10  }
0x269: {  	[timem:s3], [sflag:s2] =	dma.local @!p0 [hbm:s0], s1  }
0x26a: {  	s0 =	simm.s32 @!p0 $0x10  }
0x26b: {  	_ =	swait.ge @!p0 [sflag:s0], s1  }
0x26c: {  	s1 =	ssub.s32 @!p0 $0x0, s1;
	[sflag:s0] =	ssyncset.done @!p0 $0x0  }
0x26d: {  	[sflag:s0] =	ssyncadd.s32 @!p0 s1  }
0x26e: {  	[bflag:$0x3] =	sbarrier.arrive $0xFFFF  }
0x26f: {  	_ =	shalt  }

</sc_bundles>
